<compile_context>
chip_gen: v7x
topology: tpu7x:2x2x1
jax: 0.10.2.dev20260603
libtpu: 0.0.44.dev20260713+nightly
codegen_flags: <defaults>
</compile_context>

<pallas_src>
import jax
import jax.numpy as jnp
from jax import lax
from jax.experimental import pallas as pl
from jax.experimental.pallas import tpu as pltpu
from jax.experimental.pallas import tpu_sc as plsc


def _build_sc_kernel(B, N, SPECIAL, K, D, NUM_EDGE, NUM_SPATIAL):
    NS = N + SPECIAL
    NW = 32
    rows_per_w = (B * N) // NW
    brows_per_w = (B * SPECIAL) // NW
    LQ = D // 16

    mesh = plsc.VectorSubcoreMesh(core_axis_name="c", subcore_axis_name="s")

    @jax.jit
    def run(sp, ef4, W_edge, W_spd, W_vnode):
        @pl.kernel(
            out_type=jax.ShapeDtypeStruct((B, NS, NS, D), jnp.float32),
            mesh=mesh,
            compiler_params=pltpu.CompilerParams(use_tc_tiling_on_sc=False),
            scratch_types=[
                pltpu.VMEM((2, N), jnp.int32),
                pltpu.VMEM((2, K, N), jnp.int32),
                pltpu.VMEM((2, N, D), jnp.float32),
                pltpu.VMEM((2, K * N, D), jnp.float32),
                pltpu.VMEM((2, NS, D), jnp.float32),
                pltpu.VMEM((NS, D), jnp.float32),
                pltpu.VMEM((1, D), jnp.float32),
                pltpu.VMEM_SHARED((NUM_SPATIAL, D), jnp.float32),
                pltpu.VMEM_SHARED((NUM_EDGE, D), jnp.float32),
                pltpu.SemaphoreType.DMA,
                pltpu.SemaphoreType.DMA,
                pltpu.SemaphoreType.DMA,
                pltpu.SemaphoreType.DMA,
                pltpu.SemaphoreType.DMA,
                pltpu.SemaphoreType.DMA,
            ],
        )
        def k(sp_hbm, ef_hbm, we_hbm, ws_hbm, wv_hbm, out_hbm,
              spv2, efv2, bufs2, bufe2, acc2, vrow, vnv, ws_sh, we_sh,
              sem_i0, sem_i1, sem_g0, sem_g1, sem_o0, sem_o1):
            sid = lax.axis_index("s")
            wid = sid * 2 + lax.axis_index("c")
            sem_i = (sem_i0, sem_i1)
            sem_g = (sem_g0, sem_g1)
            sem_o = (sem_o0, sem_o1)

            def row_bi(g):
                r = wid * rows_per_w + g
                b = r // N
                return b, r - b * N

            def issue_idx(g, p):
                b, i = row_bi(g)
                pltpu.async_copy(sp_hbm.at[b, i], spv2.at[p], sem_i[p])
                pltpu.async_copy(ef_hbm.at[b, i], efv2.at[p], sem_i[p])

            def wait_idx(p):
                pltpu.make_async_copy(sp_hbm.at[0, 0], spv2.at[p], sem_i[p]).wait()
                pltpu.make_async_copy(ef_hbm.at[0, 0], efv2.at[p], sem_i[p]).wait()

            def issue_gathers(p):
                pltpu.async_copy(ws_sh.at[spv2.at[p]], bufs2.at[p], sem_g[p])
                for c in range(K):
                    pltpu.async_copy(we_sh.at[efv2.at[p].at[c]],
                                     bufe2.at[p].at[pl.ds(c * N, N)], sem_g[p])

            def wait_gathers(p):
                pltpu.make_async_copy(ws_sh.at[spv2.at[p]], bufs2.at[p],
                                      sem_g[p]).wait()
                for c in range(K):
                    pltpu.make_async_copy(we_sh.at[efv2.at[p].at[c]],
                                          bufe2.at[p].at[pl.ds(c * N, N)],
                                          sem_g[p]).wait()

            def combine_out(g, p):
                bufe = bufe2.at[p]
                bufs = bufs2.at[p]
                acc = acc2.at[p]

                @plsc.parallel_loop(0, N, unroll=4)
                def _(j):
                    t0 = j * K
                    a = j + SPECIAL
                    for q in range(LQ):
                        s = pl.ds(q * 16, 16)
                        e = bufe[t0, s] + bufe[t0 + 1, s] + bufe[t0 + 2, s]
                        acc[a, s] = bufs[j, s] + e * (1.0 / 3.0)

                b, i = row_bi(g)
                pltpu.async_copy(acc2.at[p], out_hbm.at[b, i + SPECIAL], sem_o[p])

            def wait_out(p):
                pltpu.make_async_copy(acc2.at[p], out_hbm.at[0, 0], sem_o[p]).wait()

            pltpu.sync_copy(ws_hbm.at[pl.ds(sid * (NUM_SPATIAL // 16), NUM_SPATIAL // 16)],
                            ws_sh.at[pl.ds(sid * (NUM_SPATIAL // 16), NUM_SPATIAL // 16)])
            pltpu.sync_copy(we_hbm.at[pl.ds(sid * (NUM_EDGE // 16), NUM_EDGE // 16)],
                            we_sh.at[pl.ds(sid * (NUM_EDGE // 16), NUM_EDGE // 16)])
            plsc.subcore_barrier()

            pltpu.async_copy(wv_hbm, vnv, sem_i0).wait()

            @plsc.parallel_loop(0, NS, unroll=4)
            def _(r):
                for q in range(LQ):
                    s = pl.ds(q * 16, 16)
                    vrow[r, s] = vnv[0, s]

            @plsc.parallel_loop(0, SPECIAL)
            def _(r):
                for q in range(LQ):
                    s = pl.ds(q * 16, 16)
                    acc2[0, r, s] = vnv[0, s]
                    acc2[1, r, s] = vnv[0, s]

            for p in range(brows_per_w):
                r2 = wid * brows_per_w + p
                b2 = r2 // SPECIAL
                i2 = r2 - b2 * SPECIAL
                pltpu.async_copy(vrow, out_hbm.at[b2, i2], sem_o[p])

            issue_idx(0, 0)
            issue_idx(1, 1)
            wait_idx(0)
            issue_gathers(0)

            @pl.loop(0, rows_per_w, step=2)
            def _(g0):
                g2 = (g0 + 2) % rows_per_w
                g3 = (g0 + 3) % rows_per_w
                wait_idx(1)
                issue_gathers(1)
                wait_gathers(0)
                issue_idx(g2, 0)
                wait_out(0)
                combine_out(g0, 0)
                wait_gathers(1)
                wait_idx(0)
                issue_gathers(0)
                issue_idx(g3, 1)
                wait_out(1)
                combine_out(g0 + 1, 1)

            wait_gathers(0)
            wait_idx(1)
            wait_out(0)
            wait_out(1)

        return k(sp, ef4, W_edge, W_spd, W_vnode)

    return run


def kernel(shortest_path, edge_feat, seg_feat, graph_attn_bias, W_edge, W_spd, W_vnode):
    B, N, _ = shortest_path.shape
    K = edge_feat.shape[-1]
    SPECIAL = 2 + seg_feat.shape[1]
    D = W_vnode.shape[-1]
    ef4 = edge_feat.reshape(B, N, K, N)
    run = _build_sc_kernel(B, N, SPECIAL, K, D, W_edge.shape[0], W_spd.shape[0])
    return run(shortest_path, ef4, W_edge, W_spd, W_vnode)

# --- scband reference (transcript-rebuilt; emitter-appended) ---
"""Pipeline reference for scband-edge-feature-plus-22067541966978 (READ-ONLY COPY).

The authoritative reference and input builder live on the scoring server;
editing this copy changes nothing except your own understanding.
"""

import jax, jax.numpy as jnp
import numpy as np

B = 16
N = 128
K = 3
N_SEG = 2
SPECIAL = 2 + N_SEG
PAIR_DIM = 64
NUM_EDGE = 1024
NUM_SPATIAL = 512


def setup_inputs(seed: int = 0) -> dict:
    key = jax.random.key(seed)
    k1, k2, k3, k4, k5, k6 = jax.random.split(key, 6)
    shortest_path = jax.random.randint(k1, (B, N, N), 0, 512, dtype=jnp.int32)
    edge_feat = jax.random.randint(k2, (B, N, N, K), 0, 1024, dtype=jnp.int32)
    seg_feat = jnp.zeros((B, N_SEG), dtype=jnp.float32)
    graph_attn_bias = jax.random.normal(k3, (B, N + SPECIAL, N + SPECIAL, PAIR_DIM), dtype=jnp.float32)
    W_edge = jax.random.normal(k4, (NUM_EDGE, PAIR_DIM), dtype=jnp.float32) * 0.02
    W_edge = W_edge.at[0].set(0.0)  # padding_idx=0
    W_spd = jax.random.normal(k5, (NUM_SPATIAL, PAIR_DIM), dtype=jnp.float32) * 0.02
    W_spd = W_spd.at[0].set(0.0)  # padding_idx=0
    W_vnode = jax.random.normal(k6, (1, PAIR_DIM), dtype=jnp.float32) * 0.02
    return {
        "shortest_path": shortest_path,
        "edge_feat": edge_feat,
        "seg_feat": seg_feat,
        "graph_attn_bias": graph_attn_bias,
        "W_edge": W_edge,
        "W_spd": W_spd,
        "W_vnode": W_vnode,
    }


def reference(shortest_path, edge_feat, seg_feat, graph_attn_bias, W_edge, W_spd, W_vnode):
    # shortest_path = clamp(shortest_path, max=511)
    sp = jnp.clip(shortest_path, None, 511)
    n_seg = seg_feat.shape[1]
    special_len = 1 + 1 + n_seg
    pair_dim = W_vnode.shape[-1]
    # atom_bias = spd_encoder(sp) + edge_encoder(edge_feat).mean(-2)   (wo_spd=False, wo_edge=False)
    spd_bias = jnp.take(W_spd, sp, axis=0)                       # [B, N, N, pair_dim]
    edge_bias = jnp.take(W_edge, edge_feat, axis=0).mean(axis=-2)  # [B, N, N, pair_dim]
    atom_bias = spd_bias + edge_bias
    gab = graph_attn_bias.at[:, special_len:, special_len:, :].set(atom_bias)
    t = W_vnode.reshape(1, 1, pair_dim)
    gab = gab.at[:, :special_len, :, :].set(t)
    gab = gab.at[:, :, :special_len, :].set(t)
    return gab

if __name__ == "__main__":
    import jax
    _d = setup_inputs()
    print(jax.jit(kernel)(*tuple(_d.values())))

</pallas_src>

<mosaic_0001>
#map = affine_map<(d0, d1) -> (0, 0, 0)>
#map1 = affine_map<(d0, d1) -> (0, 0, 0, 0)>
#map2 = affine_map<(d0, d1) -> (0, 0)>
module attributes {stable_mosaic.version = 14 : i64} {
  func.func @k(%arg0: i32, %arg1: i32, %arg2: memref<16x128x128xi32, #tpu.memory_space<hbm>>, %arg3: memref<16x128x3x128xi32, #tpu.memory_space<hbm>>, %arg4: memref<1024x64xf32, #tpu.memory_space<hbm>>, %arg5: memref<512x64xf32, #tpu.memory_space<hbm>>, %arg6: memref<1x64xf32, #tpu.memory_space<hbm>>, %arg7: memref<16x132x132x64xf32, #tpu.memory_space<hbm>>, %arg8: memref<2x128xi32, #tpu.memory_space<vmem>>, %arg9: memref<2x3x128xi32, #tpu.memory_space<vmem>>, %arg10: memref<2x128x64xf32, #tpu.memory_space<vmem>>, %arg11: memref<2x384x64xf32, #tpu.memory_space<vmem>>, %arg12: memref<2x132x64xf32, #tpu.memory_space<vmem>>, %arg13: memref<132x64xf32, #tpu.memory_space<vmem>>, %arg14: memref<1x64xf32, #tpu.memory_space<vmem>>, %arg15: memref<512x64xf32, #tpu.memory_space<vmem_shared>>, %arg16: memref<1024x64xf32, #tpu.memory_space<vmem_shared>>, %arg17: memref<!tpu.dma_semaphore, #tpu.memory_space<semaphore_mem>>, %arg18: memref<!tpu.dma_semaphore, #tpu.memory_space<semaphore_mem>>, %arg19: memref<!tpu.dma_semaphore, #tpu.memory_space<semaphore_mem>>, %arg20: memref<!tpu.dma_semaphore, #tpu.memory_space<semaphore_mem>>, %arg21: memref<!tpu.dma_semaphore, #tpu.memory_space<semaphore_mem>>, %arg22: memref<!tpu.dma_semaphore, #tpu.memory_space<semaphore_mem>>) attributes {dimension_semantics = [#tpu.dimension_semantics<core_parallel>, #tpu.dimension_semantics<subcore_parallel>], iteration_bounds = array<i64: 2, 16>, scalar_prefetch = 0 : i64, scratch_operands = 15 : i64, tpu.core_type = #tpu.core_type<sc_vector_subcore>, window_params = [{transform_indices = #map}, {transform_indices = #map1}, {transform_indices = #map2}, {transform_indices = #map2}, {transform_indices = #map2}, {transform_indices = #map1}]} {
    %mul3A = arith.constant 2 : i32
    %mul3A_0 = arith.muli %arg1, %mul3A : i32
    %add3A = arith.addi %mul3A_0, %arg0 : i32
    %mul3A_1 = arith.constant 32 : i32
    %mul3A_2 = arith.muli %arg1, %mul3A_1 : i32
    %mul3A_3 = arith.constant 32 : i32
    %mul3A_4 = arith.muli %arg1, %mul3A_3 : i32
    "tpu.region"() ({
      %run_scoped3A = tpu.sem_alloc : memref<!tpu.dma_semaphore, #tpu.memory_space<semaphore_mem>>
      %dma_start3A_458 = arith.constant 0 : i32
      %dma_start3A_459 = tpu.memref_slice %arg15[%mul3A_4, %dma_start3A_458] : memref<512x64xf32, #tpu.memory_space<vmem_shared>> -> memref<32x64xf32, #tpu.memory_space<vmem_shared>>
      %dma_start3A_460 = arith.constant 0 : i32
      %dma_start3A_461 = tpu.memref_slice %arg5[%mul3A_2, %dma_start3A_460] : memref<512x64xf32, #tpu.memory_space<hbm>> -> memref<32x64xf32, #tpu.memory_space<hbm>>
      tpu.enqueue_dma source(%dma_start3A_461 : memref<32x64xf32, #tpu.memory_space<hbm>>) target(%dma_start3A_459 : memref<32x64xf32, #tpu.memory_space<vmem_shared>>) target_semaphore(%run_scoped3A : memref<!tpu.dma_semaphore, #tpu.memory_space<semaphore_mem>>)
      %dma_wait3A_462 = arith.constant 0 : i32
      %dma_wait3A_463 = tpu.memref_slice %arg15[%mul3A_4, %dma_wait3A_462] : memref<512x64xf32, #tpu.memory_space<vmem_shared>> -> memref<32x64xf32, #tpu.memory_space<vmem_shared>>
      %dma_wait3A_464 = arith.constant 0 : i32
      %dma_wait3A_465 = tpu.memref_slice %arg5[%mul3A_2, %dma_wait3A_464] : memref<512x64xf32, #tpu.memory_space<hbm>> -> memref<32x64xf32, #tpu.memory_space<hbm>>
      tpu.wait_dma2 semaphore(%run_scoped3A : memref<!tpu.dma_semaphore, #tpu.memory_space<semaphore_mem>>) src(%dma_wait3A_465 : memref<32x64xf32, #tpu.memory_space<hbm>>) dst(%dma_wait3A_463 : memref<32x64xf32, #tpu.memory_space<vmem_shared>>)
      tpu.yield
    }) : () -> ()
    %mul3A_5 = arith.constant 64 : i32
    %mul3A_6 = arith.muli %arg1, %mul3A_5 : i32
    %mul3A_7 = arith.constant 64 : i32
    %mul3A_8 = arith.muli %arg1, %mul3A_7 : i32
    "tpu.region"() ({
      %run_scoped3A = tpu.sem_alloc : memref<!tpu.dma_semaphore, #tpu.memory_space<semaphore_mem>>
      %dma_start3A_458 = arith.constant 0 : i32
      %dma_start3A_459 = tpu.memref_slice %arg16[%mul3A_8, %dma_start3A_458] : memref<1024x64xf32, #tpu.memory_space<vmem_shared>> -> memref<64x64xf32, #tpu.memory_space<vmem_shared>>
      %dma_start3A_460 = arith.constant 0 : i32
      %dma_start3A_461 = tpu.memref_slice %arg4[%mul3A_6, %dma_start3A_460] : memref<1024x64xf32, #tpu.memory_space<hbm>> -> memref<64x64xf32, #tpu.memory_space<hbm>>
      tpu.enqueue_dma source(%dma_start3A_461 : memref<64x64xf32, #tpu.memory_space<hbm>>) target(%dma_start3A_459 : memref<64x64xf32, #tpu.memory_space<vmem_shared>>) target_semaphore(%run_scoped3A : memref<!tpu.dma_semaphore, #tpu.memory_space<semaphore_mem>>)
      %dma_wait3A_462 = arith.constant 0 : i32
      %dma_wait3A_463 = tpu.memref_slice %arg16[%mul3A_8, %dma_wait3A_462] : memref<1024x64xf32, #tpu.memory_space<vmem_shared>> -> memref<64x64xf32, #tpu.memory_space<vmem_shared>>
      %dma_wait3A_464 = arith.constant 0 : i32
      %dma_wait3A_465 = tpu.memref_slice %arg4[%mul3A_6, %dma_wait3A_464] : memref<1024x64xf32, #tpu.memory_space<hbm>> -> memref<64x64xf32, #tpu.memory_space<hbm>>
      tpu.wait_dma2 semaphore(%run_scoped3A : memref<!tpu.dma_semaphore, #tpu.memory_space<semaphore_mem>>) src(%dma_wait3A_465 : memref<64x64xf32, #tpu.memory_space<hbm>>) dst(%dma_wait3A_463 : memref<64x64xf32, #tpu.memory_space<vmem_shared>>)
      tpu.yield
    }) : () -> ()
    %barrier3A = arith.constant 0 : index
    tpu.barrier barrier_id(%barrier3A)
    tpu.enqueue_dma source(%arg6 : memref<1x64xf32, #tpu.memory_space<hbm>>) target(%arg14 : memref<1x64xf32, #tpu.memory_space<vmem>>) target_semaphore(%arg17 : memref<!tpu.dma_semaphore, #tpu.memory_space<semaphore_mem>>)
    tpu.wait_dma2 semaphore(%arg17 : memref<!tpu.dma_semaphore, #tpu.memory_space<semaphore_mem>>) src(%arg6 : memref<1x64xf32, #tpu.memory_space<hbm>>) dst(%arg14 : memref<1x64xf32, #tpu.memory_space<vmem>>)
    %parallel_loop3A = arith.constant 0 : i32
    %parallel_loop3A_9 = arith.constant 132 : i32
    %parallel_loop3A_10 = arith.constant 1 : i32
    scf.for %parallel_loop3A_458 = %parallel_loop3A to %parallel_loop3A_9 step %parallel_loop3A_10  : i32 {
      %parallel_loop3A_459 = arith.constant 0 : i32
      %parallel_loop3A_460 = arith.index_cast %parallel_loop3A_459 : i32 to index
      %parallel_loop3A_461 = arith.constant 0 : index
      %parallel_loop3A_462 = tpu.vector_load %arg14[%parallel_loop3A_460, %parallel_loop3A_461] {strides = array<i32>} : memref<1x64xf32, #tpu.memory_space<vmem>>, vector<1x16xf32>,
      %parallel_loop3A_463 = vector.shape_cast %parallel_loop3A_462 : vector<1x16xf32> to vector<16xf32>
      %parallel_loop3A_464 = arith.index_cast %parallel_loop3A_458 : i32 to index
      %parallel_loop3A_465 = arith.constant 0 : index
      %parallel_loop3A_466 = tpu.vector_load %arg13[%parallel_loop3A_464, %parallel_loop3A_465] {strides = array<i32>} : memref<132x64xf32, #tpu.memory_space<vmem>>, vector<1x16xf32>,
      %parallel_loop3A_467 = vector.shape_cast %parallel_loop3A_466 : vector<1x16xf32> to vector<16xf32>
      %parallel_loop3A_468 = vector.shape_cast %parallel_loop3A_463 : vector<16xf32> to vector<1x16xf32>
      tpu.vector_store %arg13[%parallel_loop3A_464, %parallel_loop3A_465], %parallel_loop3A_468 {strides = array<i32>} : memref<132x64xf32, #tpu.memory_space<vmem>>, vector<1x16xf32>,
      %parallel_loop3A_469 = arith.constant 0 : i32
      %parallel_loop3A_470 = arith.index_cast %parallel_loop3A_469 : i32 to index
      %parallel_loop3A_471 = arith.constant 16 : index
      %parallel_loop3A_472 = tpu.vector_load %arg14[%parallel_loop3A_470, %parallel_loop3A_471] {strides = array<i32>} : memref<1x64xf32, #tpu.memory_space<vmem>>, vector<1x16xf32>,
      %parallel_loop3A_473 = vector.shape_cast %parallel_loop3A_472 : vector<1x16xf32> to vector<16xf32>
      %parallel_loop3A_474 = arith.index_cast %parallel_loop3A_458 : i32 to index
      %parallel_loop3A_475 = arith.constant 16 : index
      %parallel_loop3A_476 = tpu.vector_load %arg13[%parallel_loop3A_474, %parallel_loop3A_475] {strides = array<i32>} : memref<132x64xf32, #tpu.memory_space<vmem>>, vector<1x16xf32>,
      %parallel_loop3A_477 = vector.shape_cast %parallel_loop3A_476 : vector<1x16xf32> to vector<16xf32>
      %parallel_loop3A_478 = vector.shape_cast %parallel_loop3A_473 : vector<16xf32> to vector<1x16xf32>
      tpu.vector_store %arg13[%parallel_loop3A_474, %parallel_loop3A_475], %parallel_loop3A_478 {strides = array<i32>} : memref<132x64xf32, #tpu.memory_space<vmem>>, vector<1x16xf32>,
      %parallel_loop3A_479 = arith.constant 0 : i32
      %parallel_loop3A_480 = arith.index_cast %parallel_loop3A_479 : i32 to index
      %parallel_loop3A_481 = arith.constant 32 : index
      %parallel_loop3A_482 = tpu.vector_load %arg14[%parallel_loop3A_480, %parallel_loop3A_481] {strides = array<i32>} : memref<1x64xf32, #tpu.memory_space<vmem>>, vector<1x16xf32>,
      %parallel_loop3A_483 = vector.shape_cast %parallel_loop3A_482 : vector<1x16xf32> to vector<16xf32>
      %parallel_loop3A_484 = arith.index_cast %parallel_loop3A_458 : i32 to index
      %parallel_loop3A_485 = arith.constant 32 : index
      %parallel_loop3A_486 = tpu.vector_load %arg13[%parallel_loop3A_484, %parallel_loop3A_485] {strides = array<i32>} : memref<132x64xf32, #tpu.memory_space<vmem>>, vector<1x16xf32>,
      %parallel_loop3A_487 = vector.shape_cast %parallel_loop3A_486 : vector<1x16xf32> to vector<16xf32>
      %parallel_loop3A_488 = vector.shape_cast %parallel_loop3A_483 : vector<16xf32> to vector<1x16xf32>
      tpu.vector_store %arg13[%parallel_loop3A_484, %parallel_loop3A_485], %parallel_loop3A_488 {strides = array<i32>} : memref<132x64xf32, #tpu.memory_space<vmem>>, vector<1x16xf32>,
      %parallel_loop3A_489 = arith.constant 0 : i32
      %parallel_loop3A_490 = arith.index_cast %parallel_loop3A_489 : i32 to index
      %parallel_loop3A_491 = arith.constant 48 : index
      %parallel_loop3A_492 = tpu.vector_load %arg14[%parallel_loop3A_490, %parallel_loop3A_491] {strides = array<i32>} : memref<1x64xf32, #tpu.memory_space<vmem>>, vector<1x16xf32>,
      %parallel_loop3A_493 = vector.shape_cast %parallel_loop3A_492 : vector<1x16xf32> to vector<16xf32>
      %parallel_loop3A_494 = arith.index_cast %parallel_loop3A_458 : i32 to index
      %parallel_loop3A_495 = arith.constant 48 : index
      %parallel_loop3A_496 = tpu.vector_load %arg13[%parallel_loop3A_494, %parallel_loop3A_495] {strides = array<i32>} : memref<132x64xf32, #tpu.memory_space<vmem>>, vector<1x16xf32>,
      %parallel_loop3A_497 = vector.shape_cast %parallel_loop3A_496 : vector<1x16xf32> to vector<16xf32>
      %parallel_loop3A_498 = vector.shape_cast %parallel_loop3A_493 : vector<16xf32> to vector<1x16xf32>
      tpu.vector_store %arg13[%parallel_loop3A_494, %parallel_loop3A_495], %parallel_loop3A_498 {strides = array<i32>} : memref<132x64xf32, #tpu.memory_space<vmem>>, vector<1x16xf32>,
    } {sc.loop_unroll_factor = 4 : i64, sc.parallel_access}
    %parallel_loop3A_11 = arith.constant 0 : i32
    %parallel_loop3A_12 = arith.constant 4 : i32
    %parallel_loop3A_13 = arith.constant 1 : i32
    scf.for %parallel_loop3A_458 = %parallel_loop3A_11 to %parallel_loop3A_12 step %parallel_loop3A_13  : i32 {
      %parallel_loop3A_459 = arith.constant 0 : i32
      %parallel_loop3A_460 = arith.index_cast %parallel_loop3A_459 : i32 to index
      %parallel_loop3A_461 = arith.constant 0 : index
      %parallel_loop3A_462 = tpu.vector_load %arg14[%parallel_loop3A_460, %parallel_loop3A_461] {strides = array<i32>} : memref<1x64xf32, #tpu.memory_space<vmem>>, vector<1x16xf32>,
      %parallel_loop3A_463 = vector.shape_cast %parallel_loop3A_462 : vector<1x16xf32> to vector<16xf32>
      %parallel_loop3A_464 = arith.constant 0 : i32
      %parallel_loop3A_465 = arith.index_cast %parallel_loop3A_464 : i32 to index
      %parallel_loop3A_466 = arith.index_cast %parallel_loop3A_458 : i32 to index
      %parallel_loop3A_467 = arith.constant 0 : index
      %parallel_loop3A_468 = tpu.vector_load %arg12[%parallel_loop3A_465, %parallel_loop3A_466, %parallel_loop3A_467] {strides = array<i32>} : memref<2x132x64xf32, #tpu.memory_space<vmem>>, vector<1x1x16xf32>,
      %parallel_loop3A_469 = vector.shape_cast %parallel_loop3A_468 : vector<1x1x16xf32> to vector<16xf32>
      %parallel_loop3A_470 = vector.shape_cast %parallel_loop3A_463 : vector<16xf32> to vector<1x1x16xf32>
      tpu.vector_store %arg12[%parallel_loop3A_465, %parallel_loop3A_466, %parallel_loop3A_467], %parallel_loop3A_470 {strides = array<i32>} : memref<2x132x64xf32, #tpu.memory_space<vmem>>, vector<1x1x16xf32>,
      %parallel_loop3A_471 = arith.constant 0 : i32
      %parallel_loop3A_472 = arith.index_cast %parallel_loop3A_471 : i32 to index
      %parallel_loop3A_473 = arith.constant 0 : index
      %parallel_loop3A_474 = tpu.vector_load %arg14[%parallel_loop3A_472, %parallel_loop3A_473] {strides = array<i32>} : memref<1x64xf32, #tpu.memory_space<vmem>>, vector<1x16xf32>,
      %parallel_loop3A_475 = vector.shape_cast %parallel_loop3A_474 : vector<1x16xf32> to vector<16xf32>
      %parallel_loop3A_476 = arith.constant 1 : i32
      %parallel_loop3A_477 = arith.index_cast %parallel_loop3A_476 : i32 to index
      %parallel_loop3A_478 = arith.index_cast %parallel_loop3A_458 : i32 to index
      %parallel_loop3A_479 = arith.constant 0 : index
      %parallel_loop3A_480 = tpu.vector_load %arg12[%parallel_loop3A_477, %parallel_loop3A_478, %parallel_loop3A_479] {strides = array<i32>} : memref<2x132x64xf32, #tpu.memory_space<vmem>>, vector<1x1x16xf32>,
      %parallel_loop3A_481 = vector.shape_cast %parallel_loop3A_480 : vector<1x1x16xf32> to vector<16xf32>
      %parallel_loop3A_482 = vector.shape_cast %parallel_loop3A_475 : vector<16xf32> to vector<1x1x16xf32>
      tpu.vector_store %arg12[%parallel_loop3A_477, %parallel_loop3A_478, %parallel_loop3A_479], %parallel_loop3A_482 {strides = array<i32>} : memref<2x132x64xf32, #tpu.memory_space<vmem>>, vector<1x1x16xf32>,
      %parallel_loop3A_483 = arith.constant 0 : i32
      %parallel_loop3A_484 = arith.index_cast %parallel_loop3A_483 : i32 to index
      %parallel_loop3A_485 = arith.constant 16 : index
      %parallel_loop3A_486 = tpu.vector_load %arg14[%parallel_loop3A_484, %parallel_loop3A_485] {strides = array<i32>} : memref<1x64xf32, #tpu.memory_space<vmem>>, vector<1x16xf32>,
      %parallel_loop3A_487 = vector.shape_cast %parallel_loop3A_486 : vector<1x16xf32> to vector<16xf32>
      %parallel_loop3A_488 = arith.constant 0 : i32
      %parallel_loop3A_489 = arith.index_cast %parallel_loop3A_488 : i32 to index
      %parallel_loop3A_490 = arith.index_cast %parallel_loop3A_458 : i32 to index
      %parallel_loop3A_491 = arith.constant 16 : index
      %parallel_loop3A_492 = tpu.vector_load %arg12[%parallel_loop3A_489, %parallel_loop3A_490, %parallel_loop3A_491] {strides = array<i32>} : memref<2x132x64xf32, #tpu.memory_space<vmem>>, vector<1x1x16xf32>,
      %parallel_loop3A_493 = vector.shape_cast %parallel_loop3A_492 : vector<1x1x16xf32> to vector<16xf32>
      %parallel_loop3A_494 = vector.shape_cast %parallel_loop3A_487 : vector<16xf32> to vector<1x1x16xf32>
      tpu.vector_store %arg12[%parallel_loop3A_489, %parallel_loop3A_490, %parallel_loop3A_491], %parallel_loop3A_494 {strides = array<i32>} : memref<2x132x64xf32, #tpu.memory_space<vmem>>, vector<1x1x16xf32>,
      %parallel_loop3A_495 = arith.constant 0 : i32
      %parallel_loop3A_496 = arith.index_cast %parallel_loop3A_495 : i32 to index
      %parallel_loop3A_497 = arith.constant 16 : index
      %parallel_loop3A_498 = tpu.vector_load %arg14[%parallel_loop3A_496, %parallel_loop3A_497] {strides = array<i32>} : memref<1x64xf32, #tpu.memory_space<vmem>>, vector<1x16xf32>,
      %parallel_loop3A_499 = vector.shape_cast %parallel_loop3A_498 : vector<1x16xf32> to vector<16xf32>
      %parallel_loop3A_500 = arith.constant 1 : i32
      %parallel_loop3A_501 = arith.index_cast %parallel_loop3A_500 : i32 to index
      %parallel_loop3A_502 = arith.index_cast %parallel_loop3A_458 : i32 to index
      %parallel_loop3A_503 = arith.constant 16 : index
      %parallel_loop3A_504 = tpu.vector_load %arg12[%parallel_loop3A_501, %parallel_loop3A_502, %parallel_loop3A_503] {strides = array<i32>} : memref<2x132x64xf32, #tpu.memory_space<vmem>>, vector<1x1x16xf32>,
      %parallel_loop3A_505 = vector.shape_cast %parallel_loop3A_504 : vector<1x1x16xf32> to vector<16xf32>
      %parallel_loop3A_506 = vector.shape_cast %parallel_loop3A_499 : vector<16xf32> to vector<1x1x16xf32>
      tpu.vector_store %arg12[%parallel_loop3A_501, %parallel_loop3A_502, %parallel_loop3A_503], %parallel_loop3A_506 {strides = array<i32>} : memref<2x132x64xf32, #tpu.memory_space<vmem>>, vector<1x1x16xf32>,
      %parallel_loop3A_507 = arith.constant 0 : i32
      %parallel_loop3A_508 = arith.index_cast %parallel_loop3A_507 : i32 to index
      %parallel_loop3A_509 = arith.constant 32 : index
      %parallel_loop3A_510 = tpu.vector_load %arg14[%parallel_loop3A_508, %parallel_loop3A_509] {strides = array<i32>} : memref<1x64xf32, #tpu.memory_space<vmem>>, vector<1x16xf32>,
      %parallel_loop3A_511 = vector.shape_cast %parallel_loop3A_510 : vector<1x16xf32> to vector<16xf32>
      %parallel_loop3A_512 = arith.constant 0 : i32
      %parallel_loop3A_513 = arith.index_cast %parallel_loop3A_512 : i32 to index
      %parallel_loop3A_514 = arith.index_cast %parallel_loop3A_458 : i32 to index
      %parallel_loop3A_515 = arith.constant 32 : index
      %parallel_loop3A_516 = tpu.vector_load %arg12[%parallel_loop3A_513, %parallel_loop3A_514, %parallel_loop3A_515] {strides = array<i32>} : memref<2x132x64xf32, #tpu.memory_space<vmem>>, vector<1x1x16xf32>,
      %parallel_loop3A_517 = vector.shape_cast %parallel_loop3A_516 : vector<1x1x16xf32> to vector<16xf32>
      %parallel_loop3A_518 = vector.shape_cast %parallel_loop3A_511 : vector<16xf32> to vector<1x1x16xf32>
      tpu.vector_store %arg12[%parallel_loop3A_513, %parallel_loop3A_514, %parallel_loop3A_515], %parallel_loop3A_518 {strides = array<i32>} : memref<2x132x64xf32, #tpu.memory_space<vmem>>, vector<1x1x16xf32>,
      %parallel_loop3A_519 = arith.constant 0 : i32
      %parallel_loop3A_520 = arith.index_cast %parallel_loop3A_519 : i32 to index
      %parallel_loop3A_521 = arith.constant 32 : index
      %parallel_loop3A_522 = tpu.vector_load %arg14[%parallel_loop3A_520, %parallel_loop3A_521] {strides = array<i32>} : memref<1x64xf32, #tpu.memory_space<vmem>>, vector<1x16xf32>,
      %parallel_loop3A_523 = vector.shape_cast %parallel_loop3A_522 : vector<1x16xf32> to vector<16xf32>
      %parallel_loop3A_524 = arith.constant 1 : i32
      %parallel_loop3A_525 = arith.index_cast %parallel_loop3A_524 : i32 to index
      %parallel_loop3A_526 = arith.index_cast %parallel_loop3A_458 : i32 to index
      %parallel_loop3A_527 = arith.constant 32 : index
      %parallel_loop3A_528 = tpu.vector_load %arg12[%parallel_loop3A_525, %parallel_loop3A_526, %parallel_loop3A_527] {strides = array<i32>} : memref<2x132x64xf32, #tpu.memory_space<vmem>>, vector<1x1x16xf32>,
      %parallel_loop3A_529 = vector.shape_cast %parallel_loop3A_528 : vector<1x1x16xf32> to vector<16xf32>
      %parallel_loop3A_530 = vector.shape_cast %parallel_loop3A_523 : vector<16xf32> to vector<1x1x16xf32>
      tpu.vector_store %arg12[%parallel_loop3A_525, %parallel_loop3A_526, %parallel_loop3A_527], %parallel_loop3A_530 {strides = array<i32>} : memref<2x132x64xf32, #tpu.memory_space<vmem>>, vector<1x1x16xf32>,
      %parallel_loop3A_531 = arith.constant 0 : i32
      %parallel_loop3A_532 = arith.index_cast %parallel_loop3A_531 : i32 to index
      %parallel_loop3A_533 = arith.constant 48 : index
      %parallel_loop3A_534 = tpu.vector_load %arg14[%parallel_loop3A_532, %parallel_loop3A_533] {strides = array<i32>} : memref<1x64xf32, #tpu.memory_space<vmem>>, vector<1x16xf32>,
      %parallel_loop3A_535 = vector.shape_cast %parallel_loop3A_534 : vector<1x16xf32> to vector<16xf32>
      %parallel_loop3A_536 = arith.constant 0 : i32
      %parallel_loop3A_537 = arith.index_cast %parallel_loop3A_536 : i32 to index
      %parallel_loop3A_538 = arith.index_cast %parallel_loop3A_458 : i32 to index
      %parallel_loop3A_539 = arith.constant 48 : index
      %parallel_loop3A_540 = tpu.vector_load %arg12[%parallel_loop3A_537, %parallel_loop3A_538, %parallel_loop3A_539] {strides = array<i32>} : memref<2x132x64xf32, #tpu.memory_space<vmem>>, vector<1x1x16xf32>,
      %parallel_loop3A_541 = vector.shape_cast %parallel_loop3A_540 : vector<1x1x16xf32> to vector<16xf32>
      %parallel_loop3A_542 = vector.shape_cast %parallel_loop3A_535 : vector<16xf32> to vector<1x1x16xf32>
      tpu.vector_store %arg12[%parallel_loop3A_537, %parallel_loop3A_538, %parallel_loop3A_539], %parallel_loop3A_542 {strides = array<i32>} : memref<2x132x64xf32, #tpu.memory_space<vmem>>, vector<1x1x16xf32>,
      %parallel_loop3A_543 = arith.constant 0 : i32
      %parallel_loop3A_544 = arith.index_cast %parallel_loop3A_543 : i32 to index
      %parallel_loop3A_545 = arith.constant 48 : index
      %parallel_loop3A_546 = tpu.vector_load %arg14[%parallel_loop3A_544, %parallel_loop3A_545] {strides = array<i32>} : memref<1x64xf32, #tpu.memory_space<vmem>>, vector<1x16xf32>,
      %parallel_loop3A_547 = vector.shape_cast %parallel_loop3A_546 : vector<1x16xf32> to vector<16xf32>
      %parallel_loop3A_548 = arith.constant 1 : i32
      %parallel_loop3A_549 = arith.index_cast %parallel_loop3A_548 : i32 to index
      %parallel_loop3A_550 = arith.index_cast %parallel_loop3A_458 : i32 to index
      %parallel_loop3A_551 = arith.constant 48 : index
      %parallel_loop3A_552 = tpu.vector_load %arg12[%parallel_loop3A_549, %parallel_loop3A_550, %parallel_loop3A_551] {strides = array<i32>} : memref<2x132x64xf32, #tpu.memory_space<vmem>>, vector<1x1x16xf32>,
      %parallel_loop3A_553 = vector.shape_cast %parallel_loop3A_552 : vector<1x1x16xf32> to vector<16xf32>
      %parallel_loop3A_554 = vector.shape_cast %parallel_loop3A_547 : vector<16xf32> to vector<1x1x16xf32>
      tpu.vector_store %arg12[%parallel_loop3A_549, %parallel_loop3A_550, %parallel_loop3A_551], %parallel_loop3A_554 {strides = array<i32>} : memref<2x132x64xf32, #tpu.memory_space<vmem>>, vector<1x1x16xf32>,
    } {sc.loop_unroll_factor = 1 : i64, sc.parallel_access}
    %mul3A_14 = arith.constant 2 : i32
    %mul3A_15 = arith.muli %add3A, %mul3A_14 : i32
    %add3A_16 = arith.constant 0 : i32
    %add3A_17 = arith.addi %mul3A_15, %add3A_16 : i32
    %jit3A = arith.constant 4 : i32
    %div3A = arith.divsi %add3A_17, %jit3A : i32
    %sign3A = arith.constant 0 : i32
    %sign3A_18 = arith.cmpi sgt, %add3A_17, %sign3A : i32
    %sign3A_19 = arith.extui %sign3A_18 : i1 to i32
    %sign3A_20 = arith.constant 0 : i32
    %sign3A_21 = arith.cmpi slt, %add3A_17, %sign3A_20 : i32
    %sign3A_22 = arith.extui %sign3A_21 : i1 to i32
    %sign3A_23 = arith.subi %sign3A_19, %sign3A_22 : i32
    %sign3A_24 = arith.constant 0 : i32
    %sign3A_25 = arith.cmpi sgt, %jit3A, %sign3A_24 : i32
    %sign3A_26 = arith.extui %sign3A_25 : i1 to i32
    %sign3A_27 = arith.constant 0 : i32
    %sign3A_28 = arith.cmpi slt, %jit3A, %sign3A_27 : i32
    %sign3A_29 = arith.extui %sign3A_28 : i1 to i32
    %sign3A_30 = arith.subi %sign3A_26, %sign3A_29 : i32
    %ne3A = arith.cmpi ne, %sign3A_23, %sign3A_30 : i32
    %rem3A = arith.remsi %add3A_17, %jit3A : i32
    %ne3A_31 = arith.constant 0 : i32
    %ne3A_32 = arith.cmpi ne, %rem3A, %ne3A_31 : i32
    %and3A = arith.andi %ne3A, %ne3A_32 : i1
    %sub3A = arith.constant 1 : i32
    %sub3A_33 = arith.subi %div3A, %sub3A : i32
    %select_n3A = arith.select %and3A, %sub3A_33, %div3A : i32
    %mul3A_34 = arith.constant 4 : i32
    %mul3A_35 = arith.muli %select_n3A, %mul3A_34 : i32
    %sub3A_36 = arith.subi %add3A_17, %mul3A_35 : i32
    %dma_start3A = arith.constant 0 : i32
    %dma_start3A_37 = arith.constant 0 : i32
    %dma_start3A_38 = tpu.memref_slice %arg7[%select_n3A, %sub3A_36, %dma_start3A, %dma_start3A_37] : memref<16x132x132x64xf32, #tpu.memory_space<hbm>> -> memref<1x1x132x64xf32, #tpu.memory_space<hbm>>
    %dma_start3A_39 = tpu.memref_squeeze %dma_start3A_38 : memref<1x1x132x64xf32, #tpu.memory_space<hbm>> -> memref<132x64xf32, #tpu.memory_space<hbm>>
    %dma_start3A_40 = arith.constant 0 : i32
    %dma_start3A_41 = arith.constant 0 : i32
    %dma_start3A_42 = tpu.memref_slice %arg7[%select_n3A, %sub3A_36, %dma_start3A_40, %dma_start3A_41] : memref<16x132x132x64xf32, #tpu.memory_space<hbm>> -> memref<1x1x132x64xf32, #tpu.memory_space<hbm>>
    %dma_start3A_43 = tpu.memref_squeeze %dma_start3A_42 : memref<1x1x132x64xf32, #tpu.memory_space<hbm>> -> memref<132x64xf32, #tpu.memory_space<hbm>>
    tpu.enqueue_dma source(%arg13 : memref<132x64xf32, #tpu.memory_space<vmem>>) target(%dma_start3A_43 : memref<132x64xf32, #tpu.memory_space<hbm>>) target_semaphore(%arg21 : memref<!tpu.dma_semaphore, #tpu.memory_space<semaphore_mem>>)
    %mul3A_44 = arith.constant 2 : i32
    %mul3A_45 = arith.muli %add3A, %mul3A_44 : i32
    %add3A_46 = arith.constant 1 : i32
    %add3A_47 = arith.addi %mul3A_45, %add3A_46 : i32
    %jit3A_48 = arith.constant 4 : i32
    %div3A_49 = arith.divsi %add3A_47, %jit3A_48 : i32
    %sign3A_50 = arith.constant 0 : i32
    %sign3A_51 = arith.cmpi sgt, %add3A_47, %sign3A_50 : i32
    %sign3A_52 = arith.extui %sign3A_51 : i1 to i32
    %sign3A_53 = arith.constant 0 : i32
    %sign3A_54 = arith.cmpi slt, %add3A_47, %sign3A_53 : i32
    %sign3A_55 = arith.extui %sign3A_54 : i1 to i32
    %sign3A_56 = arith.subi %sign3A_52, %sign3A_55 : i32
    %sign3A_57 = arith.constant 0 : i32
    %sign3A_58 = arith.cmpi sgt, %jit3A_48, %sign3A_57 : i32
    %sign3A_59 = arith.extui %sign3A_58 : i1 to i32
    %sign3A_60 = arith.constant 0 : i32
    %sign3A_61 = arith.cmpi slt, %jit3A_48, %sign3A_60 : i32
    %sign3A_62 = arith.extui %sign3A_61 : i1 to i32
    %sign3A_63 = arith.subi %sign3A_59, %sign3A_62 : i32
    %ne3A_64 = arith.cmpi ne, %sign3A_56, %sign3A_63 : i32
    %rem3A_65 = arith.remsi %add3A_47, %jit3A_48 : i32
    %ne3A_66 = arith.constant 0 : i32
    %ne3A_67 = arith.cmpi ne, %rem3A_65, %ne3A_66 : i32
    %and3A_68 = arith.andi %ne3A_64, %ne3A_67 : i1
    %sub3A_69 = arith.constant 1 : i32
    %sub3A_70 = arith.subi %div3A_49, %sub3A_69 : i32
    %select_n3A_71 = arith.select %and3A_68, %sub3A_70, %div3A_49 : i32
    %mul3A_72 = arith.constant 4 : i32
    %mul3A_73 = arith.muli %select_n3A_71, %mul3A_72 : i32
    %sub3A_74 = arith.subi %add3A_47, %mul3A_73 : i32
    %dma_start3A_75 = arith.constant 0 : i32
    %dma_start3A_76 = arith.constant 0 : i32
    %dma_start3A_77 = tpu.memref_slice %arg7[%select_n3A_71, %sub3A_74, %dma_start3A_75, %dma_start3A_76] : memref<16x132x132x64xf32, #tpu.memory_space<hbm>> -> memref<1x1x132x64xf32, #tpu.memory_space<hbm>>
    %dma_start3A_78 = tpu.memref_squeeze %dma_start3A_77 : memref<1x1x132x64xf32, #tpu.memory_space<hbm>> -> memref<132x64xf32, #tpu.memory_space<hbm>>
    %dma_start3A_79 = arith.constant 0 : i32
    %dma_start3A_80 = arith.constant 0 : i32
    %dma_start3A_81 = tpu.memref_slice %arg7[%select_n3A_71, %sub3A_74, %dma_start3A_79, %dma_start3A_80] : memref<16x132x132x64xf32, #tpu.memory_space<hbm>> -> memref<1x1x132x64xf32, #tpu.memory_space<hbm>>
    %dma_start3A_82 = tpu.memref_squeeze %dma_start3A_81 : memref<1x1x132x64xf32, #tpu.memory_space<hbm>> -> memref<132x64xf32, #tpu.memory_space<hbm>>
    tpu.enqueue_dma source(%arg13 : memref<132x64xf32, #tpu.memory_space<vmem>>) target(%dma_start3A_82 : memref<132x64xf32, #tpu.memory_space<hbm>>) target_semaphore(%arg22 : memref<!tpu.dma_semaphore, #tpu.memory_space<semaphore_mem>>)
    %mul3A_83 = arith.constant 64 : i32
    %mul3A_84 = arith.muli %add3A, %mul3A_83 : i32
    %add3A_85 = arith.constant 0 : i32
    %add3A_86 = arith.addi %mul3A_84, %add3A_85 : i32
    %jit3A_87 = arith.constant 128 : i32
    %div3A_88 = arith.divsi %add3A_86, %jit3A_87 : i32
    %sign3A_89 = arith.constant 0 : i32
    %sign3A_90 = arith.cmpi sgt, %add3A_86, %sign3A_89 : i32
    %sign3A_91 = arith.extui %sign3A_90 : i1 to i32
    %sign3A_92 = arith.constant 0 : i32
    %sign3A_93 = arith.cmpi slt, %add3A_86, %sign3A_92 : i32
    %sign3A_94 = arith.extui %sign3A_93 : i1 to i32
    %sign3A_95 = arith.subi %sign3A_91, %sign3A_94 : i32
    %sign3A_96 = arith.constant 0 : i32
    %sign3A_97 = arith.cmpi sgt, %jit3A_87, %sign3A_96 : i32
    %sign3A_98 = arith.extui %sign3A_97 : i1 to i32
    %sign3A_99 = arith.constant 0 : i32
    %sign3A_100 = arith.cmpi slt, %jit3A_87, %sign3A_99 : i32
    %sign3A_101 = arith.extui %sign3A_100 : i1 to i32
    %sign3A_102 = arith.subi %sign3A_98, %sign3A_101 : i32
    %ne3A_103 = arith.cmpi ne, %sign3A_95, %sign3A_102 : i32
    %rem3A_104 = arith.remsi %add3A_86, %jit3A_87 : i32
    %ne3A_105 = arith.constant 0 : i32
    %ne3A_106 = arith.cmpi ne, %rem3A_104, %ne3A_105 : i32
    %and3A_107 = arith.andi %ne3A_103, %ne3A_106 : i1
    %sub3A_108 = arith.constant 1 : i32
    %sub3A_109 = arith.subi %div3A_88, %sub3A_108 : i32
    %select_n3A_110 = arith.select %and3A_107, %sub3A_109, %div3A_88 : i32
    %mul3A_111 = arith.constant 128 : i32
    %mul3A_112 = arith.muli %select_n3A_110, %mul3A_111 : i32
    %sub3A_113 = arith.subi %add3A_86, %mul3A_112 : i32
    %dma_start3A_114 = arith.constant 0 : i32
    %dma_start3A_115 = arith.constant 0 : i32
    %dma_start3A_116 = tpu.memref_slice %arg8[%dma_start3A_114, %dma_start3A_115] : memref<2x128xi32, #tpu.memory_space<vmem>> -> memref<1x128xi32, #tpu.memory_space<vmem>>
    %dma_start3A_117 = tpu.memref_squeeze %dma_start3A_116 : memref<1x128xi32, #tpu.memory_space<vmem>> -> memref<128xi32, #tpu.memory_space<vmem>>
    %dma_start3A_118 = arith.constant 0 : i32
    %dma_start3A_119 = tpu.memref_slice %arg2[%select_n3A_110, %sub3A_113, %dma_start3A_118] : memref<16x128x128xi32, #tpu.memory_space<hbm>> -> memref<1x1x128xi32, #tpu.memory_space<hbm>>
    %dma_start3A_120 = tpu.memref_squeeze %dma_start3A_119 : memref<1x1x128xi32, #tpu.memory_space<hbm>> -> memref<128xi32, #tpu.memory_space<hbm>>
    %dma_start3A_121 = arith.constant 0 : i32
    %dma_start3A_122 = tpu.memref_slice %arg8[%dma_start3A_114, %dma_start3A_121] : memref<2x128xi32, #tpu.memory_space<vmem>> -> memref<1x128xi32, #tpu.memory_space<vmem>>
    %dma_start3A_123 = tpu.memref_squeeze %dma_start3A_122 : memref<1x128xi32, #tpu.memory_space<vmem>> -> memref<128xi32, #tpu.memory_space<vmem>>
    %dma_start3A_124 = arith.constant 0 : i32
    %dma_start3A_125 = tpu.memref_slice %arg2[%select_n3A_110, %sub3A_113, %dma_start3A_124] : memref<16x128x128xi32, #tpu.memory_space<hbm>> -> memref<1x1x128xi32, #tpu.memory_space<hbm>>
    %dma_start3A_126 = tpu.memref_squeeze %dma_start3A_125 : memref<1x1x128xi32, #tpu.memory_space<hbm>> -> memref<128xi32, #tpu.memory_space<hbm>>
    tpu.enqueue_dma source(%dma_start3A_126 : memref<128xi32, #tpu.memory_space<hbm>>) target(%dma_start3A_123 : memref<128xi32, #tpu.memory_space<vmem>>) target_semaphore(%arg17 : memref<!tpu.dma_semaphore, #tpu.memory_space<semaphore_mem>>)
    %dma_start3A_127 = arith.constant 0 : i32
    %dma_start3A_128 = arith.constant 0 : i32
    %dma_start3A_129 = arith.constant 0 : i32
    %dma_start3A_130 = tpu.memref_slice %arg9[%dma_start3A_127, %dma_start3A_128, %dma_start3A_129] : memref<2x3x128xi32, #tpu.memory_space<vmem>> -> memref<1x3x128xi32, #tpu.memory_space<vmem>>
    %dma_start3A_131 = tpu.memref_squeeze %dma_start3A_130 : memref<1x3x128xi32, #tpu.memory_space<vmem>> -> memref<3x128xi32, #tpu.memory_space<vmem>>
    %dma_start3A_132 = arith.constant 0 : i32
    %dma_start3A_133 = arith.constant 0 : i32
    %dma_start3A_134 = tpu.memref_slice %arg3[%select_n3A_110, %sub3A_113, %dma_start3A_132, %dma_start3A_133] : memref<16x128x3x128xi32, #tpu.memory_space<hbm>> -> memref<1x1x3x128xi32, #tpu.memory_space<hbm>>
    %dma_start3A_135 = tpu.memref_squeeze %dma_start3A_134 : memref<1x1x3x128xi32, #tpu.memory_space<hbm>> -> memref<3x128xi32, #tpu.memory_space<hbm>>
    %dma_start3A_136 = arith.constant 0 : i32
    %dma_start3A_137 = arith.constant 0 : i32
    %dma_start3A_138 = tpu.memref_slice %arg9[%dma_start3A_127, %dma_start3A_136, %dma_start3A_137] : memref<2x3x128xi32, #tpu.memory_space<vmem>> -> memref<1x3x128xi32, #tpu.memory_space<vmem>>
    %dma_start3A_139 = tpu.memref_squeeze %dma_start3A_138 : memref<1x3x128xi32, #tpu.memory_space<vmem>> -> memref<3x128xi32, #tpu.memory_space<vmem>>
    %dma_start3A_140 = arith.constant 0 : i32
    %dma_start3A_141 = arith.constant 0 : i32
    %dma_start3A_142 = tpu.memref_slice %arg3[%select_n3A_110, %sub3A_113, %dma_start3A_140, %dma_start3A_141] : memref<16x128x3x128xi32, #tpu.memory_space<hbm>> -> memref<1x1x3x128xi32, #tpu.memory_space<hbm>>
    %dma_start3A_143 = tpu.memref_squeeze %dma_start3A_142 : memref<1x1x3x128xi32, #tpu.memory_space<hbm>> -> memref<3x128xi32, #tpu.memory_space<hbm>>
    tpu.enqueue_dma source(%dma_start3A_143 : memref<3x128xi32, #tpu.memory_space<hbm>>) target(%dma_start3A_139 : memref<3x128xi32, #tpu.memory_space<vmem>>) target_semaphore(%arg17 : memref<!tpu.dma_semaphore, #tpu.memory_space<semaphore_mem>>)
    %mul3A_144 = arith.constant 64 : i32
    %mul3A_145 = arith.muli %add3A, %mul3A_144 : i32
    %add3A_146 = arith.constant 1 : i32
    %add3A_147 = arith.addi %mul3A_145, %add3A_146 : i32
    %jit3A_148 = arith.constant 128 : i32
    %div3A_149 = arith.divsi %add3A_147, %jit3A_148 : i32
    %sign3A_150 = arith.constant 0 : i32
    %sign3A_151 = arith.cmpi sgt, %add3A_147, %sign3A_150 : i32
    %sign3A_152 = arith.extui %sign3A_151 : i1 to i32
    %sign3A_153 = arith.constant 0 : i32
    %sign3A_154 = arith.cmpi slt, %add3A_147, %sign3A_153 : i32
    %sign3A_155 = arith.extui %sign3A_154 : i1 to i32
    %sign3A_156 = arith.subi %sign3A_152, %sign3A_155 : i32
    %sign3A_157 = arith.constant 0 : i32
    %sign3A_158 = arith.cmpi sgt, %jit3A_148, %sign3A_157 : i32
    %sign3A_159 = arith.extui %sign3A_158 : i1 to i32
    %sign3A_160 = arith.constant 0 : i32
    %sign3A_161 = arith.cmpi slt, %jit3A_148, %sign3A_160 : i32
    %sign3A_162 = arith.extui %sign3A_161 : i1 to i32
    %sign3A_163 = arith.subi %sign3A_159, %sign3A_162 : i32
    %ne3A_164 = arith.cmpi ne, %sign3A_156, %sign3A_163 : i32
    %rem3A_165 = arith.remsi %add3A_147, %jit3A_148 : i32
    %ne3A_166 = arith.constant 0 : i32
    %ne3A_167 = arith.cmpi ne, %rem3A_165, %ne3A_166 : i32
    %and3A_168 = arith.andi %ne3A_164, %ne3A_167 : i1
    %sub3A_169 = arith.constant 1 : i32
    %sub3A_170 = arith.subi %div3A_149, %sub3A_169 : i32
    %select_n3A_171 = arith.select %and3A_168, %sub3A_170, %div3A_149 : i32
    %mul3A_172 = arith.constant 128 : i32
    %mul3A_173 = arith.muli %select_n3A_171, %mul3A_172 : i32
    %sub3A_174 = arith.subi %add3A_147, %mul3A_173 : i32
    %dma_start3A_175 = arith.constant 1 : i32
    %dma_start3A_176 = arith.constant 0 : i32
    %dma_start3A_177 = tpu.memref_slice %arg8[%dma_start3A_175, %dma_start3A_176] : memref<2x128xi32, #tpu.memory_space<vmem>> -> memref<1x128xi32, #tpu.memory_space<vmem>>
    %dma_start3A_178 = tpu.memref_squeeze %dma_start3A_177 : memref<1x128xi32, #tpu.memory_space<vmem>> -> memref<128xi32, #tpu.memory_space<vmem>>
    %dma_start3A_179 = arith.constant 0 : i32
    %dma_start3A_180 = tpu.memref_slice %arg2[%select_n3A_171, %sub3A_174, %dma_start3A_179] : memref<16x128x128xi32, #tpu.memory_space<hbm>> -> memref<1x1x128xi32, #tpu.memory_space<hbm>>
    %dma_start3A_181 = tpu.memref_squeeze %dma_start3A_180 : memref<1x1x128xi32, #tpu.memory_space<hbm>> -> memref<128xi32, #tpu.memory_space<hbm>>
    %dma_start3A_182 = arith.constant 0 : i32
    %dma_start3A_183 = tpu.memref_slice %arg8[%dma_start3A_175, %dma_start3A_182] : memref<2x128xi32, #tpu.memory_space<vmem>> -> memref<1x128xi32, #tpu.memory_space<vmem>>
    %dma_start3A_184 = tpu.memref_squeeze %dma_start3A_183 : memref<1x128xi32, #tpu.memory_space<vmem>> -> memref<128xi32, #tpu.memory_space<vmem>>
    %dma_start3A_185 = arith.constant 0 : i32
    %dma_start3A_186 = tpu.memref_slice %arg2[%select_n3A_171, %sub3A_174, %dma_start3A_185] : memref<16x128x128xi32, #tpu.memory_space<hbm>> -> memref<1x1x128xi32, #tpu.memory_space<hbm>>
    %dma_start3A_187 = tpu.memref_squeeze %dma_start3A_186 : memref<1x1x128xi32, #tpu.memory_space<hbm>> -> memref<128xi32, #tpu.memory_space<hbm>>
    tpu.enqueue_dma source(%dma_start3A_187 : memref<128xi32, #tpu.memory_space<hbm>>) target(%dma_start3A_184 : memref<128xi32, #tpu.memory_space<vmem>>) target_semaphore(%arg18 : memref<!tpu.dma_semaphore, #tpu.memory_space<semaphore_mem>>)
    %dma_start3A_188 = arith.constant 1 : i32
    %dma_start3A_189 = arith.constant 0 : i32
    %dma_start3A_190 = arith.constant 0 : i32
    %dma_start3A_191 = tpu.memref_slice %arg9[%dma_start3A_188, %dma_start3A_189, %dma_start3A_190] : memref<2x3x128xi32, #tpu.memory_space<vmem>> -> memref<1x3x128xi32, #tpu.memory_space<vmem>>
    %dma_start3A_192 = tpu.memref_squeeze %dma_start3A_191 : memref<1x3x128xi32, #tpu.memory_space<vmem>> -> memref<3x128xi32, #tpu.memory_space<vmem>>
    %dma_start3A_193 = arith.constant 0 : i32
    %dma_start3A_194 = arith.constant 0 : i32
    %dma_start3A_195 = tpu.memref_slice %arg3[%select_n3A_171, %sub3A_174, %dma_start3A_193, %dma_start3A_194] : memref<16x128x3x128xi32, #tpu.memory_space<hbm>> -> memref<1x1x3x128xi32, #tpu.memory_space<hbm>>
    %dma_start3A_196 = tpu.memref_squeeze %dma_start3A_195 : memref<1x1x3x128xi32, #tpu.memory_space<hbm>> -> memref<3x128xi32, #tpu.memory_space<hbm>>
    %dma_start3A_197 = arith.constant 0 : i32
    %dma_start3A_198 = arith.constant 0 : i32
    %dma_start3A_199 = tpu.memref_slice %arg9[%dma_start3A_188, %dma_start3A_197, %dma_start3A_198] : memref<2x3x128xi32, #tpu.memory_space<vmem>> -> memref<1x3x128xi32, #tpu.memory_space<vmem>>
    %dma_start3A_200 = tpu.memref_squeeze %dma_start3A_199 : memref<1x3x128xi32, #tpu.memory_space<vmem>> -> memref<3x128xi32, #tpu.memory_space<vmem>>
    %dma_start3A_201 = arith.constant 0 : i32
    %dma_start3A_202 = arith.constant 0 : i32
    %dma_start3A_203 = tpu.memref_slice %arg3[%select_n3A_171, %sub3A_174, %dma_start3A_201, %dma_start3A_202] : memref<16x128x3x128xi32, #tpu.memory_space<hbm>> -> memref<1x1x3x128xi32, #tpu.memory_space<hbm>>
    %dma_start3A_204 = tpu.memref_squeeze %dma_start3A_203 : memref<1x1x3x128xi32, #tpu.memory_space<hbm>> -> memref<3x128xi32, #tpu.memory_space<hbm>>
    tpu.enqueue_dma source(%dma_start3A_204 : memref<3x128xi32, #tpu.memory_space<hbm>>) target(%dma_start3A_200 : memref<3x128xi32, #tpu.memory_space<vmem>>) target_semaphore(%arg18 : memref<!tpu.dma_semaphore, #tpu.memory_space<semaphore_mem>>)
    %dma_wait3A = arith.constant 0 : i32
    %dma_wait3A_205 = arith.constant 0 : i32
    %dma_wait3A_206 = arith.constant 0 : i32
    %dma_wait3A_207 = arith.constant 0 : i32
    %dma_wait3A_208 = tpu.memref_slice %arg8[%dma_wait3A_206, %dma_wait3A_207] : memref<2x128xi32, #tpu.memory_space<vmem>> -> memref<1x128xi32, #tpu.memory_space<vmem>>
    %dma_wait3A_209 = tpu.memref_squeeze %dma_wait3A_208 : memref<1x128xi32, #tpu.memory_space<vmem>> -> memref<128xi32, #tpu.memory_space<vmem>>
    %dma_wait3A_210 = arith.constant 0 : i32
    %dma_wait3A_211 = tpu.memref_slice %arg2[%dma_wait3A, %dma_wait3A_205, %dma_wait3A_210] : memref<16x128x128xi32, #tpu.memory_space<hbm>> -> memref<1x1x128xi32, #tpu.memory_space<hbm>>
    %dma_wait3A_212 = tpu.memref_squeeze %dma_wait3A_211 : memref<1x1x128xi32, #tpu.memory_space<hbm>> -> memref<128xi32, #tpu.memory_space<hbm>>
    %dma_wait3A_213 = arith.constant 0 : i32
    %dma_wait3A_214 = tpu.memref_slice %arg8[%dma_wait3A_206, %dma_wait3A_213] : memref<2x128xi32, #tpu.memory_space<vmem>> -> memref<1x128xi32, #tpu.memory_space<vmem>>
    %dma_wait3A_215 = tpu.memref_squeeze %dma_wait3A_214 : memref<1x128xi32, #tpu.memory_space<vmem>> -> memref<128xi32, #tpu.memory_space<vmem>>
    %dma_wait3A_216 = arith.constant 0 : i32
    %dma_wait3A_217 = tpu.memref_slice %arg2[%dma_wait3A, %dma_wait3A_205, %dma_wait3A_216] : memref<16x128x128xi32, #tpu.memory_space<hbm>> -> memref<1x1x128xi32, #tpu.memory_space<hbm>>
    %dma_wait3A_218 = tpu.memref_squeeze %dma_wait3A_217 : memref<1x1x128xi32, #tpu.memory_space<hbm>> -> memref<128xi32, #tpu.memory_space<hbm>>
    tpu.wait_dma2 semaphore(%arg17 : memref<!tpu.dma_semaphore, #tpu.memory_space<semaphore_mem>>) src(%dma_wait3A_218 : memref<128xi32, #tpu.memory_space<hbm>>) dst(%dma_wait3A_215 : memref<128xi32, #tpu.memory_space<vmem>>)
    %dma_wait3A_219 = arith.constant 0 : i32
    %dma_wait3A_220 = arith.constant 0 : i32
    %dma_wait3A_221 = arith.constant 0 : i32
    %dma_wait3A_222 = arith.constant 0 : i32
    %dma_wait3A_223 = arith.constant 0 : i32
    %dma_wait3A_224 = tpu.memref_slice %arg9[%dma_wait3A_221, %dma_wait3A_222, %dma_wait3A_223] : memref<2x3x128xi32, #tpu.memory_space<vmem>> -> memref<1x3x128xi32, #tpu.memory_space<vmem>>
    %dma_wait3A_225 = tpu.memref_squeeze %dma_wait3A_224 : memref<1x3x128xi32, #tpu.memory_space<vmem>> -> memref<3x128xi32, #tpu.memory_space<vmem>>
    %dma_wait3A_226 = arith.constant 0 : i32
    %dma_wait3A_227 = arith.constant 0 : i32
    %dma_wait3A_228 = tpu.memref_slice %arg3[%dma_wait3A_219, %dma_wait3A_220, %dma_wait3A_226, %dma_wait3A_227] : memref<16x128x3x128xi32, #tpu.memory_space<hbm>> -> memref<1x1x3x128xi32, #tpu.memory_space<hbm>>
    %dma_wait3A_229 = tpu.memref_squeeze %dma_wait3A_228 : memref<1x1x3x128xi32, #tpu.memory_space<hbm>> -> memref<3x128xi32, #tpu.memory_space<hbm>>
    %dma_wait3A_230 = arith.constant 0 : i32
    %dma_wait3A_231 = arith.constant 0 : i32
    %dma_wait3A_232 = tpu.memref_slice %arg9[%dma_wait3A_221, %dma_wait3A_230, %dma_wait3A_231] : memref<2x3x128xi32, #tpu.memory_space<vmem>> -> memref<1x3x128xi32, #tpu.memory_space<vmem>>
    %dma_wait3A_233 = tpu.memref_squeeze %dma_wait3A_232 : memref<1x3x128xi32, #tpu.memory_space<vmem>> -> memref<3x128xi32, #tpu.memory_space<vmem>>
    %dma_wait3A_234 = arith.constant 0 : i32
    %dma_wait3A_235 = arith.constant 0 : i32
    %dma_wait3A_236 = tpu.memref_slice %arg3[%dma_wait3A_219, %dma_wait3A_220, %dma_wait3A_234, %dma_wait3A_235] : memref<16x128x3x128xi32, #tpu.memory_space<hbm>> -> memref<1x1x3x128xi32, #tpu.memory_space<hbm>>
    %dma_wait3A_237 = tpu.memref_squeeze %dma_wait3A_236 : memref<1x1x3x128xi32, #tpu.memory_space<hbm>> -> memref<3x128xi32, #tpu.memory_space<hbm>>
    tpu.wait_dma2 semaphore(%arg17 : memref<!tpu.dma_semaphore, #tpu.memory_space<semaphore_mem>>) src(%dma_wait3A_237 : memref<3x128xi32, #tpu.memory_space<hbm>>) dst(%dma_wait3A_233 : memref<3x128xi32, #tpu.memory_space<vmem>>)
    %dma_start3A_238 = arith.constant 0 : i32
    %dma_start3A_239 = arith.constant 0 : i32
    %dma_start3A_240 = arith.constant 0 : i32
    %dma_start3A_241 = arith.constant 0 : i32
    %dma_start3A_242 = tpu.memref_slice %arg10[%dma_start3A_239, %dma_start3A_240, %dma_start3A_241] : memref<2x128x64xf32, #tpu.memory_space<vmem>> -> memref<1x128x64xf32, #tpu.memory_space<vmem>>
    %dma_start3A_243 = tpu.memref_squeeze %dma_start3A_242 : memref<1x128x64xf32, #tpu.memory_space<vmem>> -> memref<128x64xf32, #tpu.memory_space<vmem>>
    %dma_start3A_244 = arith.constant 0 : i32
    %dma_start3A_245 = tpu.memref_slice %arg8[%dma_start3A_238, %dma_start3A_244] : memref<2x128xi32, #tpu.memory_space<vmem>> -> memref<1x128xi32, #tpu.memory_space<vmem>>
    %dma_start3A_246 = tpu.memref_squeeze %dma_start3A_245 : memref<1x128xi32, #tpu.memory_space<vmem>> -> memref<128xi32, #tpu.memory_space<vmem>>
    %dma_start3A_247 = arith.constant 0 : i32
    %dma_start3A_248 = arith.constant 0 : i32
    %dma_start3A_249 = tpu.memref_slice %arg15[%dma_start3A_247, %dma_start3A_248] : memref<512x64xf32, #tpu.memory_space<vmem_shared>> -> memref<512x64xf32, #tpu.memory_space<vmem_shared>>
    tpu.enqueue_indirect_dma source(%dma_start3A_249 : memref<512x64xf32, #tpu.memory_space<vmem_shared>>) target(%dma_start3A_243 : memref<128x64xf32, #tpu.memory_space<vmem>>) offsets(%dma_start3A_246 : memref<128xi32, #tpu.memory_space<vmem>>) semaphore(%arg19 : memref<!tpu.dma_semaphore, #tpu.memory_space<semaphore_mem>>)
    %dma_start3A_250 = arith.constant 0 : i32
    %dma_start3A_251 = arith.constant 0 : i32
    %dma_start3A_252 = arith.constant 0 : i32
    %dma_start3A_253 = arith.constant 0 : i32
    %dma_start3A_254 = arith.constant 0 : i32
    %dma_start3A_255 = tpu.memref_slice %arg11[%dma_start3A_252, %dma_start3A_253, %dma_start3A_254] : memref<2x384x64xf32, #tpu.memory_space<vmem>> -> memref<1x384x64xf32, #tpu.memory_space<vmem>>
    %dma_start3A_256 = tpu.memref_squeeze %dma_start3A_255 : memref<1x384x64xf32, #tpu.memory_space<vmem>> -> memref<384x64xf32, #tpu.memory_space<vmem>>
    %dma_start3A_257 = arith.constant 0 : i32
    %dma_start3A_258 = arith.constant 0 : i32
    %dma_start3A_259 = tpu.memref_slice %dma_start3A_256[%dma_start3A_257, %dma_start3A_258] : memref<384x64xf32, #tpu.memory_space<vmem>> -> memref<128x64xf32, #tpu.memory_space<vmem>>
    %dma_start3A_260 = arith.constant 0 : i32
    %dma_start3A_261 = arith.constant 0 : i32
    %dma_start3A_262 = tpu.memref_slice %arg9[%dma_start3A_250, %dma_start3A_260, %dma_start3A_261] : memref<2x3x128xi32, #tpu.memory_space<vmem>> -> memref<1x3x128xi32, #tpu.memory_space<vmem>>
    %dma_start3A_263 = tpu.memref_squeeze %dma_start3A_262 : memref<1x3x128xi32, #tpu.memory_space<vmem>> -> memref<3x128xi32, #tpu.memory_space<vmem>>
    %dma_start3A_264 = arith.constant 0 : i32
    %dma_start3A_265 = tpu.memref_slice %dma_start3A_263[%dma_start3A_251, %dma_start3A_264] : memref<3x128xi32, #tpu.memory_space<vmem>> -> memref<1x128xi32, #tpu.memory_space<vmem>>
    %dma_start3A_266 = tpu.memref_squeeze %dma_start3A_265 : memref<1x128xi32, #tpu.memory_space<vmem>> -> memref<128xi32, #tpu.memory_space<vmem>>
    %dma_start3A_267 = arith.constant 0 : i32
    %dma_start3A_268 = arith.constant 0 : i32
    %dma_start3A_269 = tpu.memref_slice %arg16[%dma_start3A_267, %dma_start3A_268] : memref<1024x64xf32, #tpu.memory_space<vmem_shared>> -> memref<1024x64xf32, #tpu.memory_space<vmem_shared>>
    tpu.enqueue_indirect_dma source(%dma_start3A_269 : memref<1024x64xf32, #tpu.memory_space<vmem_shared>>) target(%dma_start3A_259 : memref<128x64xf32, #tpu.memory_space<vmem>>) offsets(%dma_start3A_266 : memref<128xi32, #tpu.memory_space<vmem>>) semaphore(%arg19 : memref<!tpu.dma_semaphore, #tpu.memory_space<semaphore_mem>>)
    %dma_start3A_270 = arith.constant 0 : i32
    %dma_start3A_271 = arith.constant 1 : i32
    %dma_start3A_272 = arith.constant 0 : i32
    %dma_start3A_273 = arith.constant 0 : i32
    %dma_start3A_274 = arith.constant 0 : i32
    %dma_start3A_275 = tpu.memref_slice %arg11[%dma_start3A_272, %dma_start3A_273, %dma_start3A_274] : memref<2x384x64xf32, #tpu.memory_space<vmem>> -> memref<1x384x64xf32, #tpu.memory_space<vmem>>
    %dma_start3A_276 = tpu.memref_squeeze %dma_start3A_275 : memref<1x384x64xf32, #tpu.memory_space<vmem>> -> memref<384x64xf32, #tpu.memory_space<vmem>>
    %dma_start3A_277 = arith.constant 128 : i32
    %dma_start3A_278 = arith.constant 0 : i32
    %dma_start3A_279 = tpu.memref_slice %dma_start3A_276[%dma_start3A_277, %dma_start3A_278] : memref<384x64xf32, #tpu.memory_space<vmem>> -> memref<128x64xf32, #tpu.memory_space<vmem>>
    %dma_start3A_280 = arith.constant 0 : i32
    %dma_start3A_281 = arith.constant 0 : i32
    %dma_start3A_282 = tpu.memref_slice %arg9[%dma_start3A_270, %dma_start3A_280, %dma_start3A_281] : memref<2x3x128xi32, #tpu.memory_space<vmem>> -> memref<1x3x128xi32, #tpu.memory_space<vmem>>
    %dma_start3A_283 = tpu.memref_squeeze %dma_start3A_282 : memref<1x3x128xi32, #tpu.memory_space<vmem>> -> memref<3x128xi32, #tpu.memory_space<vmem>>
    %dma_start3A_284 = arith.constant 0 : i32
    %dma_start3A_285 = tpu.memref_slice %dma_start3A_283[%dma_start3A_271, %dma_start3A_284] : memref<3x128xi32, #tpu.memory_space<vmem>> -> memref<1x128xi32, #tpu.memory_space<vmem>>
    %dma_start3A_286 = tpu.memref_squeeze %dma_start3A_285 : memref<1x128xi32, #tpu.memory_space<vmem>> -> memref<128xi32, #tpu.memory_space<vmem>>
    %dma_start3A_287 = arith.constant 0 : i32
    %dma_start3A_288 = arith.constant 0 : i32
    %dma_start3A_289 = tpu.memref_slice %arg16[%dma_start3A_287, %dma_start3A_288] : memref<1024x64xf32, #tpu.memory_space<vmem_shared>> -> memref<1024x64xf32, #tpu.memory_space<vmem_shared>>
    tpu.enqueue_indirect_dma source(%dma_start3A_289 : memref<1024x64xf32, #tpu.memory_space<vmem_shared>>) target(%dma_start3A_279 : memref<128x64xf32, #tpu.memory_space<vmem>>) offsets(%dma_start3A_286 : memref<128xi32, #tpu.memory_space<vmem>>) semaphore(%arg19 : memref<!tpu.dma_semaphore, #tpu.memory_space<semaphore_mem>>)
    %dma_start3A_290 = arith.constant 0 : i32
    %dma_start3A_291 = arith.constant 2 : i32
    %dma_start3A_292 = arith.constant 0 : i32
    %dma_start3A_293 = arith.constant 0 : i32
    %dma_start3A_294 = arith.constant 0 : i32
    %dma_start3A_295 = tpu.memref_slice %arg11[%dma_start3A_292, %dma_start3A_293, %dma_start3A_294] : memref<2x384x64xf32, #tpu.memory_space<vmem>> -> memref<1x384x64xf32, #tpu.memory_space<vmem>>
    %dma_start3A_296 = tpu.memref_squeeze %dma_start3A_295 : memref<1x384x64xf32, #tpu.memory_space<vmem>> -> memref<384x64xf32, #tpu.memory_space<vmem>>
    %dma_start3A_297 = arith.constant 256 : i32
    %dma_start3A_298 = arith.constant 0 : i32
    %dma_start3A_299 = tpu.memref_slice %dma_start3A_296[%dma_start3A_297, %dma_start3A_298] : memref<384x64xf32, #tpu.memory_space<vmem>> -> memref<128x64xf32, #tpu.memory_space<vmem>>
    %dma_start3A_300 = arith.constant 0 : i32
    %dma_start3A_301 = arith.constant 0 : i32
    %dma_start3A_302 = tpu.memref_slice %arg9[%dma_start3A_290, %dma_start3A_300, %dma_start3A_301] : memref<2x3x128xi32, #tpu.memory_space<vmem>> -> memref<1x3x128xi32, #tpu.memory_space<vmem>>
    %dma_start3A_303 = tpu.memref_squeeze %dma_start3A_302 : memref<1x3x128xi32, #tpu.memory_space<vmem>> -> memref<3x128xi32, #tpu.memory_space<vmem>>
    %dma_start3A_304 = arith.constant 0 : i32
    %dma_start3A_305 = tpu.memref_slice %dma_start3A_303[%dma_start3A_291, %dma_start3A_304] : memref<3x128xi32, #tpu.memory_space<vmem>> -> memref<1x128xi32, #tpu.memory_space<vmem>>
    %dma_start3A_306 = tpu.memref_squeeze %dma_start3A_305 : memref<1x128xi32, #tpu.memory_space<vmem>> -> memref<128xi32, #tpu.memory_space<vmem>>
    %dma_start3A_307 = arith.constant 0 : i32
    %dma_start3A_308 = arith.constant 0 : i32
    %dma_start3A_309 = tpu.memref_slice %arg16[%dma_start3A_307, %dma_start3A_308] : memref<1024x64xf32, #tpu.memory_space<vmem_shared>> -> memref<1024x64xf32, #tpu.memory_space<vmem_shared>>
    tpu.enqueue_indirect_dma source(%dma_start3A_309 : memref<1024x64xf32, #tpu.memory_space<vmem_shared>>) target(%dma_start3A_299 : memref<128x64xf32, #tpu.memory_space<vmem>>) offsets(%dma_start3A_306 : memref<128xi32, #tpu.memory_space<vmem>>) semaphore(%arg19 : memref<!tpu.dma_semaphore, #tpu.memory_space<semaphore_mem>>)
    %scan3A = arith.constant 0 : i32
    %scan3A_310 = arith.constant 32 : i32
    %scan3A_311 = arith.addi %scan3A, %scan3A_310 : i32
    %scan3A_312 = arith.constant 1 : i32
    scf.for %scan3A_458 = %scan3A to %scan3A_311 step %scan3A_312  : i32 {
      %mul3A_459 = arith.constant 2 : i32
      %mul3A_460 = arith.muli %scan3A_458, %mul3A_459 : i32
      %add3A_461 = arith.constant 0 : i32
      %add3A_462 = arith.addi %add3A_461, %mul3A_460 : i32
      %add3A_463 = arith.constant 2 : i32
      %add3A_464 = arith.addi %add3A_462, %add3A_463 : i32
      %jit3A_465 = arith.constant 64 : i32
      %eq3A = arith.constant 0 : i32
      %eq3A_466 = arith.cmpi eq, %jit3A_465, %eq3A : i32
      %jit3A_467 = arith.constant 1 : i32
      %select_n3A_468 = arith.select %eq3A_466, %jit3A_467, %jit3A_465 : i32
      %rem3A_469 = arith.remsi %add3A_464, %select_n3A_468 : i32
      %ne3A_470 = arith.constant 0 : i32
      %ne3A_471 = arith.cmpi ne, %rem3A_469, %ne3A_470 : i32
      %lt3A = arith.constant 0 : i32
      %lt3A_472 = arith.cmpi slt, %rem3A_469, %lt3A : i32
      %lt3A_473 = arith.constant 0 : i32
      %lt3A_474 = arith.cmpi slt, %select_n3A_468, %lt3A_473 : i32
      %ne3A_475 = arith.xori %lt3A_472, %lt3A_474 : i1
      %and3A_476 = arith.andi %ne3A_475, %ne3A_471 : i1
      %add3A_477 = arith.addi %rem3A_469, %select_n3A_468 : i32
      %select_n3A_478 = arith.select %and3A_476, %add3A_477, %rem3A_469 : i32
      %add3A_479 = arith.constant 3 : i32
      %add3A_480 = arith.addi %add3A_462, %add3A_479 : i32
      %jit3A_481 = arith.constant 64 : i32
      %eq3A_482 = arith.constant 0 : i32
      %eq3A_483 = arith.cmpi eq, %jit3A_481, %eq3A_482 : i32
      %jit3A_484 = arith.constant 1 : i32
      %select_n3A_485 = arith.select %eq3A_483, %jit3A_484, %jit3A_481 : i32
      %rem3A_486 = arith.remsi %add3A_480, %select_n3A_485 : i32
      %ne3A_487 = arith.constant 0 : i32
      %ne3A_488 = arith.cmpi ne, %rem3A_486, %ne3A_487 : i32
      %lt3A_489 = arith.constant 0 : i32
      %lt3A_490 = arith.cmpi slt, %rem3A_486, %lt3A_489 : i32
      %lt3A_491 = arith.constant 0 : i32
      %lt3A_492 = arith.cmpi slt, %select_n3A_485, %lt3A_491 : i32
      %ne3A_493 = arith.xori %lt3A_490, %lt3A_492 : i1
      %and3A_494 = arith.andi %ne3A_493, %ne3A_488 : i1
      %add3A_495 = arith.addi %rem3A_486, %select_n3A_485 : i32
      %select_n3A_496 = arith.select %and3A_494, %add3A_495, %rem3A_486 : i32
      %dma_wait3A_497 = arith.constant 0 : i32
      %dma_wait3A_498 = arith.constant 0 : i32
      %dma_wait3A_499 = arith.constant 1 : i32
      %dma_wait3A_500 = arith.constant 0 : i32
      %dma_wait3A_501 = tpu.memref_slice %arg8[%dma_wait3A_499, %dma_wait3A_500] : memref<2x128xi32, #tpu.memory_space<vmem>> -> memref<1x128xi32, #tpu.memory_space<vmem>>
      %dma_wait3A_502 = tpu.memref_squeeze %dma_wait3A_501 : memref<1x128xi32, #tpu.memory_space<vmem>> -> memref<128xi32, #tpu.memory_space<vmem>>
      %dma_wait3A_503 = arith.constant 0 : i32
      %dma_wait3A_504 = tpu.memref_slice %arg2[%dma_wait3A_497, %dma_wait3A_498, %dma_wait3A_503] : memref<16x128x128xi32, #tpu.memory_space<hbm>> -> memref<1x1x128xi32, #tpu.memory_space<hbm>>
      %dma_wait3A_505 = tpu.memref_squeeze %dma_wait3A_504 : memref<1x1x128xi32, #tpu.memory_space<hbm>> -> memref<128xi32, #tpu.memory_space<hbm>>
      %dma_wait3A_506 = arith.constant 0 : i32
      %dma_wait3A_507 = tpu.memref_slice %arg8[%dma_wait3A_499, %dma_wait3A_506] : memref<2x128xi32, #tpu.memory_space<vmem>> -> memref<1x128xi32, #tpu.memory_space<vmem>>
      %dma_wait3A_508 = tpu.memref_squeeze %dma_wait3A_507 : memref<1x128xi32, #tpu.memory_space<vmem>> -> memref<128xi32, #tpu.memory_space<vmem>>
      %dma_wait3A_509 = arith.constant 0 : i32
      %dma_wait3A_510 = tpu.memref_slice %arg2[%dma_wait3A_497, %dma_wait3A_498, %dma_wait3A_509] : memref<16x128x128xi32, #tpu.memory_space<hbm>> -> memref<1x1x128xi32, #tpu.memory_space<hbm>>
      %dma_wait3A_511 = tpu.memref_squeeze %dma_wait3A_510 : memref<1x1x128xi32, #tpu.memory_space<hbm>> -> memref<128xi32, #tpu.memory_space<hbm>>
      tpu.wait_dma2 semaphore(%arg18 : memref<!tpu.dma_semaphore, #tpu.memory_space<semaphore_mem>>) src(%dma_wait3A_511 : memref<128xi32, #tpu.memory_space<hbm>>) dst(%dma_wait3A_508 : memref<128xi32, #tpu.memory_space<vmem>>)
      %dma_wait3A_512 = arith.constant 0 : i32
      %dma_wait3A_513 = arith.constant 0 : i32
      %dma_wait3A_514 = arith.constant 1 : i32
      %dma_wait3A_515 = arith.constant 0 : i32
      %dma_wait3A_516 = arith.constant 0 : i32
      %dma_wait3A_517 = tpu.memref_slice %arg9[%dma_wait3A_514, %dma_wait3A_515, %dma_wait3A_516] : memref<2x3x128xi32, #tpu.memory_space<vmem>> -> memref<1x3x128xi32, #tpu.memory_space<vmem>>
      %dma_wait3A_518 = tpu.memref_squeeze %dma_wait3A_517 : memref<1x3x128xi32, #tpu.memory_space<vmem>> -> memref<3x128xi32, #tpu.memory_space<vmem>>
      %dma_wait3A_519 = arith.constant 0 : i32
      %dma_wait3A_520 = arith.constant 0 : i32
      %dma_wait3A_521 = tpu.memref_slice %arg3[%dma_wait3A_512, %dma_wait3A_513, %dma_wait3A_519, %dma_wait3A_520] : memref<16x128x3x128xi32, #tpu.memory_space<hbm>> -> memref<1x1x3x128xi32, #tpu.memory_space<hbm>>
      %dma_wait3A_522 = tpu.memref_squeeze %dma_wait3A_521 : memref<1x1x3x128xi32, #tpu.memory_space<hbm>> -> memref<3x128xi32, #tpu.memory_space<hbm>>
      %dma_wait3A_523 = arith.constant 0 : i32
      %dma_wait3A_524 = arith.constant 0 : i32
      %dma_wait3A_525 = tpu.memref_slice %arg9[%dma_wait3A_514, %dma_wait3A_523, %dma_wait3A_524] : memref<2x3x128xi32, #tpu.memory_space<vmem>> -> memref<1x3x128xi32, #tpu.memory_space<vmem>>
      %dma_wait3A_526 = tpu.memref_squeeze %dma_wait3A_525 : memref<1x3x128xi32, #tpu.memory_space<vmem>> -> memref<3x128xi32, #tpu.memory_space<vmem>>
      %dma_wait3A_527 = arith.constant 0 : i32
      %dma_wait3A_528 = arith.constant 0 : i32
      %dma_wait3A_529 = tpu.memref_slice %arg3[%dma_wait3A_512, %dma_wait3A_513, %dma_wait3A_527, %dma_wait3A_528] : memref<16x128x3x128xi32, #tpu.memory_space<hbm>> -> memref<1x1x3x128xi32, #tpu.memory_space<hbm>>
      %dma_wait3A_530 = tpu.memref_squeeze %dma_wait3A_529 : memref<1x1x3x128xi32, #tpu.memory_space<hbm>> -> memref<3x128xi32, #tpu.memory_space<hbm>>
      tpu.wait_dma2 semaphore(%arg18 : memref<!tpu.dma_semaphore, #tpu.memory_space<semaphore_mem>>) src(%dma_wait3A_530 : memref<3x128xi32, #tpu.memory_space<hbm>>) dst(%dma_wait3A_526 : memref<3x128xi32, #tpu.memory_space<vmem>>)
      %dma_start3A_531 = arith.constant 1 : i32
      %dma_start3A_532 = arith.constant 1 : i32
      %dma_start3A_533 = arith.constant 0 : i32
      %dma_start3A_534 = arith.constant 0 : i32
      %dma_start3A_535 = tpu.memref_slice %arg10[%dma_start3A_532, %dma_start3A_533, %dma_start3A_534] : memref<2x128x64xf32, #tpu.memory_space<vmem>> -> memref<1x128x64xf32, #tpu.memory_space<vmem>>
      %dma_start3A_536 = tpu.memref_squeeze %dma_start3A_535 : memref<1x128x64xf32, #tpu.memory_space<vmem>> -> memref<128x64xf32, #tpu.memory_space<vmem>>
      %dma_start3A_537 = arith.constant 0 : i32
      %dma_start3A_538 = tpu.memref_slice %arg8[%dma_start3A_531, %dma_start3A_537] : memref<2x128xi32, #tpu.memory_space<vmem>> -> memref<1x128xi32, #tpu.memory_space<vmem>>
      %dma_start3A_539 = tpu.memref_squeeze %dma_start3A_538 : memref<1x128xi32, #tpu.memory_space<vmem>> -> memref<128xi32, #tpu.memory_space<vmem>>
      %dma_start3A_540 = arith.constant 0 : i32
      %dma_start3A_541 = arith.constant 0 : i32
      %dma_start3A_542 = tpu.memref_slice %arg15[%dma_start3A_540, %dma_start3A_541] : memref<512x64xf32, #tpu.memory_space<vmem_shared>> -> memref<512x64xf32, #tpu.memory_space<vmem_shared>>
      tpu.enqueue_indirect_dma source(%dma_start3A_542 : memref<512x64xf32, #tpu.memory_space<vmem_shared>>) target(%dma_start3A_536 : memref<128x64xf32, #tpu.memory_space<vmem>>) offsets(%dma_start3A_539 : memref<128xi32, #tpu.memory_space<vmem>>) semaphore(%arg20 : memref<!tpu.dma_semaphore, #tpu.memory_space<semaphore_mem>>)
      %dma_start3A_543 = arith.constant 1 : i32
      %dma_start3A_544 = arith.constant 0 : i32
      %dma_start3A_545 = arith.constant 1 : i32
      %dma_start3A_546 = arith.constant 0 : i32
      %dma_start3A_547 = arith.constant 0 : i32
      %dma_start3A_548 = tpu.memref_slice %arg11[%dma_start3A_545, %dma_start3A_546, %dma_start3A_547] : memref<2x384x64xf32, #tpu.memory_space<vmem>> -> memref<1x384x64xf32, #tpu.memory_space<vmem>>
      %dma_start3A_549 = tpu.memref_squeeze %dma_start3A_548 : memref<1x384x64xf32, #tpu.memory_space<vmem>> -> memref<384x64xf32, #tpu.memory_space<vmem>>
      %dma_start3A_550 = arith.constant 0 : i32
      %dma_start3A_551 = arith.constant 0 : i32
      %dma_start3A_552 = tpu.memref_slice %dma_start3A_549[%dma_start3A_550, %dma_start3A_551] : memref<384x64xf32, #tpu.memory_space<vmem>> -> memref<128x64xf32, #tpu.memory_space<vmem>>
      %dma_start3A_553 = arith.constant 0 : i32
      %dma_start3A_554 = arith.constant 0 : i32
      %dma_start3A_555 = tpu.memref_slice %arg9[%dma_start3A_543, %dma_start3A_553, %dma_start3A_554] : memref<2x3x128xi32, #tpu.memory_space<vmem>> -> memref<1x3x128xi32, #tpu.memory_space<vmem>>
      %dma_start3A_556 = tpu.memref_squeeze %dma_start3A_555 : memref<1x3x128xi32, #tpu.memory_space<vmem>> -> memref<3x128xi32, #tpu.memory_space<vmem>>
      %dma_start3A_557 = arith.constant 0 : i32
      %dma_start3A_558 = tpu.memref_slice %dma_start3A_556[%dma_start3A_544, %dma_start3A_557] : memref<3x128xi32, #tpu.memory_space<vmem>> -> memref<1x128xi32, #tpu.memory_space<vmem>>
      %dma_start3A_559 = tpu.memref_squeeze %dma_start3A_558 : memref<1x128xi32, #tpu.memory_space<vmem>> -> memref<128xi32, #tpu.memory_space<vmem>>
      %dma_start3A_560 = arith.constant 0 : i32
      %dma_start3A_561 = arith.constant 0 : i32
      %dma_start3A_562 = tpu.memref_slice %arg16[%dma_start3A_560, %dma_start3A_561] : memref<1024x64xf32, #tpu.memory_space<vmem_shared>> -> memref<1024x64xf32, #tpu.memory_space<vmem_shared>>
      tpu.enqueue_indirect_dma source(%dma_start3A_562 : memref<1024x64xf32, #tpu.memory_space<vmem_shared>>) target(%dma_start3A_552 : memref<128x64xf32, #tpu.memory_space<vmem>>) offsets(%dma_start3A_559 : memref<128xi32, #tpu.memory_space<vmem>>) semaphore(%arg20 : memref<!tpu.dma_semaphore, #tpu.memory_space<semaphore_mem>>)
      %dma_start3A_563 = arith.constant 1 : i32
      %dma_start3A_564 = arith.constant 1 : i32
      %dma_start3A_565 = arith.constant 1 : i32
      %dma_start3A_566 = arith.constant 0 : i32
      %dma_start3A_567 = arith.constant 0 : i32
      %dma_start3A_568 = tpu.memref_slice %arg11[%dma_start3A_565, %dma_start3A_566, %dma_start3A_567] : memref<2x384x64xf32, #tpu.memory_space<vmem>> -> memref<1x384x64xf32, #tpu.memory_space<vmem>>
      %dma_start3A_569 = tpu.memref_squeeze %dma_start3A_568 : memref<1x384x64xf32, #tpu.memory_space<vmem>> -> memref<384x64xf32, #tpu.memory_space<vmem>>
      %dma_start3A_570 = arith.constant 128 : i32
      %dma_start3A_571 = arith.constant 0 : i32
      %dma_start3A_572 = tpu.memref_slice %dma_start3A_569[%dma_start3A_570, %dma_start3A_571] : memref<384x64xf32, #tpu.memory_space<vmem>> -> memref<128x64xf32, #tpu.memory_space<vmem>>
      %dma_start3A_573 = arith.constant 0 : i32
      %dma_start3A_574 = arith.constant 0 : i32
      %dma_start3A_575 = tpu.memref_slice %arg9[%dma_start3A_563, %dma_start3A_573, %dma_start3A_574] : memref<2x3x128xi32, #tpu.memory_space<vmem>> -> memref<1x3x128xi32, #tpu.memory_space<vmem>>
      %dma_start3A_576 = tpu.memref_squeeze %dma_start3A_575 : memref<1x3x128xi32, #tpu.memory_space<vmem>> -> memref<3x128xi32, #tpu.memory_space<vmem>>
      %dma_start3A_577 = arith.constant 0 : i32
      %dma_start3A_578 = tpu.memref_slice %dma_start3A_576[%dma_start3A_564, %dma_start3A_577] : memref<3x128xi32, #tpu.memory_space<vmem>> -> memref<1x128xi32, #tpu.memory_space<vmem>>
      %dma_start3A_579 = tpu.memref_squeeze %dma_start3A_578 : memref<1x128xi32, #tpu.memory_space<vmem>> -> memref<128xi32, #tpu.memory_space<vmem>>
      %dma_start3A_580 = arith.constant 0 : i32
      %dma_start3A_581 = arith.constant 0 : i32
      %dma_start3A_582 = tpu.memref_slice %arg16[%dma_start3A_580, %dma_start3A_581] : memref<1024x64xf32, #tpu.memory_space<vmem_shared>> -> memref<1024x64xf32, #tpu.memory_space<vmem_shared>>
      tpu.enqueue_indirect_dma source(%dma_start3A_582 : memref<1024x64xf32, #tpu.memory_space<vmem_shared>>) target(%dma_start3A_572 : memref<128x64xf32, #tpu.memory_space<vmem>>) offsets(%dma_start3A_579 : memref<128xi32, #tpu.memory_space<vmem>>) semaphore(%arg20 : memref<!tpu.dma_semaphore, #tpu.memory_space<semaphore_mem>>)
      %dma_start3A_583 = arith.constant 1 : i32
      %dma_start3A_584 = arith.constant 2 : i32
      %dma_start3A_585 = arith.constant 1 : i32
      %dma_start3A_586 = arith.constant 0 : i32
      %dma_start3A_587 = arith.constant 0 : i32
      %dma_start3A_588 = tpu.memref_slice %arg11[%dma_start3A_585, %dma_start3A_586, %dma_start3A_587] : memref<2x384x64xf32, #tpu.memory_space<vmem>> -> memref<1x384x64xf32, #tpu.memory_space<vmem>>
      %dma_start3A_589 = tpu.memref_squeeze %dma_start3A_588 : memref<1x384x64xf32, #tpu.memory_space<vmem>> -> memref<384x64xf32, #tpu.memory_space<vmem>>
      %dma_start3A_590 = arith.constant 256 : i32
      %dma_start3A_591 = arith.constant 0 : i32
      %dma_start3A_592 = tpu.memref_slice %dma_start3A_589[%dma_start3A_590, %dma_start3A_591] : memref<384x64xf32, #tpu.memory_space<vmem>> -> memref<128x64xf32, #tpu.memory_space<vmem>>
      %dma_start3A_593 = arith.constant 0 : i32
      %dma_start3A_594 = arith.constant 0 : i32
      %dma_start3A_595 = tpu.memref_slice %arg9[%dma_start3A_583, %dma_start3A_593, %dma_start3A_594] : memref<2x3x128xi32, #tpu.memory_space<vmem>> -> memref<1x3x128xi32, #tpu.memory_space<vmem>>
      %dma_start3A_596 = tpu.memref_squeeze %dma_start3A_595 : memref<1x3x128xi32, #tpu.memory_space<vmem>> -> memref<3x128xi32, #tpu.memory_space<vmem>>
      %dma_start3A_597 = arith.constant 0 : i32
      %dma_start3A_598 = tpu.memref_slice %dma_start3A_596[%dma_start3A_584, %dma_start3A_597] : memref<3x128xi32, #tpu.memory_space<vmem>> -> memref<1x128xi32, #tpu.memory_space<vmem>>
      %dma_start3A_599 = tpu.memref_squeeze %dma_start3A_598 : memref<1x128xi32, #tpu.memory_space<vmem>> -> memref<128xi32, #tpu.memory_space<vmem>>
      %dma_start3A_600 = arith.constant 0 : i32
      %dma_start3A_601 = arith.constant 0 : i32
      %dma_start3A_602 = tpu.memref_slice %arg16[%dma_start3A_600, %dma_start3A_601] : memref<1024x64xf32, #tpu.memory_space<vmem_shared>> -> memref<1024x64xf32, #tpu.memory_space<vmem_shared>>
      tpu.enqueue_indirect_dma source(%dma_start3A_602 : memref<1024x64xf32, #tpu.memory_space<vmem_shared>>) target(%dma_start3A_592 : memref<128x64xf32, #tpu.memory_space<vmem>>) offsets(%dma_start3A_599 : memref<128xi32, #tpu.memory_space<vmem>>) semaphore(%arg20 : memref<!tpu.dma_semaphore, #tpu.memory_space<semaphore_mem>>)
      %dma_wait3A_603 = arith.constant 0 : i32
      %dma_wait3A_604 = arith.constant 0 : i32
      %dma_wait3A_605 = arith.constant 0 : i32
      %dma_wait3A_606 = arith.constant 0 : i32
      %dma_wait3A_607 = tpu.memref_slice %arg10[%dma_wait3A_604, %dma_wait3A_605, %dma_wait3A_606] : memref<2x128x64xf32, #tpu.memory_space<vmem>> -> memref<1x128x64xf32, #tpu.memory_space<vmem>>
      %dma_wait3A_608 = tpu.memref_squeeze %dma_wait3A_607 : memref<1x128x64xf32, #tpu.memory_space<vmem>> -> memref<128x64xf32, #tpu.memory_space<vmem>>
      %dma_wait3A_609 = arith.constant 0 : i32
      %dma_wait3A_610 = tpu.memref_slice %arg8[%dma_wait3A_603, %dma_wait3A_609] : memref<2x128xi32, #tpu.memory_space<vmem>> -> memref<1x128xi32, #tpu.memory_space<vmem>>
      %dma_wait3A_611 = tpu.memref_squeeze %dma_wait3A_610 : memref<1x128xi32, #tpu.memory_space<vmem>> -> memref<128xi32, #tpu.memory_space<vmem>>
      %dma_wait3A_612 = arith.constant 0 : i32
      %dma_wait3A_613 = arith.constant 0 : i32
      %dma_wait3A_614 = tpu.memref_slice %arg15[%dma_wait3A_612, %dma_wait3A_613] : memref<512x64xf32, #tpu.memory_space<vmem_shared>> -> memref<512x64xf32, #tpu.memory_space<vmem_shared>>
      tpu.wait_indirect_dma semaphore(%arg19 : memref<!tpu.dma_semaphore, #tpu.memory_space<semaphore_mem>>) src(%dma_wait3A_614 : memref<512x64xf32, #tpu.memory_space<vmem_shared>>) dst(%dma_wait3A_608 : memref<128x64xf32, #tpu.memory_space<vmem>>)
      %dma_wait3A_615 = arith.constant 0 : i32
      %dma_wait3A_616 = arith.constant 0 : i32
      %dma_wait3A_617 = arith.constant 0 : i32
      %dma_wait3A_618 = arith.constant 0 : i32
      %dma_wait3A_619 = arith.constant 0 : i32
      %dma_wait3A_620 = tpu.memref_slice %arg11[%dma_wait3A_617, %dma_wait3A_618, %dma_wait3A_619] : memref<2x384x64xf32, #tpu.memory_space<vmem>> -> memref<1x384x64xf32, #tpu.memory_space<vmem>>
      %dma_wait3A_621 = tpu.memref_squeeze %dma_wait3A_620 : memref<1x384x64xf32, #tpu.memory_space<vmem>> -> memref<384x64xf32, #tpu.memory_space<vmem>>
      %dma_wait3A_622 = arith.constant 0 : i32
      %dma_wait3A_623 = arith.constant 0 : i32
      %dma_wait3A_624 = tpu.memref_slice %dma_wait3A_621[%dma_wait3A_622, %dma_wait3A_623] : memref<384x64xf32, #tpu.memory_space<vmem>> -> memref<128x64xf32, #tpu.memory_space<vmem>>
      %dma_wait3A_625 = arith.constant 0 : i32
      %dma_wait3A_626 = arith.constant 0 : i32
      %dma_wait3A_627 = tpu.memref_slice %arg9[%dma_wait3A_615, %dma_wait3A_625, %dma_wait3A_626] : memref<2x3x128xi32, #tpu.memory_space<vmem>> -> memref<1x3x128xi32, #tpu.memory_space<vmem>>
      %dma_wait3A_628 = tpu.memref_squeeze %dma_wait3A_627 : memref<1x3x128xi32, #tpu.memory_space<vmem>> -> memref<3x128xi32, #tpu.memory_space<vmem>>
      %dma_wait3A_629 = arith.constant 0 : i32
      %dma_wait3A_630 = tpu.memref_slice %dma_wait3A_628[%dma_wait3A_616, %dma_wait3A_629] : memref<3x128xi32, #tpu.memory_space<vmem>> -> memref<1x128xi32, #tpu.memory_space<vmem>>
      %dma_wait3A_631 = tpu.memref_squeeze %dma_wait3A_630 : memref<1x128xi32, #tpu.memory_space<vmem>> -> memref<128xi32, #tpu.memory_space<vmem>>
      %dma_wait3A_632 = arith.constant 0 : i32
      %dma_wait3A_633 = arith.constant 0 : i32
      %dma_wait3A_634 = tpu.memref_slice %arg16[%dma_wait3A_632, %dma_wait3A_633] : memref<1024x64xf32, #tpu.memory_space<vmem_shared>> -> memref<1024x64xf32, #tpu.memory_space<vmem_shared>>
      tpu.wait_indirect_dma semaphore(%arg19 : memref<!tpu.dma_semaphore, #tpu.memory_space<semaphore_mem>>) src(%dma_wait3A_634 : memref<1024x64xf32, #tpu.memory_space<vmem_shared>>) dst(%dma_wait3A_624 : memref<128x64xf32, #tpu.memory_space<vmem>>)
      %dma_wait3A_635 = arith.constant 0 : i32
      %dma_wait3A_636 = arith.constant 1 : i32
      %dma_wait3A_637 = arith.constant 0 : i32
      %dma_wait3A_638 = arith.constant 0 : i32
      %dma_wait3A_639 = arith.constant 0 : i32
      %dma_wait3A_640 = tpu.memref_slice %arg11[%dma_wait3A_637, %dma_wait3A_638, %dma_wait3A_639] : memref<2x384x64xf32, #tpu.memory_space<vmem>> -> memref<1x384x64xf32, #tpu.memory_space<vmem>>
      %dma_wait3A_641 = tpu.memref_squeeze %dma_wait3A_640 : memref<1x384x64xf32, #tpu.memory_space<vmem>> -> memref<384x64xf32, #tpu.memory_space<vmem>>
      %dma_wait3A_642 = arith.constant 128 : i32
      %dma_wait3A_643 = arith.constant 0 : i32
      %dma_wait3A_644 = tpu.memref_slice %dma_wait3A_641[%dma_wait3A_642, %dma_wait3A_643] : memref<384x64xf32, #tpu.memory_space<vmem>> -> memref<128x64xf32, #tpu.memory_space<vmem>>
      %dma_wait3A_645 = arith.constant 0 : i32
      %dma_wait3A_646 = arith.constant 0 : i32
      %dma_wait3A_647 = tpu.memref_slice %arg9[%dma_wait3A_635, %dma_wait3A_645, %dma_wait3A_646] : memref<2x3x128xi32, #tpu.memory_space<vmem>> -> memref<1x3x128xi32, #tpu.memory_space<vmem>>
      %dma_wait3A_648 = tpu.memref_squeeze %dma_wait3A_647 : memref<1x3x128xi32, #tpu.memory_space<vmem>> -> memref<3x128xi32, #tpu.memory_space<vmem>>
      %dma_wait3A_649 = arith.constant 0 : i32
      %dma_wait3A_650 = tpu.memref_slice %dma_wait3A_648[%dma_wait3A_636, %dma_wait3A_649] : memref<3x128xi32, #tpu.memory_space<vmem>> -> memref<1x128xi32, #tpu.memory_space<vmem>>
      %dma_wait3A_651 = tpu.memref_squeeze %dma_wait3A_650 : memref<1x128xi32, #tpu.memory_space<vmem>> -> memref<128xi32, #tpu.memory_space<vmem>>
      %dma_wait3A_652 = arith.constant 0 : i32
      %dma_wait3A_653 = arith.constant 0 : i32
      %dma_wait3A_654 = tpu.memref_slice %arg16[%dma_wait3A_652, %dma_wait3A_653] : memref<1024x64xf32, #tpu.memory_space<vmem_shared>> -> memref<1024x64xf32, #tpu.memory_space<vmem_shared>>
      tpu.wait_indirect_dma semaphore(%arg19 : memref<!tpu.dma_semaphore, #tpu.memory_space<semaphore_mem>>) src(%dma_wait3A_654 : memref<1024x64xf32, #tpu.memory_space<vmem_shared>>) dst(%dma_wait3A_644 : memref<128x64xf32, #tpu.memory_space<vmem>>)
      %dma_wait3A_655 = arith.constant 0 : i32
      %dma_wait3A_656 = arith.constant 2 : i32
      %dma_wait3A_657 = arith.constant 0 : i32
      %dma_wait3A_658 = arith.constant 0 : i32
      %dma_wait3A_659 = arith.constant 0 : i32
      %dma_wait3A_660 = tpu.memref_slice %arg11[%dma_wait3A_657, %dma_wait3A_658, %dma_wait3A_659] : memref<2x384x64xf32, #tpu.memory_space<vmem>> -> memref<1x384x64xf32, #tpu.memory_space<vmem>>
      %dma_wait3A_661 = tpu.memref_squeeze %dma_wait3A_660 : memref<1x384x64xf32, #tpu.memory_space<vmem>> -> memref<384x64xf32, #tpu.memory_space<vmem>>
      %dma_wait3A_662 = arith.constant 256 : i32
      %dma_wait3A_663 = arith.constant 0 : i32
      %dma_wait3A_664 = tpu.memref_slice %dma_wait3A_661[%dma_wait3A_662, %dma_wait3A_663] : memref<384x64xf32, #tpu.memory_space<vmem>> -> memref<128x64xf32, #tpu.memory_space<vmem>>
      %dma_wait3A_665 = arith.constant 0 : i32
      %dma_wait3A_666 = arith.constant 0 : i32
      %dma_wait3A_667 = tpu.memref_slice %arg9[%dma_wait3A_655, %dma_wait3A_665, %dma_wait3A_666] : memref<2x3x128xi32, #tpu.memory_space<vmem>> -> memref<1x3x128xi32, #tpu.memory_space<vmem>>
      %dma_wait3A_668 = tpu.memref_squeeze %dma_wait3A_667 : memref<1x3x128xi32, #tpu.memory_space<vmem>> -> memref<3x128xi32, #tpu.memory_space<vmem>>
      %dma_wait3A_669 = arith.constant 0 : i32
      %dma_wait3A_670 = tpu.memref_slice %dma_wait3A_668[%dma_wait3A_656, %dma_wait3A_669] : memref<3x128xi32, #tpu.memory_space<vmem>> -> memref<1x128xi32, #tpu.memory_space<vmem>>
      %dma_wait3A_671 = tpu.memref_squeeze %dma_wait3A_670 : memref<1x128xi32, #tpu.memory_space<vmem>> -> memref<128xi32, #tpu.memory_space<vmem>>
      %dma_wait3A_672 = arith.constant 0 : i32
      %dma_wait3A_673 = arith.constant 0 : i32
      %dma_wait3A_674 = tpu.memref_slice %arg16[%dma_wait3A_672, %dma_wait3A_673] : memref<1024x64xf32, #tpu.memory_space<vmem_shared>> -> memref<1024x64xf32, #tpu.memory_space<vmem_shared>>
      tpu.wait_indirect_dma semaphore(%arg19 : memref<!tpu.dma_semaphore, #tpu.memory_space<semaphore_mem>>) src(%dma_wait3A_674 : memref<1024x64xf32, #tpu.memory_space<vmem_shared>>) dst(%dma_wait3A_664 : memref<128x64xf32, #tpu.memory_space<vmem>>)
      %mul3A_675 = arith.constant 64 : i32
      %mul3A_676 = arith.muli %add3A, %mul3A_675 : i32
      %add3A_677 = arith.addi %mul3A_676, %select_n3A_478 : i32
      %jit3A_678 = arith.constant 128 : i32
      %div3A_679 = arith.divsi %add3A_677, %jit3A_678 : i32
      %sign3A_680 = arith.constant 0 : i32
      %sign3A_681 = arith.cmpi sgt, %add3A_677, %sign3A_680 : i32
      %sign3A_682 = arith.extui %sign3A_681 : i1 to i32
      %sign3A_683 = arith.constant 0 : i32
      %sign3A_684 = arith.cmpi slt, %add3A_677, %sign3A_683 : i32
      %sign3A_685 = arith.extui %sign3A_684 : i1 to i32
      %sign3A_686 = arith.subi %sign3A_682, %sign3A_685 : i32
      %sign3A_687 = arith.constant 0 : i32
      %sign3A_688 = arith.cmpi sgt, %jit3A_678, %sign3A_687 : i32
      %sign3A_689 = arith.extui %sign3A_688 : i1 to i32
      %sign3A_690 = arith.constant 0 : i32
      %sign3A_691 = arith.cmpi slt, %jit3A_678, %sign3A_690 : i32
      %sign3A_692 = arith.extui %sign3A_691 : i1 to i32
      %sign3A_693 = arith.subi %sign3A_689, %sign3A_692 : i32
      %ne3A_694 = arith.cmpi ne, %sign3A_686, %sign3A_693 : i32
      %rem3A_695 = arith.remsi %add3A_677, %jit3A_678 : i32
      %ne3A_696 = arith.constant 0 : i32
      %ne3A_697 = arith.cmpi ne, %rem3A_695, %ne3A_696 : i32
      %and3A_698 = arith.andi %ne3A_694, %ne3A_697 : i1
      %sub3A_699 = arith.constant 1 : i32
      %sub3A_700 = arith.subi %div3A_679, %sub3A_699 : i32
      %select_n3A_701 = arith.select %and3A_698, %sub3A_700, %div3A_679 : i32
      %mul3A_702 = arith.constant 128 : i32
      %mul3A_703 = arith.muli %select_n3A_701, %mul3A_702 : i32
      %sub3A_704 = arith.subi %add3A_677, %mul3A_703 : i32
      %dma_start3A_705 = arith.constant 0 : i32
      %dma_start3A_706 = arith.constant 0 : i32
      %dma_start3A_707 = tpu.memref_slice %arg8[%dma_start3A_705, %dma_start3A_706] : memref<2x128xi32, #tpu.memory_space<vmem>> -> memref<1x128xi32, #tpu.memory_space<vmem>>
      %dma_start3A_708 = tpu.memref_squeeze %dma_start3A_707 : memref<1x128xi32, #tpu.memory_space<vmem>> -> memref<128xi32, #tpu.memory_space<vmem>>
      %dma_start3A_709 = arith.constant 0 : i32
      %dma_start3A_710 = tpu.memref_slice %arg2[%select_n3A_701, %sub3A_704, %dma_start3A_709] : memref<16x128x128xi32, #tpu.memory_space<hbm>> -> memref<1x1x128xi32, #tpu.memory_space<hbm>>
      %dma_start3A_711 = tpu.memref_squeeze %dma_start3A_710 : memref<1x1x128xi32, #tpu.memory_space<hbm>> -> memref<128xi32, #tpu.memory_space<hbm>>
      %dma_start3A_712 = arith.constant 0 : i32
      %dma_start3A_713 = tpu.memref_slice %arg8[%dma_start3A_705, %dma_start3A_712] : memref<2x128xi32, #tpu.memory_space<vmem>> -> memref<1x128xi32, #tpu.memory_space<vmem>>
      %dma_start3A_714 = tpu.memref_squeeze %dma_start3A_713 : memref<1x128xi32, #tpu.memory_space<vmem>> -> memref<128xi32, #tpu.memory_space<vmem>>
      %dma_start3A_715 = arith.constant 0 : i32
      %dma_start3A_716 = tpu.memref_slice %arg2[%select_n3A_701, %sub3A_704, %dma_start3A_715] : memref<16x128x128xi32, #tpu.memory_space<hbm>> -> memref<1x1x128xi32, #tpu.memory_space<hbm>>
      %dma_start3A_717 = tpu.memref_squeeze %dma_start3A_716 : memref<1x1x128xi32, #tpu.memory_space<hbm>> -> memref<128xi32, #tpu.memory_space<hbm>>
      tpu.enqueue_dma source(%dma_start3A_717 : memref<128xi32, #tpu.memory_space<hbm>>) target(%dma_start3A_714 : memref<128xi32, #tpu.memory_space<vmem>>) target_semaphore(%arg17 : memref<!tpu.dma_semaphore, #tpu.memory_space<semaphore_mem>>)
      %dma_start3A_718 = arith.constant 0 : i32
      %dma_start3A_719 = arith.constant 0 : i32
      %dma_start3A_720 = arith.constant 0 : i32
      %dma_start3A_721 = tpu.memref_slice %arg9[%dma_start3A_718, %dma_start3A_719, %dma_start3A_720] : memref<2x3x128xi32, #tpu.memory_space<vmem>> -> memref<1x3x128xi32, #tpu.memory_space<vmem>>
      %dma_start3A_722 = tpu.memref_squeeze %dma_start3A_721 : memref<1x3x128xi32, #tpu.memory_space<vmem>> -> memref<3x128xi32, #tpu.memory_space<vmem>>
      %dma_start3A_723 = arith.constant 0 : i32
      %dma_start3A_724 = arith.constant 0 : i32
      %dma_start3A_725 = tpu.memref_slice %arg3[%select_n3A_701, %sub3A_704, %dma_start3A_723, %dma_start3A_724] : memref<16x128x3x128xi32, #tpu.memory_space<hbm>> -> memref<1x1x3x128xi32, #tpu.memory_space<hbm>>
      %dma_start3A_726 = tpu.memref_squeeze %dma_start3A_725 : memref<1x1x3x128xi32, #tpu.memory_space<hbm>> -> memref<3x128xi32, #tpu.memory_space<hbm>>
      %dma_start3A_727 = arith.constant 0 : i32
      %dma_start3A_728 = arith.constant 0 : i32
      %dma_start3A_729 = tpu.memref_slice %arg9[%dma_start3A_718, %dma_start3A_727, %dma_start3A_728] : memref<2x3x128xi32, #tpu.memory_space<vmem>> -> memref<1x3x128xi32, #tpu.memory_space<vmem>>
      %dma_start3A_730 = tpu.memref_squeeze %dma_start3A_729 : memref<1x3x128xi32, #tpu.memory_space<vmem>> -> memref<3x128xi32, #tpu.memory_space<vmem>>
      %dma_start3A_731 = arith.constant 0 : i32
      %dma_start3A_732 = arith.constant 0 : i32
      %dma_start3A_733 = tpu.memref_slice %arg3[%select_n3A_701, %sub3A_704, %dma_start3A_731, %dma_start3A_732] : memref<16x128x3x128xi32, #tpu.memory_space<hbm>> -> memref<1x1x3x128xi32, #tpu.memory_space<hbm>>
      %dma_start3A_734 = tpu.memref_squeeze %dma_start3A_733 : memref<1x1x3x128xi32, #tpu.memory_space<hbm>> -> memref<3x128xi32, #tpu.memory_space<hbm>>
      tpu.enqueue_dma source(%dma_start3A_734 : memref<3x128xi32, #tpu.memory_space<hbm>>) target(%dma_start3A_730 : memref<3x128xi32, #tpu.memory_space<vmem>>) target_semaphore(%arg17 : memref<!tpu.dma_semaphore, #tpu.memory_space<semaphore_mem>>)
      %dma_wait3A_735 = arith.constant 0 : i32
      %dma_wait3A_736 = arith.constant 0 : i32
      %dma_wait3A_737 = arith.constant 0 : i32
      %dma_wait3A_738 = arith.constant 0 : i32
      %dma_wait3A_739 = arith.constant 0 : i32
      %dma_wait3A_740 = tpu.memref_slice %arg12[%dma_wait3A_735, %dma_wait3A_738, %dma_wait3A_739] : memref<2x132x64xf32, #tpu.memory_space<vmem>> -> memref<1x132x64xf32, #tpu.memory_space<vmem>>
      %dma_wait3A_741 = tpu.memref_squeeze %dma_wait3A_740 : memref<1x132x64xf32, #tpu.memory_space<vmem>> -> memref<132x64xf32, #tpu.memory_space<vmem>>
      %dma_wait3A_742 = arith.constant 0 : i32
      %dma_wait3A_743 = arith.constant 0 : i32
      %dma_wait3A_744 = tpu.memref_slice %arg7[%dma_wait3A_736, %dma_wait3A_737, %dma_wait3A_742, %dma_wait3A_743] : memref<16x132x132x64xf32, #tpu.memory_space<hbm>> -> memref<1x1x132x64xf32, #tpu.memory_space<hbm>>
      %dma_wait3A_745 = tpu.memref_squeeze %dma_wait3A_744 : memref<1x1x132x64xf32, #tpu.memory_space<hbm>> -> memref<132x64xf32, #tpu.memory_space<hbm>>
      %dma_wait3A_746 = arith.constant 0 : i32
      %dma_wait3A_747 = arith.constant 0 : i32
      %dma_wait3A_748 = tpu.memref_slice %arg7[%dma_wait3A_736, %dma_wait3A_737, %dma_wait3A_746, %dma_wait3A_747] : memref<16x132x132x64xf32, #tpu.memory_space<hbm>> -> memref<1x1x132x64xf32, #tpu.memory_space<hbm>>
      %dma_wait3A_749 = tpu.memref_squeeze %dma_wait3A_748 : memref<1x1x132x64xf32, #tpu.memory_space<hbm>> -> memref<132x64xf32, #tpu.memory_space<hbm>>
      %dma_wait3A_750 = arith.constant 0 : i32
      %dma_wait3A_751 = arith.constant 0 : i32
      %dma_wait3A_752 = tpu.memref_slice %arg12[%dma_wait3A_735, %dma_wait3A_750, %dma_wait3A_751] : memref<2x132x64xf32, #tpu.memory_space<vmem>> -> memref<1x132x64xf32, #tpu.memory_space<vmem>>
      %dma_wait3A_753 = tpu.memref_squeeze %dma_wait3A_752 : memref<1x132x64xf32, #tpu.memory_space<vmem>> -> memref<132x64xf32, #tpu.memory_space<vmem>>
      tpu.wait_dma2 semaphore(%arg21 : memref<!tpu.dma_semaphore, #tpu.memory_space<semaphore_mem>>) src(%dma_wait3A_753 : memref<132x64xf32, #tpu.memory_space<vmem>>) dst(%dma_wait3A_749 : memref<132x64xf32, #tpu.memory_space<hbm>>)
      %parallel_loop3A_754 = arith.constant 0 : i32
      %parallel_loop3A_755 = arith.constant 128 : i32
      %parallel_loop3A_756 = arith.constant 1 : i32
      %parallel_loop3A_757 = arith.constant 0 : i32
      %parallel_loop3A_758 = arith.constant 0 : i32
      %parallel_loop3A_759 = arith.constant 0 : i32
      scf.for %parallel_loop3A_1123 = %parallel_loop3A_754 to %parallel_loop3A_755 step %parallel_loop3A_756  : i32 {
        %parallel_loop3A_1124 = arith.constant 3 : i32
        %parallel_loop3A_1125 = arith.muli %parallel_loop3A_1123, %parallel_loop3A_1124 : i32
        %parallel_loop3A_1126 = arith.constant 4 : i32
        %parallel_loop3A_1127 = arith.addi %parallel_loop3A_1123, %parallel_loop3A_1126 : i32
        %parallel_loop3A_1128 = arith.constant 0 : i32
        %parallel_loop3A_1129 = arith.constant 0 : i32
        %parallel_loop3A_1130 = tpu.memref_slice %arg11[%parallel_loop3A_757, %parallel_loop3A_1128, %parallel_loop3A_1129] : memref<2x384x64xf32, #tpu.memory_space<vmem>> -> memref<1x384x64xf32, #tpu.memory_space<vmem>>
        %parallel_loop3A_1131 = tpu.memref_squeeze %parallel_loop3A_1130 : memref<1x384x64xf32, #tpu.memory_space<vmem>> -> memref<384x64xf32, #tpu.memory_space<vmem>>
        %parallel_loop3A_1132 = arith.index_cast %parallel_loop3A_1125 : i32 to index
        %parallel_loop3A_1133 = arith.constant 0 : index
        %parallel_loop3A_1134 = tpu.vector_load %parallel_loop3A_1131[%parallel_loop3A_1132, %parallel_loop3A_1133] {strides = array<i32>} : memref<384x64xf32, #tpu.memory_space<vmem>>, vector<1x16xf32>,
        %parallel_loop3A_1135 = vector.shape_cast %parallel_loop3A_1134 : vector<1x16xf32> to vector<16xf32>
        %parallel_loop3A_1136 = arith.constant 1 : i32
        %parallel_loop3A_1137 = arith.addi %parallel_loop3A_1125, %parallel_loop3A_1136 : i32
        %parallel_loop3A_1138 = arith.constant 0 : i32
        %parallel_loop3A_1139 = arith.constant 0 : i32
        %parallel_loop3A_1140 = tpu.memref_slice %arg11[%parallel_loop3A_757, %parallel_loop3A_1138, %parallel_loop3A_1139] : memref<2x384x64xf32, #tpu.memory_space<vmem>> -> memref<1x384x64xf32, #tpu.memory_space<vmem>>
        %parallel_loop3A_1141 = tpu.memref_squeeze %parallel_loop3A_1140 : memref<1x384x64xf32, #tpu.memory_space<vmem>> -> memref<384x64xf32, #tpu.memory_space<vmem>>
        %parallel_loop3A_1142 = arith.index_cast %parallel_loop3A_1137 : i32 to index
        %parallel_loop3A_1143 = arith.constant 0 : index
        %parallel_loop3A_1144 = tpu.vector_load %parallel_loop3A_1141[%parallel_loop3A_1142, %parallel_loop3A_1143] {strides = array<i32>} : memref<384x64xf32, #tpu.memory_space<vmem>>, vector<1x16xf32>,
        %parallel_loop3A_1145 = vector.shape_cast %parallel_loop3A_1144 : vector<1x16xf32> to vector<16xf32>
        %parallel_loop3A_1146 = arith.addf %parallel_loop3A_1135, %parallel_loop3A_1145 : vector<16xf32>
        %parallel_loop3A_1147 = arith.constant 2 : i32
        %parallel_loop3A_1148 = arith.addi %parallel_loop3A_1125, %parallel_loop3A_1147 : i32
        %parallel_loop3A_1149 = arith.constant 0 : i32
        %parallel_loop3A_1150 = arith.constant 0 : i32
        %parallel_loop3A_1151 = tpu.memref_slice %arg11[%parallel_loop3A_757, %parallel_loop3A_1149, %parallel_loop3A_1150] : memref<2x384x64xf32, #tpu.memory_space<vmem>> -> memref<1x384x64xf32, #tpu.memory_space<vmem>>
        %parallel_loop3A_1152 = tpu.memref_squeeze %parallel_loop3A_1151 : memref<1x384x64xf32, #tpu.memory_space<vmem>> -> memref<384x64xf32, #tpu.memory_space<vmem>>
        %parallel_loop3A_1153 = arith.index_cast %parallel_loop3A_1148 : i32 to index
        %parallel_loop3A_1154 = arith.constant 0 : index
        %parallel_loop3A_1155 = tpu.vector_load %parallel_loop3A_1152[%parallel_loop3A_1153, %parallel_loop3A_1154] {strides = array<i32>} : memref<384x64xf32, #tpu.memory_space<vmem>>, vector<1x16xf32>,
        %parallel_loop3A_1156 = vector.shape_cast %parallel_loop3A_1155 : vector<1x16xf32> to vector<16xf32>
        %parallel_loop3A_1157 = arith.addf %parallel_loop3A_1146, %parallel_loop3A_1156 : vector<16xf32>
        %parallel_loop3A_1158 = arith.constant 0 : i32
        %parallel_loop3A_1159 = arith.constant 0 : i32
        %parallel_loop3A_1160 = tpu.memref_slice %arg10[%parallel_loop3A_758, %parallel_loop3A_1158, %parallel_loop3A_1159] : memref<2x128x64xf32, #tpu.memory_space<vmem>> -> memref<1x128x64xf32, #tpu.memory_space<vmem>>
        %parallel_loop3A_1161 = tpu.memref_squeeze %parallel_loop3A_1160 : memref<1x128x64xf32, #tpu.memory_space<vmem>> -> memref<128x64xf32, #tpu.memory_space<vmem>>
        %parallel_loop3A_1162 = arith.index_cast %parallel_loop3A_1123 : i32 to index
        %parallel_loop3A_1163 = arith.constant 0 : index
        %parallel_loop3A_1164 = tpu.vector_load %parallel_loop3A_1161[%parallel_loop3A_1162, %parallel_loop3A_1163] {strides = array<i32>} : memref<128x64xf32, #tpu.memory_space<vmem>>, vector<1x16xf32>,
        %parallel_loop3A_1165 = vector.shape_cast %parallel_loop3A_1164 : vector<1x16xf32> to vector<16xf32>
        %parallel_loop3A_1166 = arith.constant 0.333333343 : f32
        %parallel_loop3A_1167 = vector.broadcast %parallel_loop3A_1166 : f32 to vector<16xf32>
        %parallel_loop3A_1168 = arith.mulf %parallel_loop3A_1157, %parallel_loop3A_1167 : vector<16xf32>
        %parallel_loop3A_1169 = arith.addf %parallel_loop3A_1165, %parallel_loop3A_1168 : vector<16xf32>
        %parallel_loop3A_1170 = arith.constant 0 : i32
        %parallel_loop3A_1171 = arith.constant 0 : i32
        %parallel_loop3A_1172 = tpu.memref_slice %arg12[%parallel_loop3A_759, %parallel_loop3A_1170, %parallel_loop3A_1171] : memref<2x132x64xf32, #tpu.memory_space<vmem>> -> memref<1x132x64xf32, #tpu.memory_space<vmem>>
        %parallel_loop3A_1173 = tpu.memref_squeeze %parallel_loop3A_1172 : memref<1x132x64xf32, #tpu.memory_space<vmem>> -> memref<132x64xf32, #tpu.memory_space<vmem>>
        %parallel_loop3A_1174 = arith.index_cast %parallel_loop3A_1127 : i32 to index
        %parallel_loop3A_1175 = arith.constant 0 : index
        %parallel_loop3A_1176 = tpu.vector_load %parallel_loop3A_1173[%parallel_loop3A_1174, %parallel_loop3A_1175] {strides = array<i32>} : memref<132x64xf32, #tpu.memory_space<vmem>>, vector<1x16xf32>,
        %parallel_loop3A_1177 = vector.shape_cast %parallel_loop3A_1176 : vector<1x16xf32> to vector<16xf32>
        %parallel_loop3A_1178 = vector.shape_cast %parallel_loop3A_1169 : vector<16xf32> to vector<1x16xf32>
        tpu.vector_store %parallel_loop3A_1173[%parallel_loop3A_1174, %parallel_loop3A_1175], %parallel_loop3A_1178 {strides = array<i32>} : memref<132x64xf32, #tpu.memory_space<vmem>>, vector<1x16xf32>,
        %parallel_loop3A_1179 = arith.constant 0 : i32
        %parallel_loop3A_1180 = arith.constant 0 : i32
        %parallel_loop3A_1181 = tpu.memref_slice %arg11[%parallel_loop3A_757, %parallel_loop3A_1179, %parallel_loop3A_1180] : memref<2x384x64xf32, #tpu.memory_space<vmem>> -> memref<1x384x64xf32, #tpu.memory_space<vmem>>
        %parallel_loop3A_1182 = tpu.memref_squeeze %parallel_loop3A_1181 : memref<1x384x64xf32, #tpu.memory_space<vmem>> -> memref<384x64xf32, #tpu.memory_space<vmem>>
        %parallel_loop3A_1183 = arith.index_cast %parallel_loop3A_1125 : i32 to index
        %parallel_loop3A_1184 = arith.constant 16 : index
        %parallel_loop3A_1185 = tpu.vector_load %parallel_loop3A_1182[%parallel_loop3A_1183, %parallel_loop3A_1184] {strides = array<i32>} : memref<384x64xf32, #tpu.memory_space<vmem>>, vector<1x16xf32>,
        %parallel_loop3A_1186 = vector.shape_cast %parallel_loop3A_1185 : vector<1x16xf32> to vector<16xf32>
        %parallel_loop3A_1187 = arith.constant 1 : i32
        %parallel_loop3A_1188 = arith.addi %parallel_loop3A_1125, %parallel_loop3A_1187 : i32
        %parallel_loop3A_1189 = arith.constant 0 : i32
        %parallel_loop3A_1190 = arith.constant 0 : i32
        %parallel_loop3A_1191 = tpu.memref_slice %arg11[%parallel_loop3A_757, %parallel_loop3A_1189, %parallel_loop3A_1190] : memref<2x384x64xf32, #tpu.memory_space<vmem>> -> memref<1x384x64xf32, #tpu.memory_space<vmem>>
        %parallel_loop3A_1192 = tpu.memref_squeeze %parallel_loop3A_1191 : memref<1x384x64xf32, #tpu.memory_space<vmem>> -> memref<384x64xf32, #tpu.memory_space<vmem>>
        %parallel_loop3A_1193 = arith.index_cast %parallel_loop3A_1188 : i32 to index
        %parallel_loop3A_1194 = arith.constant 16 : index
        %parallel_loop3A_1195 = tpu.vector_load %parallel_loop3A_1192[%parallel_loop3A_1193, %parallel_loop3A_1194] {strides = array<i32>} : memref<384x64xf32, #tpu.memory_space<vmem>>, vector<1x16xf32>,
        %parallel_loop3A_1196 = vector.shape_cast %parallel_loop3A_1195 : vector<1x16xf32> to vector<16xf32>
        %parallel_loop3A_1197 = arith.addf %parallel_loop3A_1186, %parallel_loop3A_1196 : vector<16xf32>
        %parallel_loop3A_1198 = arith.constant 2 : i32
        %parallel_loop3A_1199 = arith.addi %parallel_loop3A_1125, %parallel_loop3A_1198 : i32
        %parallel_loop3A_1200 = arith.constant 0 : i32
        %parallel_loop3A_1201 = arith.constant 0 : i32
        %parallel_loop3A_1202 = tpu.memref_slice %arg11[%parallel_loop3A_757, %parallel_loop3A_1200, %parallel_loop3A_1201] : memref<2x384x64xf32, #tpu.memory_space<vmem>> -> memref<1x384x64xf32, #tpu.memory_space<vmem>>
        %parallel_loop3A_1203 = tpu.memref_squeeze %parallel_loop3A_1202 : memref<1x384x64xf32, #tpu.memory_space<vmem>> -> memref<384x64xf32, #tpu.memory_space<vmem>>
        %parallel_loop3A_1204 = arith.index_cast %parallel_loop3A_1199 : i32 to index
        %parallel_loop3A_1205 = arith.constant 16 : index
        %parallel_loop3A_1206 = tpu.vector_load %parallel_loop3A_1203[%parallel_loop3A_1204, %parallel_loop3A_1205] {strides = array<i32>} : memref<384x64xf32, #tpu.memory_space<vmem>>, vector<1x16xf32>,
        %parallel_loop3A_1207 = vector.shape_cast %parallel_loop3A_1206 : vector<1x16xf32> to vector<16xf32>
        %parallel_loop3A_1208 = arith.addf %parallel_loop3A_1197, %parallel_loop3A_1207 : vector<16xf32>
        %parallel_loop3A_1209 = arith.constant 0 : i32
        %parallel_loop3A_1210 = arith.constant 0 : i32
        %parallel_loop3A_1211 = tpu.memref_slice %arg10[%parallel_loop3A_758, %parallel_loop3A_1209, %parallel_loop3A_1210] : memref<2x128x64xf32, #tpu.memory_space<vmem>> -> memref<1x128x64xf32, #tpu.memory_space<vmem>>
        %parallel_loop3A_1212 = tpu.memref_squeeze %parallel_loop3A_1211 : memref<1x128x64xf32, #tpu.memory_space<vmem>> -> memref<128x64xf32, #tpu.memory_space<vmem>>
        %parallel_loop3A_1213 = arith.index_cast %parallel_loop3A_1123 : i32 to index
        %parallel_loop3A_1214 = arith.constant 16 : index
        %parallel_loop3A_1215 = tpu.vector_load %parallel_loop3A_1212[%parallel_loop3A_1213, %parallel_loop3A_1214] {strides = array<i32>} : memref<128x64xf32, #tpu.memory_space<vmem>>, vector<1x16xf32>,
        %parallel_loop3A_1216 = vector.shape_cast %parallel_loop3A_1215 : vector<1x16xf32> to vector<16xf32>
        %parallel_loop3A_1217 = arith.constant 0.333333343 : f32
        %parallel_loop3A_1218 = vector.broadcast %parallel_loop3A_1217 : f32 to vector<16xf32>
        %parallel_loop3A_1219 = arith.mulf %parallel_loop3A_1208, %parallel_loop3A_1218 : vector<16xf32>
        %parallel_loop3A_1220 = arith.addf %parallel_loop3A_1216, %parallel_loop3A_1219 : vector<16xf32>
        %parallel_loop3A_1221 = arith.constant 0 : i32
        %parallel_loop3A_1222 = arith.constant 0 : i32
        %parallel_loop3A_1223 = tpu.memref_slice %arg12[%parallel_loop3A_759, %parallel_loop3A_1221, %parallel_loop3A_1222] : memref<2x132x64xf32, #tpu.memory_space<vmem>> -> memref<1x132x64xf32, #tpu.memory_space<vmem>>
        %parallel_loop3A_1224 = tpu.memref_squeeze %parallel_loop3A_1223 : memref<1x132x64xf32, #tpu.memory_space<vmem>> -> memref<132x64xf32, #tpu.memory_space<vmem>>
        %parallel_loop3A_1225 = arith.index_cast %parallel_loop3A_1127 : i32 to index
        %parallel_loop3A_1226 = arith.constant 16 : index
        %parallel_loop3A_1227 = tpu.vector_load %parallel_loop3A_1224[%parallel_loop3A_1225, %parallel_loop3A_1226] {strides = array<i32>} : memref<132x64xf32, #tpu.memory_space<vmem>>, vector<1x16xf32>,
        %parallel_loop3A_1228 = vector.shape_cast %parallel_loop3A_1227 : vector<1x16xf32> to vector<16xf32>
        %parallel_loop3A_1229 = vector.shape_cast %parallel_loop3A_1220 : vector<16xf32> to vector<1x16xf32>
        tpu.vector_store %parallel_loop3A_1224[%parallel_loop3A_1225, %parallel_loop3A_1226], %parallel_loop3A_1229 {strides = array<i32>} : memref<132x64xf32, #tpu.memory_space<vmem>>, vector<1x16xf32>,
        %parallel_loop3A_1230 = arith.constant 0 : i32
        %parallel_loop3A_1231 = arith.constant 0 : i32
        %parallel_loop3A_1232 = tpu.memref_slice %arg11[%parallel_loop3A_757, %parallel_loop3A_1230, %parallel_loop3A_1231] : memref<2x384x64xf32, #tpu.memory_space<vmem>> -> memref<1x384x64xf32, #tpu.memory_space<vmem>>
        %parallel_loop3A_1233 = tpu.memref_squeeze %parallel_loop3A_1232 : memref<1x384x64xf32, #tpu.memory_space<vmem>> -> memref<384x64xf32, #tpu.memory_space<vmem>>
        %parallel_loop3A_1234 = arith.index_cast %parallel_loop3A_1125 : i32 to index
        %parallel_loop3A_1235 = arith.constant 32 : index
        %parallel_loop3A_1236 = tpu.vector_load %parallel_loop3A_1233[%parallel_loop3A_1234, %parallel_loop3A_1235] {strides = array<i32>} : memref<384x64xf32, #tpu.memory_space<vmem>>, vector<1x16xf32>,
        %parallel_loop3A_1237 = vector.shape_cast %parallel_loop3A_1236 : vector<1x16xf32> to vector<16xf32>
        %parallel_loop3A_1238 = arith.constant 1 : i32
        %parallel_loop3A_1239 = arith.addi %parallel_loop3A_1125, %parallel_loop3A_1238 : i32
        %parallel_loop3A_1240 = arith.constant 0 : i32
        %parallel_loop3A_1241 = arith.constant 0 : i32
        %parallel_loop3A_1242 = tpu.memref_slice %arg11[%parallel_loop3A_757, %parallel_loop3A_1240, %parallel_loop3A_1241] : memref<2x384x64xf32, #tpu.memory_space<vmem>> -> memref<1x384x64xf32, #tpu.memory_space<vmem>>
        %parallel_loop3A_1243 = tpu.memref_squeeze %parallel_loop3A_1242 : memref<1x384x64xf32, #tpu.memory_space<vmem>> -> memref<384x64xf32, #tpu.memory_space<vmem>>
        %parallel_loop3A_1244 = arith.index_cast %parallel_loop3A_1239 : i32 to index
        %parallel_loop3A_1245 = arith.constant 32 : index
        %parallel_loop3A_1246 = tpu.vector_load %parallel_loop3A_1243[%parallel_loop3A_1244, %parallel_loop3A_1245] {strides = array<i32>} : memref<384x64xf32, #tpu.memory_space<vmem>>, vector<1x16xf32>,
        %parallel_loop3A_1247 = vector.shape_cast %parallel_loop3A_1246 : vector<1x16xf32> to vector<16xf32>
        %parallel_loop3A_1248 = arith.addf %parallel_loop3A_1237, %parallel_loop3A_1247 : vector<16xf32>
        %parallel_loop3A_1249 = arith.constant 2 : i32
        %parallel_loop3A_1250 = arith.addi %parallel_loop3A_1125, %parallel_loop3A_1249 : i32
        %parallel_loop3A_1251 = arith.constant 0 : i32
        %parallel_loop3A_1252 = arith.constant 0 : i32
        %parallel_loop3A_1253 = tpu.memref_slice %arg11[%parallel_loop3A_757, %parallel_loop3A_1251, %parallel_loop3A_1252] : memref<2x384x64xf32, #tpu.memory_space<vmem>> -> memref<1x384x64xf32, #tpu.memory_space<vmem>>
        %parallel_loop3A_1254 = tpu.memref_squeeze %parallel_loop3A_1253 : memref<1x384x64xf32, #tpu.memory_space<vmem>> -> memref<384x64xf32, #tpu.memory_space<vmem>>
        %parallel_loop3A_1255 = arith.index_cast %parallel_loop3A_1250 : i32 to index
        %parallel_loop3A_1256 = arith.constant 32 : index
        %parallel_loop3A_1257 = tpu.vector_load %parallel_loop3A_1254[%parallel_loop3A_1255, %parallel_loop3A_1256] {strides = array<i32>} : memref<384x64xf32, #tpu.memory_space<vmem>>, vector<1x16xf32>,
        %parallel_loop3A_1258 = vector.shape_cast %parallel_loop3A_1257 : vector<1x16xf32> to vector<16xf32>
        %parallel_loop3A_1259 = arith.addf %parallel_loop3A_1248, %parallel_loop3A_1258 : vector<16xf32>
        %parallel_loop3A_1260 = arith.constant 0 : i32
        %parallel_loop3A_1261 = arith.constant 0 : i32
        %parallel_loop3A_1262 = tpu.memref_slice %arg10[%parallel_loop3A_758, %parallel_loop3A_1260, %parallel_loop3A_1261] : memref<2x128x64xf32, #tpu.memory_space<vmem>> -> memref<1x128x64xf32, #tpu.memory_space<vmem>>
        %parallel_loop3A_1263 = tpu.memref_squeeze %parallel_loop3A_1262 : memref<1x128x64xf32, #tpu.memory_space<vmem>> -> memref<128x64xf32, #tpu.memory_space<vmem>>
        %parallel_loop3A_1264 = arith.index_cast %parallel_loop3A_1123 : i32 to index
        %parallel_loop3A_1265 = arith.constant 32 : index
        %parallel_loop3A_1266 = tpu.vector_load %parallel_loop3A_1263[%parallel_loop3A_1264, %parallel_loop3A_1265] {strides = array<i32>} : memref<128x64xf32, #tpu.memory_space<vmem>>, vector<1x16xf32>,
        %parallel_loop3A_1267 = vector.shape_cast %parallel_loop3A_1266 : vector<1x16xf32> to vector<16xf32>
        %parallel_loop3A_1268 = arith.constant 0.333333343 : f32
        %parallel_loop3A_1269 = vector.broadcast %parallel_loop3A_1268 : f32 to vector<16xf32>
        %parallel_loop3A_1270 = arith.mulf %parallel_loop3A_1259, %parallel_loop3A_1269 : vector<16xf32>
        %parallel_loop3A_1271 = arith.addf %parallel_loop3A_1267, %parallel_loop3A_1270 : vector<16xf32>
        %parallel_loop3A_1272 = arith.constant 0 : i32
        %parallel_loop3A_1273 = arith.constant 0 : i32
        %parallel_loop3A_1274 = tpu.memref_slice %arg12[%parallel_loop3A_759, %parallel_loop3A_1272, %parallel_loop3A_1273] : memref<2x132x64xf32, #tpu.memory_space<vmem>> -> memref<1x132x64xf32, #tpu.memory_space<vmem>>
        %parallel_loop3A_1275 = tpu.memref_squeeze %parallel_loop3A_1274 : memref<1x132x64xf32, #tpu.memory_space<vmem>> -> memref<132x64xf32, #tpu.memory_space<vmem>>
        %parallel_loop3A_1276 = arith.index_cast %parallel_loop3A_1127 : i32 to index
        %parallel_loop3A_1277 = arith.constant 32 : index
        %parallel_loop3A_1278 = tpu.vector_load %parallel_loop3A_1275[%parallel_loop3A_1276, %parallel_loop3A_1277] {strides = array<i32>} : memref<132x64xf32, #tpu.memory_space<vmem>>, vector<1x16xf32>,
        %parallel_loop3A_1279 = vector.shape_cast %parallel_loop3A_1278 : vector<1x16xf32> to vector<16xf32>
        %parallel_loop3A_1280 = vector.shape_cast %parallel_loop3A_1271 : vector<16xf32> to vector<1x16xf32>
        tpu.vector_store %parallel_loop3A_1275[%parallel_loop3A_1276, %parallel_loop3A_1277], %parallel_loop3A_1280 {strides = array<i32>} : memref<132x64xf32, #tpu.memory_space<vmem>>, vector<1x16xf32>,
        %parallel_loop3A_1281 = arith.constant 0 : i32
        %parallel_loop3A_1282 = arith.constant 0 : i32
        %parallel_loop3A_1283 = tpu.memref_slice %arg11[%parallel_loop3A_757, %parallel_loop3A_1281, %parallel_loop3A_1282] : memref<2x384x64xf32, #tpu.memory_space<vmem>> -> memref<1x384x64xf32, #tpu.memory_space<vmem>>
        %parallel_loop3A_1284 = tpu.memref_squeeze %parallel_loop3A_1283 : memref<1x384x64xf32, #tpu.memory_space<vmem>> -> memref<384x64xf32, #tpu.memory_space<vmem>>
        %parallel_loop3A_1285 = arith.index_cast %parallel_loop3A_1125 : i32 to index
        %parallel_loop3A_1286 = arith.constant 48 : index
        %parallel_loop3A_1287 = tpu.vector_load %parallel_loop3A_1284[%parallel_loop3A_1285, %parallel_loop3A_1286] {strides = array<i32>} : memref<384x64xf32, #tpu.memory_space<vmem>>, vector<1x16xf32>,
        %parallel_loop3A_1288 = vector.shape_cast %parallel_loop3A_1287 : vector<1x16xf32> to vector<16xf32>
        %parallel_loop3A_1289 = arith.constant 1 : i32
        %parallel_loop3A_1290 = arith.addi %parallel_loop3A_1125, %parallel_loop3A_1289 : i32
        %parallel_loop3A_1291 = arith.constant 0 : i32
        %parallel_loop3A_1292 = arith.constant 0 : i32
        %parallel_loop3A_1293 = tpu.memref_slice %arg11[%parallel_loop3A_757, %parallel_loop3A_1291, %parallel_loop3A_1292] : memref<2x384x64xf32, #tpu.memory_space<vmem>> -> memref<1x384x64xf32, #tpu.memory_space<vmem>>
        %parallel_loop3A_1294 = tpu.memref_squeeze %parallel_loop3A_1293 : memref<1x384x64xf32, #tpu.memory_space<vmem>> -> memref<384x64xf32, #tpu.memory_space<vmem>>
        %parallel_loop3A_1295 = arith.index_cast %parallel_loop3A_1290 : i32 to index
        %parallel_loop3A_1296 = arith.constant 48 : index
        %parallel_loop3A_1297 = tpu.vector_load %parallel_loop3A_1294[%parallel_loop3A_1295, %parallel_loop3A_1296] {strides = array<i32>} : memref<384x64xf32, #tpu.memory_space<vmem>>, vector<1x16xf32>,
        %parallel_loop3A_1298 = vector.shape_cast %parallel_loop3A_1297 : vector<1x16xf32> to vector<16xf32>
        %parallel_loop3A_1299 = arith.addf %parallel_loop3A_1288, %parallel_loop3A_1298 : vector<16xf32>
        %parallel_loop3A_1300 = arith.constant 2 : i32
        %parallel_loop3A_1301 = arith.addi %parallel_loop3A_1125, %parallel_loop3A_1300 : i32
        %parallel_loop3A_1302 = arith.constant 0 : i32
        %parallel_loop3A_1303 = arith.constant 0 : i32
        %parallel_loop3A_1304 = tpu.memref_slice %arg11[%parallel_loop3A_757, %parallel_loop3A_1302, %parallel_loop3A_1303] : memref<2x384x64xf32, #tpu.memory_space<vmem>> -> memref<1x384x64xf32, #tpu.memory_space<vmem>>
        %parallel_loop3A_1305 = tpu.memref_squeeze %parallel_loop3A_1304 : memref<1x384x64xf32, #tpu.memory_space<vmem>> -> memref<384x64xf32, #tpu.memory_space<vmem>>
        %parallel_loop3A_1306 = arith.index_cast %parallel_loop3A_1301 : i32 to index
        %parallel_loop3A_1307 = arith.constant 48 : index
        %parallel_loop3A_1308 = tpu.vector_load %parallel_loop3A_1305[%parallel_loop3A_1306, %parallel_loop3A_1307] {strides = array<i32>} : memref<384x64xf32, #tpu.memory_space<vmem>>, vector<1x16xf32>,
        %parallel_loop3A_1309 = vector.shape_cast %parallel_loop3A_1308 : vector<1x16xf32> to vector<16xf32>
        %parallel_loop3A_1310 = arith.addf %parallel_loop3A_1299, %parallel_loop3A_1309 : vector<16xf32>
        %parallel_loop3A_1311 = arith.constant 0 : i32
        %parallel_loop3A_1312 = arith.constant 0 : i32
        %parallel_loop3A_1313 = tpu.memref_slice %arg10[%parallel_loop3A_758, %parallel_loop3A_1311, %parallel_loop3A_1312] : memref<2x128x64xf32, #tpu.memory_space<vmem>> -> memref<1x128x64xf32, #tpu.memory_space<vmem>>
        %parallel_loop3A_1314 = tpu.memref_squeeze %parallel_loop3A_1313 : memref<1x128x64xf32, #tpu.memory_space<vmem>> -> memref<128x64xf32, #tpu.memory_space<vmem>>
        %parallel_loop3A_1315 = arith.index_cast %parallel_loop3A_1123 : i32 to index
        %parallel_loop3A_1316 = arith.constant 48 : index
        %parallel_loop3A_1317 = tpu.vector_load %parallel_loop3A_1314[%parallel_loop3A_1315, %parallel_loop3A_1316] {strides = array<i32>} : memref<128x64xf32, #tpu.memory_space<vmem>>, vector<1x16xf32>,
        %parallel_loop3A_1318 = vector.shape_cast %parallel_loop3A_1317 : vector<1x16xf32> to vector<16xf32>
        %parallel_loop3A_1319 = arith.constant 0.333333343 : f32
        %parallel_loop3A_1320 = vector.broadcast %parallel_loop3A_1319 : f32 to vector<16xf32>
        %parallel_loop3A_1321 = arith.mulf %parallel_loop3A_1310, %parallel_loop3A_1320 : vector<16xf32>
        %parallel_loop3A_1322 = arith.addf %parallel_loop3A_1318, %parallel_loop3A_1321 : vector<16xf32>
        %parallel_loop3A_1323 = arith.constant 0 : i32
        %parallel_loop3A_1324 = arith.constant 0 : i32
        %parallel_loop3A_1325 = tpu.memref_slice %arg12[%parallel_loop3A_759, %parallel_loop3A_1323, %parallel_loop3A_1324] : memref<2x132x64xf32, #tpu.memory_space<vmem>> -> memref<1x132x64xf32, #tpu.memory_space<vmem>>
        %parallel_loop3A_1326 = tpu.memref_squeeze %parallel_loop3A_1325 : memref<1x132x64xf32, #tpu.memory_space<vmem>> -> memref<132x64xf32, #tpu.memory_space<vmem>>
        %parallel_loop3A_1327 = arith.index_cast %parallel_loop3A_1127 : i32 to index
        %parallel_loop3A_1328 = arith.constant 48 : index
        %parallel_loop3A_1329 = tpu.vector_load %parallel_loop3A_1326[%parallel_loop3A_1327, %parallel_loop3A_1328] {strides = array<i32>} : memref<132x64xf32, #tpu.memory_space<vmem>>, vector<1x16xf32>,
        %parallel_loop3A_1330 = vector.shape_cast %parallel_loop3A_1329 : vector<1x16xf32> to vector<16xf32>
        %parallel_loop3A_1331 = vector.shape_cast %parallel_loop3A_1322 : vector<16xf32> to vector<1x16xf32>
        tpu.vector_store %parallel_loop3A_1326[%parallel_loop3A_1327, %parallel_loop3A_1328], %parallel_loop3A_1331 {strides = array<i32>} : memref<132x64xf32, #tpu.memory_space<vmem>>, vector<1x16xf32>,
      } {sc.loop_unroll_factor = 4 : i64, sc.parallel_access}
      %mul3A_760 = arith.constant 64 : i32
      %mul3A_761 = arith.muli %add3A, %mul3A_760 : i32
      %add3A_762 = arith.addi %mul3A_761, %add3A_462 : i32
      %jit3A_763 = arith.constant 128 : i32
      %div3A_764 = arith.divsi %add3A_762, %jit3A_763 : i32
      %sign3A_765 = arith.constant 0 : i32
      %sign3A_766 = arith.cmpi sgt, %add3A_762, %sign3A_765 : i32
      %sign3A_767 = arith.extui %sign3A_766 : i1 to i32
      %sign3A_768 = arith.constant 0 : i32
      %sign3A_769 = arith.cmpi slt, %add3A_762, %sign3A_768 : i32
      %sign3A_770 = arith.extui %sign3A_769 : i1 to i32
      %sign3A_771 = arith.subi %sign3A_767, %sign3A_770 : i32
      %sign3A_772 = arith.constant 0 : i32
      %sign3A_773 = arith.cmpi sgt, %jit3A_763, %sign3A_772 : i32
      %sign3A_774 = arith.extui %sign3A_773 : i1 to i32
      %sign3A_775 = arith.constant 0 : i32
      %sign3A_776 = arith.cmpi slt, %jit3A_763, %sign3A_775 : i32
      %sign3A_777 = arith.extui %sign3A_776 : i1 to i32
      %sign3A_778 = arith.subi %sign3A_774, %sign3A_777 : i32
      %ne3A_779 = arith.cmpi ne, %sign3A_771, %sign3A_778 : i32
      %rem3A_780 = arith.remsi %add3A_762, %jit3A_763 : i32
      %ne3A_781 = arith.constant 0 : i32
      %ne3A_782 = arith.cmpi ne, %rem3A_780, %ne3A_781 : i32
      %and3A_783 = arith.andi %ne3A_779, %ne3A_782 : i1
      %sub3A_784 = arith.constant 1 : i32
      %sub3A_785 = arith.subi %div3A_764, %sub3A_784 : i32
      %select_n3A_786 = arith.select %and3A_783, %sub3A_785, %div3A_764 : i32
      %mul3A_787 = arith.constant 128 : i32
      %mul3A_788 = arith.muli %select_n3A_786, %mul3A_787 : i32
      %sub3A_789 = arith.subi %add3A_762, %mul3A_788 : i32
      %add3A_790 = arith.constant 4 : i32
      %add3A_791 = arith.addi %sub3A_789, %add3A_790 : i32
      %dma_start3A_792 = arith.constant 0 : i32
      %dma_start3A_793 = arith.constant 0 : i32
      %dma_start3A_794 = arith.constant 0 : i32
      %dma_start3A_795 = tpu.memref_slice %arg12[%dma_start3A_792, %dma_start3A_793, %dma_start3A_794] : memref<2x132x64xf32, #tpu.memory_space<vmem>> -> memref<1x132x64xf32, #tpu.memory_space<vmem>>
      %dma_start3A_796 = tpu.memref_squeeze %dma_start3A_795 : memref<1x132x64xf32, #tpu.memory_space<vmem>> -> memref<132x64xf32, #tpu.memory_space<vmem>>
      %dma_start3A_797 = arith.constant 0 : i32
      %dma_start3A_798 = arith.constant 0 : i32
      %dma_start3A_799 = tpu.memref_slice %arg7[%select_n3A_786, %add3A_791, %dma_start3A_797, %dma_start3A_798] : memref<16x132x132x64xf32, #tpu.memory_space<hbm>> -> memref<1x1x132x64xf32, #tpu.memory_space<hbm>>
      %dma_start3A_800 = tpu.memref_squeeze %dma_start3A_799 : memref<1x1x132x64xf32, #tpu.memory_space<hbm>> -> memref<132x64xf32, #tpu.memory_space<hbm>>
      %dma_start3A_801 = arith.constant 0 : i32
      %dma_start3A_802 = arith.constant 0 : i32
      %dma_start3A_803 = tpu.memref_slice %arg7[%select_n3A_786, %add3A_791, %dma_start3A_801, %dma_start3A_802] : memref<16x132x132x64xf32, #tpu.memory_space<hbm>> -> memref<1x1x132x64xf32, #tpu.memory_space<hbm>>
      %dma_start3A_804 = tpu.memref_squeeze %dma_start3A_803 : memref<1x1x132x64xf32, #tpu.memory_space<hbm>> -> memref<132x64xf32, #tpu.memory_space<hbm>>
      %dma_start3A_805 = arith.constant 0 : i32
      %dma_start3A_806 = arith.constant 0 : i32
      %dma_start3A_807 = tpu.memref_slice %arg12[%dma_start3A_792, %dma_start3A_805, %dma_start3A_806] : memref<2x132x64xf32, #tpu.memory_space<vmem>> -> memref<1x132x64xf32, #tpu.memory_space<vmem>>
      %dma_start3A_808 = tpu.memref_squeeze %dma_start3A_807 : memref<1x132x64xf32, #tpu.memory_space<vmem>> -> memref<132x64xf32, #tpu.memory_space<vmem>>
      tpu.enqueue_dma source(%dma_start3A_808 : memref<132x64xf32, #tpu.memory_space<vmem>>) target(%dma_start3A_804 : memref<132x64xf32, #tpu.memory_space<hbm>>) target_semaphore(%arg21 : memref<!tpu.dma_semaphore, #tpu.memory_space<semaphore_mem>>)
      %dma_wait3A_809 = arith.constant 1 : i32
      %dma_wait3A_810 = arith.constant 1 : i32
      %dma_wait3A_811 = arith.constant 0 : i32
      %dma_wait3A_812 = arith.constant 0 : i32
      %dma_wait3A_813 = tpu.memref_slice %arg10[%dma_wait3A_810, %dma_wait3A_811, %dma_wait3A_812] : memref<2x128x64xf32, #tpu.memory_space<vmem>> -> memref<1x128x64xf32, #tpu.memory_space<vmem>>
      %dma_wait3A_814 = tpu.memref_squeeze %dma_wait3A_813 : memref<1x128x64xf32, #tpu.memory_space<vmem>> -> memref<128x64xf32, #tpu.memory_space<vmem>>
      %dma_wait3A_815 = arith.constant 0 : i32
      %dma_wait3A_816 = tpu.memref_slice %arg8[%dma_wait3A_809, %dma_wait3A_815] : memref<2x128xi32, #tpu.memory_space<vmem>> -> memref<1x128xi32, #tpu.memory_space<vmem>>
      %dma_wait3A_817 = tpu.memref_squeeze %dma_wait3A_816 : memref<1x128xi32, #tpu.memory_space<vmem>> -> memref<128xi32, #tpu.memory_space<vmem>>
      %dma_wait3A_818 = arith.constant 0 : i32
      %dma_wait3A_819 = arith.constant 0 : i32
      %dma_wait3A_820 = tpu.memref_slice %arg15[%dma_wait3A_818, %dma_wait3A_819] : memref<512x64xf32, #tpu.memory_space<vmem_shared>> -> memref<512x64xf32, #tpu.memory_space<vmem_shared>>
      tpu.wait_indirect_dma semaphore(%arg20 : memref<!tpu.dma_semaphore, #tpu.memory_space<semaphore_mem>>) src(%dma_wait3A_820 : memref<512x64xf32, #tpu.memory_space<vmem_shared>>) dst(%dma_wait3A_814 : memref<128x64xf32, #tpu.memory_space<vmem>>)
      %dma_wait3A_821 = arith.constant 1 : i32
      %dma_wait3A_822 = arith.constant 0 : i32
      %dma_wait3A_823 = arith.constant 1 : i32
      %dma_wait3A_824 = arith.constant 0 : i32
      %dma_wait3A_825 = arith.constant 0 : i32
      %dma_wait3A_826 = tpu.memref_slice %arg11[%dma_wait3A_823, %dma_wait3A_824, %dma_wait3A_825] : memref<2x384x64xf32, #tpu.memory_space<vmem>> -> memref<1x384x64xf32, #tpu.memory_space<vmem>>
      %dma_wait3A_827 = tpu.memref_squeeze %dma_wait3A_826 : memref<1x384x64xf32, #tpu.memory_space<vmem>> -> memref<384x64xf32, #tpu.memory_space<vmem>>
      %dma_wait3A_828 = arith.constant 0 : i32
      %dma_wait3A_829 = arith.constant 0 : i32
      %dma_wait3A_830 = tpu.memref_slice %dma_wait3A_827[%dma_wait3A_828, %dma_wait3A_829] : memref<384x64xf32, #tpu.memory_space<vmem>> -> memref<128x64xf32, #tpu.memory_space<vmem>>
      %dma_wait3A_831 = arith.constant 0 : i32
      %dma_wait3A_832 = arith.constant 0 : i32
      %dma_wait3A_833 = tpu.memref_slice %arg9[%dma_wait3A_821, %dma_wait3A_831, %dma_wait3A_832] : memref<2x3x128xi32, #tpu.memory_space<vmem>> -> memref<1x3x128xi32, #tpu.memory_space<vmem>>
      %dma_wait3A_834 = tpu.memref_squeeze %dma_wait3A_833 : memref<1x3x128xi32, #tpu.memory_space<vmem>> -> memref<3x128xi32, #tpu.memory_space<vmem>>
      %dma_wait3A_835 = arith.constant 0 : i32
      %dma_wait3A_836 = tpu.memref_slice %dma_wait3A_834[%dma_wait3A_822, %dma_wait3A_835] : memref<3x128xi32, #tpu.memory_space<vmem>> -> memref<1x128xi32, #tpu.memory_space<vmem>>
      %dma_wait3A_837 = tpu.memref_squeeze %dma_wait3A_836 : memref<1x128xi32, #tpu.memory_space<vmem>> -> memref<128xi32, #tpu.memory_space<vmem>>
      %dma_wait3A_838 = arith.constant 0 : i32
      %dma_wait3A_839 = arith.constant 0 : i32
      %dma_wait3A_840 = tpu.memref_slice %arg16[%dma_wait3A_838, %dma_wait3A_839] : memref<1024x64xf32, #tpu.memory_space<vmem_shared>> -> memref<1024x64xf32, #tpu.memory_space<vmem_shared>>
      tpu.wait_indirect_dma semaphore(%arg20 : memref<!tpu.dma_semaphore, #tpu.memory_space<semaphore_mem>>) src(%dma_wait3A_840 : memref<1024x64xf32, #tpu.memory_space<vmem_shared>>) dst(%dma_wait3A_830 : memref<128x64xf32, #tpu.memory_space<vmem>>)
      %dma_wait3A_841 = arith.constant 1 : i32
      %dma_wait3A_842 = arith.constant 1 : i32
      %dma_wait3A_843 = arith.constant 1 : i32
      %dma_wait3A_844 = arith.constant 0 : i32
      %dma_wait3A_845 = arith.constant 0 : i32
      %dma_wait3A_846 = tpu.memref_slice %arg11[%dma_wait3A_843, %dma_wait3A_844, %dma_wait3A_845] : memref<2x384x64xf32, #tpu.memory_space<vmem>> -> memref<1x384x64xf32, #tpu.memory_space<vmem>>
      %dma_wait3A_847 = tpu.memref_squeeze %dma_wait3A_846 : memref<1x384x64xf32, #tpu.memory_space<vmem>> -> memref<384x64xf32, #tpu.memory_space<vmem>>
      %dma_wait3A_848 = arith.constant 128 : i32
      %dma_wait3A_849 = arith.constant 0 : i32
      %dma_wait3A_850 = tpu.memref_slice %dma_wait3A_847[%dma_wait3A_848, %dma_wait3A_849] : memref<384x64xf32, #tpu.memory_space<vmem>> -> memref<128x64xf32, #tpu.memory_space<vmem>>
      %dma_wait3A_851 = arith.constant 0 : i32
      %dma_wait3A_852 = arith.constant 0 : i32
      %dma_wait3A_853 = tpu.memref_slice %arg9[%dma_wait3A_841, %dma_wait3A_851, %dma_wait3A_852] : memref<2x3x128xi32, #tpu.memory_space<vmem>> -> memref<1x3x128xi32, #tpu.memory_space<vmem>>
      %dma_wait3A_854 = tpu.memref_squeeze %dma_wait3A_853 : memref<1x3x128xi32, #tpu.memory_space<vmem>> -> memref<3x128xi32, #tpu.memory_space<vmem>>
      %dma_wait3A_855 = arith.constant 0 : i32
      %dma_wait3A_856 = tpu.memref_slice %dma_wait3A_854[%dma_wait3A_842, %dma_wait3A_855] : memref<3x128xi32, #tpu.memory_space<vmem>> -> memref<1x128xi32, #tpu.memory_space<vmem>>
      %dma_wait3A_857 = tpu.memref_squeeze %dma_wait3A_856 : memref<1x128xi32, #tpu.memory_space<vmem>> -> memref<128xi32, #tpu.memory_space<vmem>>
      %dma_wait3A_858 = arith.constant 0 : i32
      %dma_wait3A_859 = arith.constant 0 : i32
      %dma_wait3A_860 = tpu.memref_slice %arg16[%dma_wait3A_858, %dma_wait3A_859] : memref<1024x64xf32, #tpu.memory_space<vmem_shared>> -> memref<1024x64xf32, #tpu.memory_space<vmem_shared>>
      tpu.wait_indirect_dma semaphore(%arg20 : memref<!tpu.dma_semaphore, #tpu.memory_space<semaphore_mem>>) src(%dma_wait3A_860 : memref<1024x64xf32, #tpu.memory_space<vmem_shared>>) dst(%dma_wait3A_850 : memref<128x64xf32, #tpu.memory_space<vmem>>)
      %dma_wait3A_861 = arith.constant 1 : i32
      %dma_wait3A_862 = arith.constant 2 : i32
      %dma_wait3A_863 = arith.constant 1 : i32
      %dma_wait3A_864 = arith.constant 0 : i32
      %dma_wait3A_865 = arith.constant 0 : i32
      %dma_wait3A_866 = tpu.memref_slice %arg11[%dma_wait3A_863, %dma_wait3A_864, %dma_wait3A_865] : memref<2x384x64xf32, #tpu.memory_space<vmem>> -> memref<1x384x64xf32, #tpu.memory_space<vmem>>
      %dma_wait3A_867 = tpu.memref_squeeze %dma_wait3A_866 : memref<1x384x64xf32, #tpu.memory_space<vmem>> -> memref<384x64xf32, #tpu.memory_space<vmem>>
      %dma_wait3A_868 = arith.constant 256 : i32
      %dma_wait3A_869 = arith.constant 0 : i32
      %dma_wait3A_870 = tpu.memref_slice %dma_wait3A_867[%dma_wait3A_868, %dma_wait3A_869] : memref<384x64xf32, #tpu.memory_space<vmem>> -> memref<128x64xf32, #tpu.memory_space<vmem>>
      %dma_wait3A_871 = arith.constant 0 : i32
      %dma_wait3A_872 = arith.constant 0 : i32
      %dma_wait3A_873 = tpu.memref_slice %arg9[%dma_wait3A_861, %dma_wait3A_871, %dma_wait3A_872] : memref<2x3x128xi32, #tpu.memory_space<vmem>> -> memref<1x3x128xi32, #tpu.memory_space<vmem>>
      %dma_wait3A_874 = tpu.memref_squeeze %dma_wait3A_873 : memref<1x3x128xi32, #tpu.memory_space<vmem>> -> memref<3x128xi32, #tpu.memory_space<vmem>>
      %dma_wait3A_875 = arith.constant 0 : i32
      %dma_wait3A_876 = tpu.memref_slice %dma_wait3A_874[%dma_wait3A_862, %dma_wait3A_875] : memref<3x128xi32, #tpu.memory_space<vmem>> -> memref<1x128xi32, #tpu.memory_space<vmem>>
      %dma_wait3A_877 = tpu.memref_squeeze %dma_wait3A_876 : memref<1x128xi32, #tpu.memory_space<vmem>> -> memref<128xi32, #tpu.memory_space<vmem>>
      %dma_wait3A_878 = arith.constant 0 : i32
      %dma_wait3A_879 = arith.constant 0 : i32
      %dma_wait3A_880 = tpu.memref_slice %arg16[%dma_wait3A_878, %dma_wait3A_879] : memref<1024x64xf32, #tpu.memory_space<vmem_shared>> -> memref<1024x64xf32, #tpu.memory_space<vmem_shared>>
      tpu.wait_indirect_dma semaphore(%arg20 : memref<!tpu.dma_semaphore, #tpu.memory_space<semaphore_mem>>) src(%dma_wait3A_880 : memref<1024x64xf32, #tpu.memory_space<vmem_shared>>) dst(%dma_wait3A_870 : memref<128x64xf32, #tpu.memory_space<vmem>>)
      %dma_wait3A_881 = arith.constant 0 : i32
      %dma_wait3A_882 = arith.constant 0 : i32
      %dma_wait3A_883 = arith.constant 0 : i32
      %dma_wait3A_884 = arith.constant 0 : i32
      %dma_wait3A_885 = tpu.memref_slice %arg8[%dma_wait3A_883, %dma_wait3A_884] : memref<2x128xi32, #tpu.memory_space<vmem>> -> memref<1x128xi32, #tpu.memory_space<vmem>>
      %dma_wait3A_886 = tpu.memref_squeeze %dma_wait3A_885 : memref<1x128xi32, #tpu.memory_space<vmem>> -> memref<128xi32, #tpu.memory_space<vmem>>
      %dma_wait3A_887 = arith.constant 0 : i32
      %dma_wait3A_888 = tpu.memref_slice %arg2[%dma_wait3A_881, %dma_wait3A_882, %dma_wait3A_887] : memref<16x128x128xi32, #tpu.memory_space<hbm>> -> memref<1x1x128xi32, #tpu.memory_space<hbm>>
      %dma_wait3A_889 = tpu.memref_squeeze %dma_wait3A_888 : memref<1x1x128xi32, #tpu.memory_space<hbm>> -> memref<128xi32, #tpu.memory_space<hbm>>
      %dma_wait3A_890 = arith.constant 0 : i32
      %dma_wait3A_891 = tpu.memref_slice %arg8[%dma_wait3A_883, %dma_wait3A_890] : memref<2x128xi32, #tpu.memory_space<vmem>> -> memref<1x128xi32, #tpu.memory_space<vmem>>
      %dma_wait3A_892 = tpu.memref_squeeze %dma_wait3A_891 : memref<1x128xi32, #tpu.memory_space<vmem>> -> memref<128xi32, #tpu.memory_space<vmem>>
      %dma_wait3A_893 = arith.constant 0 : i32
      %dma_wait3A_894 = tpu.memref_slice %arg2[%dma_wait3A_881, %dma_wait3A_882, %dma_wait3A_893] : memref<16x128x128xi32, #tpu.memory_space<hbm>> -> memref<1x1x128xi32, #tpu.memory_space<hbm>>
      %dma_wait3A_895 = tpu.memref_squeeze %dma_wait3A_894 : memref<1x1x128xi32, #tpu.memory_space<hbm>> -> memref<128xi32, #tpu.memory_space<hbm>>
      tpu.wait_dma2 semaphore(%arg17 : memref<!tpu.dma_semaphore, #tpu.memory_space<semaphore_mem>>) src(%dma_wait3A_895 : memref<128xi32, #tpu.memory_space<hbm>>) dst(%dma_wait3A_892 : memref<128xi32, #tpu.memory_space<vmem>>)
      %dma_wait3A_896 = arith.constant 0 : i32
      %dma_wait3A_897 = arith.constant 0 : i32
      %dma_wait3A_898 = arith.constant 0 : i32
      %dma_wait3A_899 = arith.constant 0 : i32
      %dma_wait3A_900 = arith.constant 0 : i32
      %dma_wait3A_901 = tpu.memref_slice %arg9[%dma_wait3A_898, %dma_wait3A_899, %dma_wait3A_900] : memref<2x3x128xi32, #tpu.memory_space<vmem>> -> memref<1x3x128xi32, #tpu.memory_space<vmem>>
      %dma_wait3A_902 = tpu.memref_squeeze %dma_wait3A_901 : memref<1x3x128xi32, #tpu.memory_space<vmem>> -> memref<3x128xi32, #tpu.memory_space<vmem>>
      %dma_wait3A_903 = arith.constant 0 : i32
      %dma_wait3A_904 = arith.constant 0 : i32
      %dma_wait3A_905 = tpu.memref_slice %arg3[%dma_wait3A_896, %dma_wait3A_897, %dma_wait3A_903, %dma_wait3A_904] : memref<16x128x3x128xi32, #tpu.memory_space<hbm>> -> memref<1x1x3x128xi32, #tpu.memory_space<hbm>>
      %dma_wait3A_906 = tpu.memref_squeeze %dma_wait3A_905 : memref<1x1x3x128xi32, #tpu.memory_space<hbm>> -> memref<3x128xi32, #tpu.memory_space<hbm>>
      %dma_wait3A_907 = arith.constant 0 : i32
      %dma_wait3A_908 = arith.constant 0 : i32
      %dma_wait3A_909 = tpu.memref_slice %arg9[%dma_wait3A_898, %dma_wait3A_907, %dma_wait3A_908] : memref<2x3x128xi32, #tpu.memory_space<vmem>> -> memref<1x3x128xi32, #tpu.memory_space<vmem>>
      %dma_wait3A_910 = tpu.memref_squeeze %dma_wait3A_909 : memref<1x3x128xi32, #tpu.memory_space<vmem>> -> memref<3x128xi32, #tpu.memory_space<vmem>>
      %dma_wait3A_911 = arith.constant 0 : i32
      %dma_wait3A_912 = arith.constant 0 : i32
      %dma_wait3A_913 = tpu.memref_slice %arg3[%dma_wait3A_896, %dma_wait3A_897, %dma_wait3A_911, %dma_wait3A_912] : memref<16x128x3x128xi32, #tpu.memory_space<hbm>> -> memref<1x1x3x128xi32, #tpu.memory_space<hbm>>
      %dma_wait3A_914 = tpu.memref_squeeze %dma_wait3A_913 : memref<1x1x3x128xi32, #tpu.memory_space<hbm>> -> memref<3x128xi32, #tpu.memory_space<hbm>>
      tpu.wait_dma2 semaphore(%arg17 : memref<!tpu.dma_semaphore, #tpu.memory_space<semaphore_mem>>) src(%dma_wait3A_914 : memref<3x128xi32, #tpu.memory_space<hbm>>) dst(%dma_wait3A_910 : memref<3x128xi32, #tpu.memory_space<vmem>>)
      %dma_start3A_915 = arith.constant 0 : i32
      %dma_start3A_916 = arith.constant 0 : i32
      %dma_start3A_917 = arith.constant 0 : i32
      %dma_start3A_918 = arith.constant 0 : i32
      %dma_start3A_919 = tpu.memref_slice %arg10[%dma_start3A_916, %dma_start3A_917, %dma_start3A_918] : memref<2x128x64xf32, #tpu.memory_space<vmem>> -> memref<1x128x64xf32, #tpu.memory_space<vmem>>
      %dma_start3A_920 = tpu.memref_squeeze %dma_start3A_919 : memref<1x128x64xf32, #tpu.memory_space<vmem>> -> memref<128x64xf32, #tpu.memory_space<vmem>>
      %dma_start3A_921 = arith.constant 0 : i32
      %dma_start3A_922 = tpu.memref_slice %arg8[%dma_start3A_915, %dma_start3A_921] : memref<2x128xi32, #tpu.memory_space<vmem>> -> memref<1x128xi32, #tpu.memory_space<vmem>>
      %dma_start3A_923 = tpu.memref_squeeze %dma_start3A_922 : memref<1x128xi32, #tpu.memory_space<vmem>> -> memref<128xi32, #tpu.memory_space<vmem>>
      %dma_start3A_924 = arith.constant 0 : i32
      %dma_start3A_925 = arith.constant 0 : i32
      %dma_start3A_926 = tpu.memref_slice %arg15[%dma_start3A_924, %dma_start3A_925] : memref<512x64xf32, #tpu.memory_space<vmem_shared>> -> memref<512x64xf32, #tpu.memory_space<vmem_shared>>
      tpu.enqueue_indirect_dma source(%dma_start3A_926 : memref<512x64xf32, #tpu.memory_space<vmem_shared>>) target(%dma_start3A_920 : memref<128x64xf32, #tpu.memory_space<vmem>>) offsets(%dma_start3A_923 : memref<128xi32, #tpu.memory_space<vmem>>) semaphore(%arg19 : memref<!tpu.dma_semaphore, #tpu.memory_space<semaphore_mem>>)
      %dma_start3A_927 = arith.constant 0 : i32
      %dma_start3A_928 = arith.constant 0 : i32
      %dma_start3A_929 = arith.constant 0 : i32
      %dma_start3A_930 = arith.constant 0 : i32
      %dma_start3A_931 = arith.constant 0 : i32
      %dma_start3A_932 = tpu.memref_slice %arg11[%dma_start3A_929, %dma_start3A_930, %dma_start3A_931] : memref<2x384x64xf32, #tpu.memory_space<vmem>> -> memref<1x384x64xf32, #tpu.memory_space<vmem>>
      %dma_start3A_933 = tpu.memref_squeeze %dma_start3A_932 : memref<1x384x64xf32, #tpu.memory_space<vmem>> -> memref<384x64xf32, #tpu.memory_space<vmem>>
      %dma_start3A_934 = arith.constant 0 : i32
      %dma_start3A_935 = arith.constant 0 : i32
      %dma_start3A_936 = tpu.memref_slice %dma_start3A_933[%dma_start3A_934, %dma_start3A_935] : memref<384x64xf32, #tpu.memory_space<vmem>> -> memref<128x64xf32, #tpu.memory_space<vmem>>
      %dma_start3A_937 = arith.constant 0 : i32
      %dma_start3A_938 = arith.constant 0 : i32
      %dma_start3A_939 = tpu.memref_slice %arg9[%dma_start3A_927, %dma_start3A_937, %dma_start3A_938] : memref<2x3x128xi32, #tpu.memory_space<vmem>> -> memref<1x3x128xi32, #tpu.memory_space<vmem>>
      %dma_start3A_940 = tpu.memref_squeeze %dma_start3A_939 : memref<1x3x128xi32, #tpu.memory_space<vmem>> -> memref<3x128xi32, #tpu.memory_space<vmem>>
      %dma_start3A_941 = arith.constant 0 : i32
      %dma_start3A_942 = tpu.memref_slice %dma_start3A_940[%dma_start3A_928, %dma_start3A_941] : memref<3x128xi32, #tpu.memory_space<vmem>> -> memref<1x128xi32, #tpu.memory_space<vmem>>
      %dma_start3A_943 = tpu.memref_squeeze %dma_start3A_942 : memref<1x128xi32, #tpu.memory_space<vmem>> -> memref<128xi32, #tpu.memory_space<vmem>>
      %dma_start3A_944 = arith.constant 0 : i32
      %dma_start3A_945 = arith.constant 0 : i32
      %dma_start3A_946 = tpu.memref_slice %arg16[%dma_start3A_944, %dma_start3A_945] : memref<1024x64xf32, #tpu.memory_space<vmem_shared>> -> memref<1024x64xf32, #tpu.memory_space<vmem_shared>>
      tpu.enqueue_indirect_dma source(%dma_start3A_946 : memref<1024x64xf32, #tpu.memory_space<vmem_shared>>) target(%dma_start3A_936 : memref<128x64xf32, #tpu.memory_space<vmem>>) offsets(%dma_start3A_943 : memref<128xi32, #tpu.memory_space<vmem>>) semaphore(%arg19 : memref<!tpu.dma_semaphore, #tpu.memory_space<semaphore_mem>>)
      %dma_start3A_947 = arith.constant 0 : i32
      %dma_start3A_948 = arith.constant 1 : i32
      %dma_start3A_949 = arith.constant 0 : i32
      %dma_start3A_950 = arith.constant 0 : i32
      %dma_start3A_951 = arith.constant 0 : i32
      %dma_start3A_952 = tpu.memref_slice %arg11[%dma_start3A_949, %dma_start3A_950, %dma_start3A_951] : memref<2x384x64xf32, #tpu.memory_space<vmem>> -> memref<1x384x64xf32, #tpu.memory_space<vmem>>
      %dma_start3A_953 = tpu.memref_squeeze %dma_start3A_952 : memref<1x384x64xf32, #tpu.memory_space<vmem>> -> memref<384x64xf32, #tpu.memory_space<vmem>>
      %dma_start3A_954 = arith.constant 128 : i32
      %dma_start3A_955 = arith.constant 0 : i32
      %dma_start3A_956 = tpu.memref_slice %dma_start3A_953[%dma_start3A_954, %dma_start3A_955] : memref<384x64xf32, #tpu.memory_space<vmem>> -> memref<128x64xf32, #tpu.memory_space<vmem>>
      %dma_start3A_957 = arith.constant 0 : i32
      %dma_start3A_958 = arith.constant 0 : i32
      %dma_start3A_959 = tpu.memref_slice %arg9[%dma_start3A_947, %dma_start3A_957, %dma_start3A_958] : memref<2x3x128xi32, #tpu.memory_space<vmem>> -> memref<1x3x128xi32, #tpu.memory_space<vmem>>
      %dma_start3A_960 = tpu.memref_squeeze %dma_start3A_959 : memref<1x3x128xi32, #tpu.memory_space<vmem>> -> memref<3x128xi32, #tpu.memory_space<vmem>>
      %dma_start3A_961 = arith.constant 0 : i32
      %dma_start3A_962 = tpu.memref_slice %dma_start3A_960[%dma_start3A_948, %dma_start3A_961] : memref<3x128xi32, #tpu.memory_space<vmem>> -> memref<1x128xi32, #tpu.memory_space<vmem>>
      %dma_start3A_963 = tpu.memref_squeeze %dma_start3A_962 : memref<1x128xi32, #tpu.memory_space<vmem>> -> memref<128xi32, #tpu.memory_space<vmem>>
      %dma_start3A_964 = arith.constant 0 : i32
      %dma_start3A_965 = arith.constant 0 : i32
      %dma_start3A_966 = tpu.memref_slice %arg16[%dma_start3A_964, %dma_start3A_965] : memref<1024x64xf32, #tpu.memory_space<vmem_shared>> -> memref<1024x64xf32, #tpu.memory_space<vmem_shared>>
      tpu.enqueue_indirect_dma source(%dma_start3A_966 : memref<1024x64xf32, #tpu.memory_space<vmem_shared>>) target(%dma_start3A_956 : memref<128x64xf32, #tpu.memory_space<vmem>>) offsets(%dma_start3A_963 : memref<128xi32, #tpu.memory_space<vmem>>) semaphore(%arg19 : memref<!tpu.dma_semaphore, #tpu.memory_space<semaphore_mem>>)
      %dma_start3A_967 = arith.constant 0 : i32
      %dma_start3A_968 = arith.constant 2 : i32
      %dma_start3A_969 = arith.constant 0 : i32
      %dma_start3A_970 = arith.constant 0 : i32
      %dma_start3A_971 = arith.constant 0 : i32
      %dma_start3A_972 = tpu.memref_slice %arg11[%dma_start3A_969, %dma_start3A_970, %dma_start3A_971] : memref<2x384x64xf32, #tpu.memory_space<vmem>> -> memref<1x384x64xf32, #tpu.memory_space<vmem>>
      %dma_start3A_973 = tpu.memref_squeeze %dma_start3A_972 : memref<1x384x64xf32, #tpu.memory_space<vmem>> -> memref<384x64xf32, #tpu.memory_space<vmem>>
      %dma_start3A_974 = arith.constant 256 : i32
      %dma_start3A_975 = arith.constant 0 : i32
      %dma_start3A_976 = tpu.memref_slice %dma_start3A_973[%dma_start3A_974, %dma_start3A_975] : memref<384x64xf32, #tpu.memory_space<vmem>> -> memref<128x64xf32, #tpu.memory_space<vmem>>
      %dma_start3A_977 = arith.constant 0 : i32
      %dma_start3A_978 = arith.constant 0 : i32
      %dma_start3A_979 = tpu.memref_slice %arg9[%dma_start3A_967, %dma_start3A_977, %dma_start3A_978] : memref<2x3x128xi32, #tpu.memory_space<vmem>> -> memref<1x3x128xi32, #tpu.memory_space<vmem>>
      %dma_start3A_980 = tpu.memref_squeeze %dma_start3A_979 : memref<1x3x128xi32, #tpu.memory_space<vmem>> -> memref<3x128xi32, #tpu.memory_space<vmem>>
      %dma_start3A_981 = arith.constant 0 : i32
      %dma_start3A_982 = tpu.memref_slice %dma_start3A_980[%dma_start3A_968, %dma_start3A_981] : memref<3x128xi32, #tpu.memory_space<vmem>> -> memref<1x128xi32, #tpu.memory_space<vmem>>
      %dma_start3A_983 = tpu.memref_squeeze %dma_start3A_982 : memref<1x128xi32, #tpu.memory_space<vmem>> -> memref<128xi32, #tpu.memory_space<vmem>>
      %dma_start3A_984 = arith.constant 0 : i32
      %dma_start3A_985 = arith.constant 0 : i32
      %dma_start3A_986 = tpu.memref_slice %arg16[%dma_start3A_984, %dma_start3A_985] : memref<1024x64xf32, #tpu.memory_space<vmem_shared>> -> memref<1024x64xf32, #tpu.memory_space<vmem_shared>>
      tpu.enqueue_indirect_dma source(%dma_start3A_986 : memref<1024x64xf32, #tpu.memory_space<vmem_shared>>) target(%dma_start3A_976 : memref<128x64xf32, #tpu.memory_space<vmem>>) offsets(%dma_start3A_983 : memref<128xi32, #tpu.memory_space<vmem>>) semaphore(%arg19 : memref<!tpu.dma_semaphore, #tpu.memory_space<semaphore_mem>>)
      %mul3A_987 = arith.constant 64 : i32
      %mul3A_988 = arith.muli %add3A, %mul3A_987 : i32
      %add3A_989 = arith.addi %mul3A_988, %select_n3A_496 : i32
      %jit3A_990 = arith.constant 128 : i32
      %div3A_991 = arith.divsi %add3A_989, %jit3A_990 : i32
      %sign3A_992 = arith.constant 0 : i32
      %sign3A_993 = arith.cmpi sgt, %add3A_989, %sign3A_992 : i32
      %sign3A_994 = arith.extui %sign3A_993 : i1 to i32
      %sign3A_995 = arith.constant 0 : i32
      %sign3A_996 = arith.cmpi slt, %add3A_989, %sign3A_995 : i32
      %sign3A_997 = arith.extui %sign3A_996 : i1 to i32
      %sign3A_998 = arith.subi %sign3A_994, %sign3A_997 : i32
      %sign3A_999 = arith.constant 0 : i32
      %sign3A_1000 = arith.cmpi sgt, %jit3A_990, %sign3A_999 : i32
      %sign3A_1001 = arith.extui %sign3A_1000 : i1 to i32
      %sign3A_1002 = arith.constant 0 : i32
      %sign3A_1003 = arith.cmpi slt, %jit3A_990, %sign3A_1002 : i32
      %sign3A_1004 = arith.extui %sign3A_1003 : i1 to i32
      %sign3A_1005 = arith.subi %sign3A_1001, %sign3A_1004 : i32
      %ne3A_1006 = arith.cmpi ne, %sign3A_998, %sign3A_1005 : i32
      %rem3A_1007 = arith.remsi %add3A_989, %jit3A_990 : i32
      %ne3A_1008 = arith.constant 0 : i32
      %ne3A_1009 = arith.cmpi ne, %rem3A_1007, %ne3A_1008 : i32
      %and3A_1010 = arith.andi %ne3A_1006, %ne3A_1009 : i1
      %sub3A_1011 = arith.constant 1 : i32
      %sub3A_1012 = arith.subi %div3A_991, %sub3A_1011 : i32
      %select_n3A_1013 = arith.select %and3A_1010, %sub3A_1012, %div3A_991 : i32
      %mul3A_1014 = arith.constant 128 : i32
      %mul3A_1015 = arith.muli %select_n3A_1013, %mul3A_1014 : i32
      %sub3A_1016 = arith.subi %add3A_989, %mul3A_1015 : i32
      %dma_start3A_1017 = arith.constant 1 : i32
      %dma_start3A_1018 = arith.constant 0 : i32
      %dma_start3A_1019 = tpu.memref_slice %arg8[%dma_start3A_1017, %dma_start3A_1018] : memref<2x128xi32, #tpu.memory_space<vmem>> -> memref<1x128xi32, #tpu.memory_space<vmem>>
      %dma_start3A_1020 = tpu.memref_squeeze %dma_start3A_1019 : memref<1x128xi32, #tpu.memory_space<vmem>> -> memref<128xi32, #tpu.memory_space<vmem>>
      %dma_start3A_1021 = arith.constant 0 : i32
      %dma_start3A_1022 = tpu.memref_slice %arg2[%select_n3A_1013, %sub3A_1016, %dma_start3A_1021] : memref<16x128x128xi32, #tpu.memory_space<hbm>> -> memref<1x1x128xi32, #tpu.memory_space<hbm>>
      %dma_start3A_1023 = tpu.memref_squeeze %dma_start3A_1022 : memref<1x1x128xi32, #tpu.memory_space<hbm>> -> memref<128xi32, #tpu.memory_space<hbm>>
      %dma_start3A_1024 = arith.constant 0 : i32
      %dma_start3A_1025 = tpu.memref_slice %arg8[%dma_start3A_1017, %dma_start3A_1024] : memref<2x128xi32, #tpu.memory_space<vmem>> -> memref<1x128xi32, #tpu.memory_space<vmem>>
      %dma_start3A_1026 = tpu.memref_squeeze %dma_start3A_1025 : memref<1x128xi32, #tpu.memory_space<vmem>> -> memref<128xi32, #tpu.memory_space<vmem>>
      %dma_start3A_1027 = arith.constant 0 : i32
      %dma_start3A_1028 = tpu.memref_slice %arg2[%select_n3A_1013, %sub3A_1016, %dma_start3A_1027] : memref<16x128x128xi32, #tpu.memory_space<hbm>> -> memref<1x1x128xi32, #tpu.memory_space<hbm>>
      %dma_start3A_1029 = tpu.memref_squeeze %dma_start3A_1028 : memref<1x1x128xi32, #tpu.memory_space<hbm>> -> memref<128xi32, #tpu.memory_space<hbm>>
      tpu.enqueue_dma source(%dma_start3A_1029 : memref<128xi32, #tpu.memory_space<hbm>>) target(%dma_start3A_1026 : memref<128xi32, #tpu.memory_space<vmem>>) target_semaphore(%arg18 : memref<!tpu.dma_semaphore, #tpu.memory_space<semaphore_mem>>)
      %dma_start3A_1030 = arith.constant 1 : i32
      %dma_start3A_1031 = arith.constant 0 : i32
      %dma_start3A_1032 = arith.constant 0 : i32
      %dma_start3A_1033 = tpu.memref_slice %arg9[%dma_start3A_1030, %dma_start3A_1031, %dma_start3A_1032] : memref<2x3x128xi32, #tpu.memory_space<vmem>> -> memref<1x3x128xi32, #tpu.memory_space<vmem>>
      %dma_start3A_1034 = tpu.memref_squeeze %dma_start3A_1033 : memref<1x3x128xi32, #tpu.memory_space<vmem>> -> memref<3x128xi32, #tpu.memory_space<vmem>>
      %dma_start3A_1035 = arith.constant 0 : i32
      %dma_start3A_1036 = arith.constant 0 : i32
      %dma_start3A_1037 = tpu.memref_slice %arg3[%select_n3A_1013, %sub3A_1016, %dma_start3A_1035, %dma_start3A_1036] : memref<16x128x3x128xi32, #tpu.memory_space<hbm>> -> memref<1x1x3x128xi32, #tpu.memory_space<hbm>>
      %dma_start3A_1038 = tpu.memref_squeeze %dma_start3A_1037 : memref<1x1x3x128xi32, #tpu.memory_space<hbm>> -> memref<3x128xi32, #tpu.memory_space<hbm>>
      %dma_start3A_1039 = arith.constant 0 : i32
      %dma_start3A_1040 = arith.constant 0 : i32
      %dma_start3A_1041 = tpu.memref_slice %arg9[%dma_start3A_1030, %dma_start3A_1039, %dma_start3A_1040] : memref<2x3x128xi32, #tpu.memory_space<vmem>> -> memref<1x3x128xi32, #tpu.memory_space<vmem>>
      %dma_start3A_1042 = tpu.memref_squeeze %dma_start3A_1041 : memref<1x3x128xi32, #tpu.memory_space<vmem>> -> memref<3x128xi32, #tpu.memory_space<vmem>>
      %dma_start3A_1043 = arith.constant 0 : i32
      %dma_start3A_1044 = arith.constant 0 : i32
      %dma_start3A_1045 = tpu.memref_slice %arg3[%select_n3A_1013, %sub3A_1016, %dma_start3A_1043, %dma_start3A_1044] : memref<16x128x3x128xi32, #tpu.memory_space<hbm>> -> memref<1x1x3x128xi32, #tpu.memory_space<hbm>>
      %dma_start3A_1046 = tpu.memref_squeeze %dma_start3A_1045 : memref<1x1x3x128xi32, #tpu.memory_space<hbm>> -> memref<3x128xi32, #tpu.memory_space<hbm>>
      tpu.enqueue_dma source(%dma_start3A_1046 : memref<3x128xi32, #tpu.memory_space<hbm>>) target(%dma_start3A_1042 : memref<3x128xi32, #tpu.memory_space<vmem>>) target_semaphore(%arg18 : memref<!tpu.dma_semaphore, #tpu.memory_space<semaphore_mem>>)
      %dma_wait3A_1047 = arith.constant 1 : i32
      %dma_wait3A_1048 = arith.constant 0 : i32
      %dma_wait3A_1049 = arith.constant 0 : i32
      %dma_wait3A_1050 = arith.constant 0 : i32
      %dma_wait3A_1051 = arith.constant 0 : i32
      %dma_wait3A_1052 = tpu.memref_slice %arg12[%dma_wait3A_1047, %dma_wait3A_1050, %dma_wait3A_1051] : memref<2x132x64xf32, #tpu.memory_space<vmem>> -> memref<1x132x64xf32, #tpu.memory_space<vmem>>
      %dma_wait3A_1053 = tpu.memref_squeeze %dma_wait3A_1052 : memref<1x132x64xf32, #tpu.memory_space<vmem>> -> memref<132x64xf32, #tpu.memory_space<vmem>>
      %dma_wait3A_1054 = arith.constant 0 : i32
      %dma_wait3A_1055 = arith.constant 0 : i32
      %dma_wait3A_1056 = tpu.memref_slice %arg7[%dma_wait3A_1048, %dma_wait3A_1049, %dma_wait3A_1054, %dma_wait3A_1055] : memref<16x132x132x64xf32, #tpu.memory_space<hbm>> -> memref<1x1x132x64xf32, #tpu.memory_space<hbm>>
      %dma_wait3A_1057 = tpu.memref_squeeze %dma_wait3A_1056 : memref<1x1x132x64xf32, #tpu.memory_space<hbm>> -> memref<132x64xf32, #tpu.memory_space<hbm>>
      %dma_wait3A_1058 = arith.constant 0 : i32
      %dma_wait3A_1059 = arith.constant 0 : i32
      %dma_wait3A_1060 = tpu.memref_slice %arg7[%dma_wait3A_1048, %dma_wait3A_1049, %dma_wait3A_1058, %dma_wait3A_1059] : memref<16x132x132x64xf32, #tpu.memory_space<hbm>> -> memref<1x1x132x64xf32, #tpu.memory_space<hbm>>
      %dma_wait3A_1061 = tpu.memref_squeeze %dma_wait3A_1060 : memref<1x1x132x64xf32, #tpu.memory_space<hbm>> -> memref<132x64xf32, #tpu.memory_space<hbm>>
      %dma_wait3A_1062 = arith.constant 0 : i32
      %dma_wait3A_1063 = arith.constant 0 : i32
      %dma_wait3A_1064 = tpu.memref_slice %arg12[%dma_wait3A_1047, %dma_wait3A_1062, %dma_wait3A_1063] : memref<2x132x64xf32, #tpu.memory_space<vmem>> -> memref<1x132x64xf32, #tpu.memory_space<vmem>>
      %dma_wait3A_1065 = tpu.memref_squeeze %dma_wait3A_1064 : memref<1x132x64xf32, #tpu.memory_space<vmem>> -> memref<132x64xf32, #tpu.memory_space<vmem>>
      tpu.wait_dma2 semaphore(%arg22 : memref<!tpu.dma_semaphore, #tpu.memory_space<semaphore_mem>>) src(%dma_wait3A_1065 : memref<132x64xf32, #tpu.memory_space<vmem>>) dst(%dma_wait3A_1061 : memref<132x64xf32, #tpu.memory_space<hbm>>)
      %add3A_1066 = arith.constant 1 : i32
      %add3A_1067 = arith.addi %add3A_462, %add3A_1066 : i32
      %parallel_loop3A_1068 = arith.constant 0 : i32
      %parallel_loop3A_1069 = arith.constant 128 : i32
      %parallel_loop3A_1070 = arith.constant 1 : i32
      %parallel_loop3A_1071 = arith.constant 1 : i32
      %parallel_loop3A_1072 = arith.constant 1 : i32
      %parallel_loop3A_1073 = arith.constant 1 : i32
      scf.for %parallel_loop3A_1123 = %parallel_loop3A_1068 to %parallel_loop3A_1069 step %parallel_loop3A_1070  : i32 {
        %parallel_loop3A_1124 = arith.constant 3 : i32
        %parallel_loop3A_1125 = arith.muli %parallel_loop3A_1123, %parallel_loop3A_1124 : i32
        %parallel_loop3A_1126 = arith.constant 4 : i32
        %parallel_loop3A_1127 = arith.addi %parallel_loop3A_1123, %parallel_loop3A_1126 : i32
        %parallel_loop3A_1128 = arith.constant 0 : i32
        %parallel_loop3A_1129 = arith.constant 0 : i32
        %parallel_loop3A_1130 = tpu.memref_slice %arg11[%parallel_loop3A_1071, %parallel_loop3A_1128, %parallel_loop3A_1129] : memref<2x384x64xf32, #tpu.memory_space<vmem>> -> memref<1x384x64xf32, #tpu.memory_space<vmem>>
        %parallel_loop3A_1131 = tpu.memref_squeeze %parallel_loop3A_1130 : memref<1x384x64xf32, #tpu.memory_space<vmem>> -> memref<384x64xf32, #tpu.memory_space<vmem>>
        %parallel_loop3A_1132 = arith.index_cast %parallel_loop3A_1125 : i32 to index
        %parallel_loop3A_1133 = arith.constant 0 : index
        %parallel_loop3A_1134 = tpu.vector_load %parallel_loop3A_1131[%parallel_loop3A_1132, %parallel_loop3A_1133] {strides = array<i32>} : memref<384x64xf32, #tpu.memory_space<vmem>>, vector<1x16xf32>,
        %parallel_loop3A_1135 = vector.shape_cast %parallel_loop3A_1134 : vector<1x16xf32> to vector<16xf32>
        %parallel_loop3A_1136 = arith.constant 1 : i32
        %parallel_loop3A_1137 = arith.addi %parallel_loop3A_1125, %parallel_loop3A_1136 : i32
        %parallel_loop3A_1138 = arith.constant 0 : i32
        %parallel_loop3A_1139 = arith.constant 0 : i32
        %parallel_loop3A_1140 = tpu.memref_slice %arg11[%parallel_loop3A_1071, %parallel_loop3A_1138, %parallel_loop3A_1139] : memref<2x384x64xf32, #tpu.memory_space<vmem>> -> memref<1x384x64xf32, #tpu.memory_space<vmem>>
        %parallel_loop3A_1141 = tpu.memref_squeeze %parallel_loop3A_1140 : memref<1x384x64xf32, #tpu.memory_space<vmem>> -> memref<384x64xf32, #tpu.memory_space<vmem>>
        %parallel_loop3A_1142 = arith.index_cast %parallel_loop3A_1137 : i32 to index
        %parallel_loop3A_1143 = arith.constant 0 : index
        %parallel_loop3A_1144 = tpu.vector_load %parallel_loop3A_1141[%parallel_loop3A_1142, %parallel_loop3A_1143] {strides = array<i32>} : memref<384x64xf32, #tpu.memory_space<vmem>>, vector<1x16xf32>,
        %parallel_loop3A_1145 = vector.shape_cast %parallel_loop3A_1144 : vector<1x16xf32> to vector<16xf32>
        %parallel_loop3A_1146 = arith.addf %parallel_loop3A_1135, %parallel_loop3A_1145 : vector<16xf32>
        %parallel_loop3A_1147 = arith.constant 2 : i32
        %parallel_loop3A_1148 = arith.addi %parallel_loop3A_1125, %parallel_loop3A_1147 : i32
        %parallel_loop3A_1149 = arith.constant 0 : i32
        %parallel_loop3A_1150 = arith.constant 0 : i32
        %parallel_loop3A_1151 = tpu.memref_slice %arg11[%parallel_loop3A_1071, %parallel_loop3A_1149, %parallel_loop3A_1150] : memref<2x384x64xf32, #tpu.memory_space<vmem>> -> memref<1x384x64xf32, #tpu.memory_space<vmem>>
        %parallel_loop3A_1152 = tpu.memref_squeeze %parallel_loop3A_1151 : memref<1x384x64xf32, #tpu.memory_space<vmem>> -> memref<384x64xf32, #tpu.memory_space<vmem>>
        %parallel_loop3A_1153 = arith.index_cast %parallel_loop3A_1148 : i32 to index
        %parallel_loop3A_1154 = arith.constant 0 : index
        %parallel_loop3A_1155 = tpu.vector_load %parallel_loop3A_1152[%parallel_loop3A_1153, %parallel_loop3A_1154] {strides = array<i32>} : memref<384x64xf32, #tpu.memory_space<vmem>>, vector<1x16xf32>,
        %parallel_loop3A_1156 = vector.shape_cast %parallel_loop3A_1155 : vector<1x16xf32> to vector<16xf32>
        %parallel_loop3A_1157 = arith.addf %parallel_loop3A_1146, %parallel_loop3A_1156 : vector<16xf32>
        %parallel_loop3A_1158 = arith.constant 0 : i32
        %parallel_loop3A_1159 = arith.constant 0 : i32
        %parallel_loop3A_1160 = tpu.memref_slice %arg10[%parallel_loop3A_1072, %parallel_loop3A_1158, %parallel_loop3A_1159] : memref<2x128x64xf32, #tpu.memory_space<vmem>> -> memref<1x128x64xf32, #tpu.memory_space<vmem>>
        %parallel_loop3A_1161 = tpu.memref_squeeze %parallel_loop3A_1160 : memref<1x128x64xf32, #tpu.memory_space<vmem>> -> memref<128x64xf32, #tpu.memory_space<vmem>>
        %parallel_loop3A_1162 = arith.index_cast %parallel_loop3A_1123 : i32 to index
        %parallel_loop3A_1163 = arith.constant 0 : index
        %parallel_loop3A_1164 = tpu.vector_load %parallel_loop3A_1161[%parallel_loop3A_1162, %parallel_loop3A_1163] {strides = array<i32>} : memref<128x64xf32, #tpu.memory_space<vmem>>, vector<1x16xf32>,
        %parallel_loop3A_1165 = vector.shape_cast %parallel_loop3A_1164 : vector<1x16xf32> to vector<16xf32>
        %parallel_loop3A_1166 = arith.constant 0.333333343 : f32
        %parallel_loop3A_1167 = vector.broadcast %parallel_loop3A_1166 : f32 to vector<16xf32>
        %parallel_loop3A_1168 = arith.mulf %parallel_loop3A_1157, %parallel_loop3A_1167 : vector<16xf32>
        %parallel_loop3A_1169 = arith.addf %parallel_loop3A_1165, %parallel_loop3A_1168 : vector<16xf32>
        %parallel_loop3A_1170 = arith.constant 0 : i32
        %parallel_loop3A_1171 = arith.constant 0 : i32
        %parallel_loop3A_1172 = tpu.memref_slice %arg12[%parallel_loop3A_1073, %parallel_loop3A_1170, %parallel_loop3A_1171] : memref<2x132x64xf32, #tpu.memory_space<vmem>> -> memref<1x132x64xf32, #tpu.memory_space<vmem>>
        %parallel_loop3A_1173 = tpu.memref_squeeze %parallel_loop3A_1172 : memref<1x132x64xf32, #tpu.memory_space<vmem>> -> memref<132x64xf32, #tpu.memory_space<vmem>>
        %parallel_loop3A_1174 = arith.index_cast %parallel_loop3A_1127 : i32 to index
        %parallel_loop3A_1175 = arith.constant 0 : index
        %parallel_loop3A_1176 = tpu.vector_load %parallel_loop3A_1173[%parallel_loop3A_1174, %parallel_loop3A_1175] {strides = array<i32>} : memref<132x64xf32, #tpu.memory_space<vmem>>, vector<1x16xf32>,
        %parallel_loop3A_1177 = vector.shape_cast %parallel_loop3A_1176 : vector<1x16xf32> to vector<16xf32>
        %parallel_loop3A_1178 = vector.shape_cast %parallel_loop3A_1169 : vector<16xf32> to vector<1x16xf32>
        tpu.vector_store %parallel_loop3A_1173[%parallel_loop3A_1174, %parallel_loop3A_1175], %parallel_loop3A_1178 {strides = array<i32>} : memref<132x64xf32, #tpu.memory_space<vmem>>, vector<1x16xf32>,
        %parallel_loop3A_1179 = arith.constant 0 : i32
        %parallel_loop3A_1180 = arith.constant 0 : i32
        %parallel_loop3A_1181 = tpu.memref_slice %arg11[%parallel_loop3A_1071, %parallel_loop3A_1179, %parallel_loop3A_1180] : memref<2x384x64xf32, #tpu.memory_space<vmem>> -> memref<1x384x64xf32, #tpu.memory_space<vmem>>
        %parallel_loop3A_1182 = tpu.memref_squeeze %parallel_loop3A_1181 : memref<1x384x64xf32, #tpu.memory_space<vmem>> -> memref<384x64xf32, #tpu.memory_space<vmem>>
        %parallel_loop3A_1183 = arith.index_cast %parallel_loop3A_1125 : i32 to index
        %parallel_loop3A_1184 = arith.constant 16 : index
        %parallel_loop3A_1185 = tpu.vector_load %parallel_loop3A_1182[%parallel_loop3A_1183, %parallel_loop3A_1184] {strides = array<i32>} : memref<384x64xf32, #tpu.memory_space<vmem>>, vector<1x16xf32>,
        %parallel_loop3A_1186 = vector.shape_cast %parallel_loop3A_1185 : vector<1x16xf32> to vector<16xf32>
        %parallel_loop3A_1187 = arith.constant 1 : i32
        %parallel_loop3A_1188 = arith.addi %parallel_loop3A_1125, %parallel_loop3A_1187 : i32
        %parallel_loop3A_1189 = arith.constant 0 : i32
        %parallel_loop3A_1190 = arith.constant 0 : i32
        %parallel_loop3A_1191 = tpu.memref_slice %arg11[%parallel_loop3A_1071, %parallel_loop3A_1189, %parallel_loop3A_1190] : memref<2x384x64xf32, #tpu.memory_space<vmem>> -> memref<1x384x64xf32, #tpu.memory_space<vmem>>
        %parallel_loop3A_1192 = tpu.memref_squeeze %parallel_loop3A_1191 : memref<1x384x64xf32, #tpu.memory_space<vmem>> -> memref<384x64xf32, #tpu.memory_space<vmem>>
        %parallel_loop3A_1193 = arith.index_cast %parallel_loop3A_1188 : i32 to index
        %parallel_loop3A_1194 = arith.constant 16 : index
        %parallel_loop3A_1195 = tpu.vector_load %parallel_loop3A_1192[%parallel_loop3A_1193, %parallel_loop3A_1194] {strides = array<i32>} : memref<384x64xf32, #tpu.memory_space<vmem>>, vector<1x16xf32>,
        %parallel_loop3A_1196 = vector.shape_cast %parallel_loop3A_1195 : vector<1x16xf32> to vector<16xf32>
        %parallel_loop3A_1197 = arith.addf %parallel_loop3A_1186, %parallel_loop3A_1196 : vector<16xf32>
        %parallel_loop3A_1198 = arith.constant 2 : i32
        %parallel_loop3A_1199 = arith.addi %parallel_loop3A_1125, %parallel_loop3A_1198 : i32
        %parallel_loop3A_1200 = arith.constant 0 : i32
        %parallel_loop3A_1201 = arith.constant 0 : i32
        %parallel_loop3A_1202 = tpu.memref_slice %arg11[%parallel_loop3A_1071, %parallel_loop3A_1200, %parallel_loop3A_1201] : memref<2x384x64xf32, #tpu.memory_space<vmem>> -> memref<1x384x64xf32, #tpu.memory_space<vmem>>
        %parallel_loop3A_1203 = tpu.memref_squeeze %parallel_loop3A_1202 : memref<1x384x64xf32, #tpu.memory_space<vmem>> -> memref<384x64xf32, #tpu.memory_space<vmem>>
        %parallel_loop3A_1204 = arith.index_cast %parallel_loop3A_1199 : i32 to index
        %parallel_loop3A_1205 = arith.constant 16 : index
        %parallel_loop3A_1206 = tpu.vector_load %parallel_loop3A_1203[%parallel_loop3A_1204, %parallel_loop3A_1205] {strides = array<i32>} : memref<384x64xf32, #tpu.memory_space<vmem>>, vector<1x16xf32>,
        %parallel_loop3A_1207 = vector.shape_cast %parallel_loop3A_1206 : vector<1x16xf32> to vector<16xf32>
        %parallel_loop3A_1208 = arith.addf %parallel_loop3A_1197, %parallel_loop3A_1207 : vector<16xf32>
        %parallel_loop3A_1209 = arith.constant 0 : i32
        %parallel_loop3A_1210 = arith.constant 0 : i32
        %parallel_loop3A_1211 = tpu.memref_slice %arg10[%parallel_loop3A_1072, %parallel_loop3A_1209, %parallel_loop3A_1210] : memref<2x128x64xf32, #tpu.memory_space<vmem>> -> memref<1x128x64xf32, #tpu.memory_space<vmem>>
        %parallel_loop3A_1212 = tpu.memref_squeeze %parallel_loop3A_1211 : memref<1x128x64xf32, #tpu.memory_space<vmem>> -> memref<128x64xf32, #tpu.memory_space<vmem>>
        %parallel_loop3A_1213 = arith.index_cast %parallel_loop3A_1123 : i32 to index
        %parallel_loop3A_1214 = arith.constant 16 : index
        %parallel_loop3A_1215 = tpu.vector_load %parallel_loop3A_1212[%parallel_loop3A_1213, %parallel_loop3A_1214] {strides = array<i32>} : memref<128x64xf32, #tpu.memory_space<vmem>>, vector<1x16xf32>,
        %parallel_loop3A_1216 = vector.shape_cast %parallel_loop3A_1215 : vector<1x16xf32> to vector<16xf32>
        %parallel_loop3A_1217 = arith.constant 0.333333343 : f32
        %parallel_loop3A_1218 = vector.broadcast %parallel_loop3A_1217 : f32 to vector<16xf32>
        %parallel_loop3A_1219 = arith.mulf %parallel_loop3A_1208, %parallel_loop3A_1218 : vector<16xf32>
        %parallel_loop3A_1220 = arith.addf %parallel_loop3A_1216, %parallel_loop3A_1219 : vector<16xf32>
        %parallel_loop3A_1221 = arith.constant 0 : i32
        %parallel_loop3A_1222 = arith.constant 0 : i32
        %parallel_loop3A_1223 = tpu.memref_slice %arg12[%parallel_loop3A_1073, %parallel_loop3A_1221, %parallel_loop3A_1222] : memref<2x132x64xf32, #tpu.memory_space<vmem>> -> memref<1x132x64xf32, #tpu.memory_space<vmem>>
        %parallel_loop3A_1224 = tpu.memref_squeeze %parallel_loop3A_1223 : memref<1x132x64xf32, #tpu.memory_space<vmem>> -> memref<132x64xf32, #tpu.memory_space<vmem>>
        %parallel_loop3A_1225 = arith.index_cast %parallel_loop3A_1127 : i32 to index
        %parallel_loop3A_1226 = arith.constant 16 : index
        %parallel_loop3A_1227 = tpu.vector_load %parallel_loop3A_1224[%parallel_loop3A_1225, %parallel_loop3A_1226] {strides = array<i32>} : memref<132x64xf32, #tpu.memory_space<vmem>>, vector<1x16xf32>,
        %parallel_loop3A_1228 = vector.shape_cast %parallel_loop3A_1227 : vector<1x16xf32> to vector<16xf32>
        %parallel_loop3A_1229 = vector.shape_cast %parallel_loop3A_1220 : vector<16xf32> to vector<1x16xf32>
        tpu.vector_store %parallel_loop3A_1224[%parallel_loop3A_1225, %parallel_loop3A_1226], %parallel_loop3A_1229 {strides = array<i32>} : memref<132x64xf32, #tpu.memory_space<vmem>>, vector<1x16xf32>,
        %parallel_loop3A_1230 = arith.constant 0 : i32
        %parallel_loop3A_1231 = arith.constant 0 : i32
        %parallel_loop3A_1232 = tpu.memref_slice %arg11[%parallel_loop3A_1071, %parallel_loop3A_1230, %parallel_loop3A_1231] : memref<2x384x64xf32, #tpu.memory_space<vmem>> -> memref<1x384x64xf32, #tpu.memory_space<vmem>>
        %parallel_loop3A_1233 = tpu.memref_squeeze %parallel_loop3A_1232 : memref<1x384x64xf32, #tpu.memory_space<vmem>> -> memref<384x64xf32, #tpu.memory_space<vmem>>
        %parallel_loop3A_1234 = arith.index_cast %parallel_loop3A_1125 : i32 to index
        %parallel_loop3A_1235 = arith.constant 32 : index
        %parallel_loop3A_1236 = tpu.vector_load %parallel_loop3A_1233[%parallel_loop3A_1234, %parallel_loop3A_1235] {strides = array<i32>} : memref<384x64xf32, #tpu.memory_space<vmem>>, vector<1x16xf32>,
        %parallel_loop3A_1237 = vector.shape_cast %parallel_loop3A_1236 : vector<1x16xf32> to vector<16xf32>
        %parallel_loop3A_1238 = arith.constant 1 : i32
        %parallel_loop3A_1239 = arith.addi %parallel_loop3A_1125, %parallel_loop3A_1238 : i32
        %parallel_loop3A_1240 = arith.constant 0 : i32
        %parallel_loop3A_1241 = arith.constant 0 : i32
        %parallel_loop3A_1242 = tpu.memref_slice %arg11[%parallel_loop3A_1071, %parallel_loop3A_1240, %parallel_loop3A_1241] : memref<2x384x64xf32, #tpu.memory_space<vmem>> -> memref<1x384x64xf32, #tpu.memory_space<vmem>>
        %parallel_loop3A_1243 = tpu.memref_squeeze %parallel_loop3A_1242 : memref<1x384x64xf32, #tpu.memory_space<vmem>> -> memref<384x64xf32, #tpu.memory_space<vmem>>
        %parallel_loop3A_1244 = arith.index_cast %parallel_loop3A_1239 : i32 to index
        %parallel_loop3A_1245 = arith.constant 32 : index
        %parallel_loop3A_1246 = tpu.vector_load %parallel_loop3A_1243[%parallel_loop3A_1244, %parallel_loop3A_1245] {strides = array<i32>} : memref<384x64xf32, #tpu.memory_space<vmem>>, vector<1x16xf32>,
        %parallel_loop3A_1247 = vector.shape_cast %parallel_loop3A_1246 : vector<1x16xf32> to vector<16xf32>
        %parallel_loop3A_1248 = arith.addf %parallel_loop3A_1237, %parallel_loop3A_1247 : vector<16xf32>
        %parallel_loop3A_1249 = arith.constant 2 : i32
        %parallel_loop3A_1250 = arith.addi %parallel_loop3A_1125, %parallel_loop3A_1249 : i32
        %parallel_loop3A_1251 = arith.constant 0 : i32
        %parallel_loop3A_1252 = arith.constant 0 : i32
        %parallel_loop3A_1253 = tpu.memref_slice %arg11[%parallel_loop3A_1071, %parallel_loop3A_1251, %parallel_loop3A_1252] : memref<2x384x64xf32, #tpu.memory_space<vmem>> -> memref<1x384x64xf32, #tpu.memory_space<vmem>>
        %parallel_loop3A_1254 = tpu.memref_squeeze %parallel_loop3A_1253 : memref<1x384x64xf32, #tpu.memory_space<vmem>> -> memref<384x64xf32, #tpu.memory_space<vmem>>
        %parallel_loop3A_1255 = arith.index_cast %parallel_loop3A_1250 : i32 to index
        %parallel_loop3A_1256 = arith.constant 32 : index
        %parallel_loop3A_1257 = tpu.vector_load %parallel_loop3A_1254[%parallel_loop3A_1255, %parallel_loop3A_1256] {strides = array<i32>} : memref<384x64xf32, #tpu.memory_space<vmem>>, vector<1x16xf32>,
        %parallel_loop3A_1258 = vector.shape_cast %parallel_loop3A_1257 : vector<1x16xf32> to vector<16xf32>
        %parallel_loop3A_1259 = arith.addf %parallel_loop3A_1248, %parallel_loop3A_1258 : vector<16xf32>
        %parallel_loop3A_1260 = arith.constant 0 : i32
        %parallel_loop3A_1261 = arith.constant 0 : i32
        %parallel_loop3A_1262 = tpu.memref_slice %arg10[%parallel_loop3A_1072, %parallel_loop3A_1260, %parallel_loop3A_1261] : memref<2x128x64xf32, #tpu.memory_space<vmem>> -> memref<1x128x64xf32, #tpu.memory_space<vmem>>
        %parallel_loop3A_1263 = tpu.memref_squeeze %parallel_loop3A_1262 : memref<1x128x64xf32, #tpu.memory_space<vmem>> -> memref<128x64xf32, #tpu.memory_space<vmem>>
        %parallel_loop3A_1264 = arith.index_cast %parallel_loop3A_1123 : i32 to index
        %parallel_loop3A_1265 = arith.constant 32 : index
        %parallel_loop3A_1266 = tpu.vector_load %parallel_loop3A_1263[%parallel_loop3A_1264, %parallel_loop3A_1265] {strides = array<i32>} : memref<128x64xf32, #tpu.memory_space<vmem>>, vector<1x16xf32>,
        %parallel_loop3A_1267 = vector.shape_cast %parallel_loop3A_1266 : vector<1x16xf32> to vector<16xf32>
        %parallel_loop3A_1268 = arith.constant 0.333333343 : f32
        %parallel_loop3A_1269 = vector.broadcast %parallel_loop3A_1268 : f32 to vector<16xf32>
        %parallel_loop3A_1270 = arith.mulf %parallel_loop3A_1259, %parallel_loop3A_1269 : vector<16xf32>
        %parallel_loop3A_1271 = arith.addf %parallel_loop3A_1267, %parallel_loop3A_1270 : vector<16xf32>
        %parallel_loop3A_1272 = arith.constant 0 : i32
        %parallel_loop3A_1273 = arith.constant 0 : i32
        %parallel_loop3A_1274 = tpu.memref_slice %arg12[%parallel_loop3A_1073, %parallel_loop3A_1272, %parallel_loop3A_1273] : memref<2x132x64xf32, #tpu.memory_space<vmem>> -> memref<1x132x64xf32, #tpu.memory_space<vmem>>
        %parallel_loop3A_1275 = tpu.memref_squeeze %parallel_loop3A_1274 : memref<1x132x64xf32, #tpu.memory_space<vmem>> -> memref<132x64xf32, #tpu.memory_space<vmem>>
        %parallel_loop3A_1276 = arith.index_cast %parallel_loop3A_1127 : i32 to index
        %parallel_loop3A_1277 = arith.constant 32 : index
        %parallel_loop3A_1278 = tpu.vector_load %parallel_loop3A_1275[%parallel_loop3A_1276, %parallel_loop3A_1277] {strides = array<i32>} : memref<132x64xf32, #tpu.memory_space<vmem>>, vector<1x16xf32>,
        %parallel_loop3A_1279 = vector.shape_cast %parallel_loop3A_1278 : vector<1x16xf32> to vector<16xf32>
        %parallel_loop3A_1280 = vector.shape_cast %parallel_loop3A_1271 : vector<16xf32> to vector<1x16xf32>
        tpu.vector_store %parallel_loop3A_1275[%parallel_loop3A_1276, %parallel_loop3A_1277], %parallel_loop3A_1280 {strides = array<i32>} : memref<132x64xf32, #tpu.memory_space<vmem>>, vector<1x16xf32>,
        %parallel_loop3A_1281 = arith.constant 0 : i32
        %parallel_loop3A_1282 = arith.constant 0 : i32
        %parallel_loop3A_1283 = tpu.memref_slice %arg11[%parallel_loop3A_1071, %parallel_loop3A_1281, %parallel_loop3A_1282] : memref<2x384x64xf32, #tpu.memory_space<vmem>> -> memref<1x384x64xf32, #tpu.memory_space<vmem>>
        %parallel_loop3A_1284 = tpu.memref_squeeze %parallel_loop3A_1283 : memref<1x384x64xf32, #tpu.memory_space<vmem>> -> memref<384x64xf32, #tpu.memory_space<vmem>>
        %parallel_loop3A_1285 = arith.index_cast %parallel_loop3A_1125 : i32 to index
        %parallel_loop3A_1286 = arith.constant 48 : index
        %parallel_loop3A_1287 = tpu.vector_load %parallel_loop3A_1284[%parallel_loop3A_1285, %parallel_loop3A_1286] {strides = array<i32>} : memref<384x64xf32, #tpu.memory_space<vmem>>, vector<1x16xf32>,
        %parallel_loop3A_1288 = vector.shape_cast %parallel_loop3A_1287 : vector<1x16xf32> to vector<16xf32>
        %parallel_loop3A_1289 = arith.constant 1 : i32
        %parallel_loop3A_1290 = arith.addi %parallel_loop3A_1125, %parallel_loop3A_1289 : i32
        %parallel_loop3A_1291 = arith.constant 0 : i32
        %parallel_loop3A_1292 = arith.constant 0 : i32
        %parallel_loop3A_1293 = tpu.memref_slice %arg11[%parallel_loop3A_1071, %parallel_loop3A_1291, %parallel_loop3A_1292] : memref<2x384x64xf32, #tpu.memory_space<vmem>> -> memref<1x384x64xf32, #tpu.memory_space<vmem>>
        %parallel_loop3A_1294 = tpu.memref_squeeze %parallel_loop3A_1293 : memref<1x384x64xf32, #tpu.memory_space<vmem>> -> memref<384x64xf32, #tpu.memory_space<vmem>>
        %parallel_loop3A_1295 = arith.index_cast %parallel_loop3A_1290 : i32 to index
        %parallel_loop3A_1296 = arith.constant 48 : index
        %parallel_loop3A_1297 = tpu.vector_load %parallel_loop3A_1294[%parallel_loop3A_1295, %parallel_loop3A_1296] {strides = array<i32>} : memref<384x64xf32, #tpu.memory_space<vmem>>, vector<1x16xf32>,
        %parallel_loop3A_1298 = vector.shape_cast %parallel_loop3A_1297 : vector<1x16xf32> to vector<16xf32>
        %parallel_loop3A_1299 = arith.addf %parallel_loop3A_1288, %parallel_loop3A_1298 : vector<16xf32>
        %parallel_loop3A_1300 = arith.constant 2 : i32
        %parallel_loop3A_1301 = arith.addi %parallel_loop3A_1125, %parallel_loop3A_1300 : i32
        %parallel_loop3A_1302 = arith.constant 0 : i32
        %parallel_loop3A_1303 = arith.constant 0 : i32
        %parallel_loop3A_1304 = tpu.memref_slice %arg11[%parallel_loop3A_1071, %parallel_loop3A_1302, %parallel_loop3A_1303] : memref<2x384x64xf32, #tpu.memory_space<vmem>> -> memref<1x384x64xf32, #tpu.memory_space<vmem>>
        %parallel_loop3A_1305 = tpu.memref_squeeze %parallel_loop3A_1304 : memref<1x384x64xf32, #tpu.memory_space<vmem>> -> memref<384x64xf32, #tpu.memory_space<vmem>>
        %parallel_loop3A_1306 = arith.index_cast %parallel_loop3A_1301 : i32 to index
        %parallel_loop3A_1307 = arith.constant 48 : index
        %parallel_loop3A_1308 = tpu.vector_load %parallel_loop3A_1305[%parallel_loop3A_1306, %parallel_loop3A_1307] {strides = array<i32>} : memref<384x64xf32, #tpu.memory_space<vmem>>, vector<1x16xf32>,
        %parallel_loop3A_1309 = vector.shape_cast %parallel_loop3A_1308 : vector<1x16xf32> to vector<16xf32>
        %parallel_loop3A_1310 = arith.addf %parallel_loop3A_1299, %parallel_loop3A_1309 : vector<16xf32>
        %parallel_loop3A_1311 = arith.constant 0 : i32
        %parallel_loop3A_1312 = arith.constant 0 : i32
        %parallel_loop3A_1313 = tpu.memref_slice %arg10[%parallel_loop3A_1072, %parallel_loop3A_1311, %parallel_loop3A_1312] : memref<2x128x64xf32, #tpu.memory_space<vmem>> -> memref<1x128x64xf32, #tpu.memory_space<vmem>>
        %parallel_loop3A_1314 = tpu.memref_squeeze %parallel_loop3A_1313 : memref<1x128x64xf32, #tpu.memory_space<vmem>> -> memref<128x64xf32, #tpu.memory_space<vmem>>
        %parallel_loop3A_1315 = arith.index_cast %parallel_loop3A_1123 : i32 to index
        %parallel_loop3A_1316 = arith.constant 48 : index
        %parallel_loop3A_1317 = tpu.vector_load %parallel_loop3A_1314[%parallel_loop3A_1315, %parallel_loop3A_1316] {strides = array<i32>} : memref<128x64xf32, #tpu.memory_space<vmem>>, vector<1x16xf32>,
        %parallel_loop3A_1318 = vector.shape_cast %parallel_loop3A_1317 : vector<1x16xf32> to vector<16xf32>
        %parallel_loop3A_1319 = arith.constant 0.333333343 : f32
        %parallel_loop3A_1320 = vector.broadcast %parallel_loop3A_1319 : f32 to vector<16xf32>
        %parallel_loop3A_1321 = arith.mulf %parallel_loop3A_1310, %parallel_loop3A_1320 : vector<16xf32>
        %parallel_loop3A_1322 = arith.addf %parallel_loop3A_1318, %parallel_loop3A_1321 : vector<16xf32>
        %parallel_loop3A_1323 = arith.constant 0 : i32
        %parallel_loop3A_1324 = arith.constant 0 : i32
        %parallel_loop3A_1325 = tpu.memref_slice %arg12[%parallel_loop3A_1073, %parallel_loop3A_1323, %parallel_loop3A_1324] : memref<2x132x64xf32, #tpu.memory_space<vmem>> -> memref<1x132x64xf32, #tpu.memory_space<vmem>>
        %parallel_loop3A_1326 = tpu.memref_squeeze %parallel_loop3A_1325 : memref<1x132x64xf32, #tpu.memory_space<vmem>> -> memref<132x64xf32, #tpu.memory_space<vmem>>
        %parallel_loop3A_1327 = arith.index_cast %parallel_loop3A_1127 : i32 to index
        %parallel_loop3A_1328 = arith.constant 48 : index
        %parallel_loop3A_1329 = tpu.vector_load %parallel_loop3A_1326[%parallel_loop3A_1327, %parallel_loop3A_1328] {strides = array<i32>} : memref<132x64xf32, #tpu.memory_space<vmem>>, vector<1x16xf32>,
        %parallel_loop3A_1330 = vector.shape_cast %parallel_loop3A_1329 : vector<1x16xf32> to vector<16xf32>
        %parallel_loop3A_1331 = vector.shape_cast %parallel_loop3A_1322 : vector<16xf32> to vector<1x16xf32>
        tpu.vector_store %parallel_loop3A_1326[%parallel_loop3A_1327, %parallel_loop3A_1328], %parallel_loop3A_1331 {strides = array<i32>} : memref<132x64xf32, #tpu.memory_space<vmem>>, vector<1x16xf32>,
      } {sc.loop_unroll_factor = 4 : i64, sc.parallel_access}
      %mul3A_1074 = arith.constant 64 : i32
      %mul3A_1075 = arith.muli %add3A, %mul3A_1074 : i32
      %add3A_1076 = arith.addi %mul3A_1075, %add3A_1067 : i32
      %jit3A_1077 = arith.constant 128 : i32
      %div3A_1078 = arith.divsi %add3A_1076, %jit3A_1077 : i32
      %sign3A_1079 = arith.constant 0 : i32
      %sign3A_1080 = arith.cmpi sgt, %add3A_1076, %sign3A_1079 : i32
      %sign3A_1081 = arith.extui %sign3A_1080 : i1 to i32
      %sign3A_1082 = arith.constant 0 : i32
      %sign3A_1083 = arith.cmpi slt, %add3A_1076, %sign3A_1082 : i32
      %sign3A_1084 = arith.extui %sign3A_1083 : i1 to i32
      %sign3A_1085 = arith.subi %sign3A_1081, %sign3A_1084 : i32
      %sign3A_1086 = arith.constant 0 : i32
      %sign3A_1087 = arith.cmpi sgt, %jit3A_1077, %sign3A_1086 : i32
      %sign3A_1088 = arith.extui %sign3A_1087 : i1 to i32
      %sign3A_1089 = arith.constant 0 : i32
      %sign3A_1090 = arith.cmpi slt, %jit3A_1077, %sign3A_1089 : i32
      %sign3A_1091 = arith.extui %sign3A_1090 : i1 to i32
      %sign3A_1092 = arith.subi %sign3A_1088, %sign3A_1091 : i32
      %ne3A_1093 = arith.cmpi ne, %sign3A_1085, %sign3A_1092 : i32
      %rem3A_1094 = arith.remsi %add3A_1076, %jit3A_1077 : i32
      %ne3A_1095 = arith.constant 0 : i32
      %ne3A_1096 = arith.cmpi ne, %rem3A_1094, %ne3A_1095 : i32
      %and3A_1097 = arith.andi %ne3A_1093, %ne3A_1096 : i1
      %sub3A_1098 = arith.constant 1 : i32
      %sub3A_1099 = arith.subi %div3A_1078, %sub3A_1098 : i32
      %select_n3A_1100 = arith.select %and3A_1097, %sub3A_1099, %div3A_1078 : i32
      %mul3A_1101 = arith.constant 128 : i32
      %mul3A_1102 = arith.muli %select_n3A_1100, %mul3A_1101 : i32
      %sub3A_1103 = arith.subi %add3A_1076, %mul3A_1102 : i32
      %add3A_1104 = arith.constant 4 : i32
      %add3A_1105 = arith.addi %sub3A_1103, %add3A_1104 : i32
      %dma_start3A_1106 = arith.constant 1 : i32
      %dma_start3A_1107 = arith.constant 0 : i32
      %dma_start3A_1108 = arith.constant 0 : i32
      %dma_start3A_1109 = tpu.memref_slice %arg12[%dma_start3A_1106, %dma_start3A_1107, %dma_start3A_1108] : memref<2x132x64xf32, #tpu.memory_space<vmem>> -> memref<1x132x64xf32, #tpu.memory_space<vmem>>
      %dma_start3A_1110 = tpu.memref_squeeze %dma_start3A_1109 : memref<1x132x64xf32, #tpu.memory_space<vmem>> -> memref<132x64xf32, #tpu.memory_space<vmem>>
      %dma_start3A_1111 = arith.constant 0 : i32
      %dma_start3A_1112 = arith.constant 0 : i32
      %dma_start3A_1113 = tpu.memref_slice %arg7[%select_n3A_1100, %add3A_1105, %dma_start3A_1111, %dma_start3A_1112] : memref<16x132x132x64xf32, #tpu.memory_space<hbm>> -> memref<1x1x132x64xf32, #tpu.memory_space<hbm>>
      %dma_start3A_1114 = tpu.memref_squeeze %dma_start3A_1113 : memref<1x1x132x64xf32, #tpu.memory_space<hbm>> -> memref<132x64xf32, #tpu.memory_space<hbm>>
      %dma_start3A_1115 = arith.constant 0 : i32
      %dma_start3A_1116 = arith.constant 0 : i32
      %dma_start3A_1117 = tpu.memref_slice %arg7[%select_n3A_1100, %add3A_1105, %dma_start3A_1115, %dma_start3A_1116] : memref<16x132x132x64xf32, #tpu.memory_space<hbm>> -> memref<1x1x132x64xf32, #tpu.memory_space<hbm>>
      %dma_start3A_1118 = tpu.memref_squeeze %dma_start3A_1117 : memref<1x1x132x64xf32, #tpu.memory_space<hbm>> -> memref<132x64xf32, #tpu.memory_space<hbm>>
      %dma_start3A_1119 = arith.constant 0 : i32
      %dma_start3A_1120 = arith.constant 0 : i32
      %dma_start3A_1121 = tpu.memref_slice %arg12[%dma_start3A_1106, %dma_start3A_1119, %dma_start3A_1120] : memref<2x132x64xf32, #tpu.memory_space<vmem>> -> memref<1x132x64xf32, #tpu.memory_space<vmem>>
      %dma_start3A_1122 = tpu.memref_squeeze %dma_start3A_1121 : memref<1x132x64xf32, #tpu.memory_space<vmem>> -> memref<132x64xf32, #tpu.memory_space<vmem>>
      tpu.enqueue_dma source(%dma_start3A_1122 : memref<132x64xf32, #tpu.memory_space<vmem>>) target(%dma_start3A_1118 : memref<132x64xf32, #tpu.memory_space<hbm>>) target_semaphore(%arg22 : memref<!tpu.dma_semaphore, #tpu.memory_space<semaphore_mem>>)
    }
    %scan3A_313 = arith.constant 32 : i32
    %dma_wait3A_314 = arith.constant 0 : i32
    %dma_wait3A_315 = arith.constant 0 : i32
    %dma_wait3A_316 = arith.constant 0 : i32
    %dma_wait3A_317 = arith.constant 0 : i32
    %dma_wait3A_318 = tpu.memref_slice %arg10[%dma_wait3A_315, %dma_wait3A_316, %dma_wait3A_317] : memref<2x128x64xf32, #tpu.memory_space<vmem>> -> memref<1x128x64xf32, #tpu.memory_space<vmem>>
    %dma_wait3A_319 = tpu.memref_squeeze %dma_wait3A_318 : memref<1x128x64xf32, #tpu.memory_space<vmem>> -> memref<128x64xf32, #tpu.memory_space<vmem>>
    %dma_wait3A_320 = arith.constant 0 : i32
    %dma_wait3A_321 = tpu.memref_slice %arg8[%dma_wait3A_314, %dma_wait3A_320] : memref<2x128xi32, #tpu.memory_space<vmem>> -> memref<1x128xi32, #tpu.memory_space<vmem>>
    %dma_wait3A_322 = tpu.memref_squeeze %dma_wait3A_321 : memref<1x128xi32, #tpu.memory_space<vmem>> -> memref<128xi32, #tpu.memory_space<vmem>>
    %dma_wait3A_323 = arith.constant 0 : i32
    %dma_wait3A_324 = arith.constant 0 : i32
    %dma_wait3A_325 = tpu.memref_slice %arg15[%dma_wait3A_323, %dma_wait3A_324] : memref<512x64xf32, #tpu.memory_space<vmem_shared>> -> memref<512x64xf32, #tpu.memory_space<vmem_shared>>
    tpu.wait_indirect_dma semaphore(%arg19 : memref<!tpu.dma_semaphore, #tpu.memory_space<semaphore_mem>>) src(%dma_wait3A_325 : memref<512x64xf32, #tpu.memory_space<vmem_shared>>) dst(%dma_wait3A_319 : memref<128x64xf32, #tpu.memory_space<vmem>>)
    %dma_wait3A_326 = arith.constant 0 : i32
    %dma_wait3A_327 = arith.constant 0 : i32
    %dma_wait3A_328 = arith.constant 0 : i32
    %dma_wait3A_329 = arith.constant 0 : i32
    %dma_wait3A_330 = arith.constant 0 : i32
    %dma_wait3A_331 = tpu.memref_slice %arg11[%dma_wait3A_328, %dma_wait3A_329, %dma_wait3A_330] : memref<2x384x64xf32, #tpu.memory_space<vmem>> -> memref<1x384x64xf32, #tpu.memory_space<vmem>>
    %dma_wait3A_332 = tpu.memref_squeeze %dma_wait3A_331 : memref<1x384x64xf32, #tpu.memory_space<vmem>> -> memref<384x64xf32, #tpu.memory_space<vmem>>
    %dma_wait3A_333 = arith.constant 0 : i32
    %dma_wait3A_334 = arith.constant 0 : i32
    %dma_wait3A_335 = tpu.memref_slice %dma_wait3A_332[%dma_wait3A_333, %dma_wait3A_334] : memref<384x64xf32, #tpu.memory_space<vmem>> -> memref<128x64xf32, #tpu.memory_space<vmem>>
    %dma_wait3A_336 = arith.constant 0 : i32
    %dma_wait3A_337 = arith.constant 0 : i32
    %dma_wait3A_338 = tpu.memref_slice %arg9[%dma_wait3A_326, %dma_wait3A_336, %dma_wait3A_337] : memref<2x3x128xi32, #tpu.memory_space<vmem>> -> memref<1x3x128xi32, #tpu.memory_space<vmem>>
    %dma_wait3A_339 = tpu.memref_squeeze %dma_wait3A_338 : memref<1x3x128xi32, #tpu.memory_space<vmem>> -> memref<3x128xi32, #tpu.memory_space<vmem>>
    %dma_wait3A_340 = arith.constant 0 : i32
    %dma_wait3A_341 = tpu.memref_slice %dma_wait3A_339[%dma_wait3A_327, %dma_wait3A_340] : memref<3x128xi32, #tpu.memory_space<vmem>> -> memref<1x128xi32, #tpu.memory_space<vmem>>
    %dma_wait3A_342 = tpu.memref_squeeze %dma_wait3A_341 : memref<1x128xi32, #tpu.memory_space<vmem>> -> memref<128xi32, #tpu.memory_space<vmem>>
    %dma_wait3A_343 = arith.constant 0 : i32
    %dma_wait3A_344 = arith.constant 0 : i32
    %dma_wait3A_345 = tpu.memref_slice %arg16[%dma_wait3A_343, %dma_wait3A_344] : memref<1024x64xf32, #tpu.memory_space<vmem_shared>> -> memref<1024x64xf32, #tpu.memory_space<vmem_shared>>
    tpu.wait_indirect_dma semaphore(%arg19 : memref<!tpu.dma_semaphore, #tpu.memory_space<semaphore_mem>>) src(%dma_wait3A_345 : memref<1024x64xf32, #tpu.memory_space<vmem_shared>>) dst(%dma_wait3A_335 : memref<128x64xf32, #tpu.memory_space<vmem>>)
    %dma_wait3A_346 = arith.constant 0 : i32
    %dma_wait3A_347 = arith.constant 1 : i32
    %dma_wait3A_348 = arith.constant 0 : i32
    %dma_wait3A_349 = arith.constant 0 : i32
    %dma_wait3A_350 = arith.constant 0 : i32
    %dma_wait3A_351 = tpu.memref_slice %arg11[%dma_wait3A_348, %dma_wait3A_349, %dma_wait3A_350] : memref<2x384x64xf32, #tpu.memory_space<vmem>> -> memref<1x384x64xf32, #tpu.memory_space<vmem>>
    %dma_wait3A_352 = tpu.memref_squeeze %dma_wait3A_351 : memref<1x384x64xf32, #tpu.memory_space<vmem>> -> memref<384x64xf32, #tpu.memory_space<vmem>>
    %dma_wait3A_353 = arith.constant 128 : i32
    %dma_wait3A_354 = arith.constant 0 : i32
    %dma_wait3A_355 = tpu.memref_slice %dma_wait3A_352[%dma_wait3A_353, %dma_wait3A_354] : memref<384x64xf32, #tpu.memory_space<vmem>> -> memref<128x64xf32, #tpu.memory_space<vmem>>
    %dma_wait3A_356 = arith.constant 0 : i32
    %dma_wait3A_357 = arith.constant 0 : i32
    %dma_wait3A_358 = tpu.memref_slice %arg9[%dma_wait3A_346, %dma_wait3A_356, %dma_wait3A_357] : memref<2x3x128xi32, #tpu.memory_space<vmem>> -> memref<1x3x128xi32, #tpu.memory_space<vmem>>
    %dma_wait3A_359 = tpu.memref_squeeze %dma_wait3A_358 : memref<1x3x128xi32, #tpu.memory_space<vmem>> -> memref<3x128xi32, #tpu.memory_space<vmem>>
    %dma_wait3A_360 = arith.constant 0 : i32
    %dma_wait3A_361 = tpu.memref_slice %dma_wait3A_359[%dma_wait3A_347, %dma_wait3A_360] : memref<3x128xi32, #tpu.memory_space<vmem>> -> memref<1x128xi32, #tpu.memory_space<vmem>>
    %dma_wait3A_362 = tpu.memref_squeeze %dma_wait3A_361 : memref<1x128xi32, #tpu.memory_space<vmem>> -> memref<128xi32, #tpu.memory_space<vmem>>
    %dma_wait3A_363 = arith.constant 0 : i32
    %dma_wait3A_364 = arith.constant 0 : i32
    %dma_wait3A_365 = tpu.memref_slice %arg16[%dma_wait3A_363, %dma_wait3A_364] : memref<1024x64xf32, #tpu.memory_space<vmem_shared>> -> memref<1024x64xf32, #tpu.memory_space<vmem_shared>>
    tpu.wait_indirect_dma semaphore(%arg19 : memref<!tpu.dma_semaphore, #tpu.memory_space<semaphore_mem>>) src(%dma_wait3A_365 : memref<1024x64xf32, #tpu.memory_space<vmem_shared>>) dst(%dma_wait3A_355 : memref<128x64xf32, #tpu.memory_space<vmem>>)
    %dma_wait3A_366 = arith.constant 0 : i32
    %dma_wait3A_367 = arith.constant 2 : i32
    %dma_wait3A_368 = arith.constant 0 : i32
    %dma_wait3A_369 = arith.constant 0 : i32
    %dma_wait3A_370 = arith.constant 0 : i32
    %dma_wait3A_371 = tpu.memref_slice %arg11[%dma_wait3A_368, %dma_wait3A_369, %dma_wait3A_370] : memref<2x384x64xf32, #tpu.memory_space<vmem>> -> memref<1x384x64xf32, #tpu.memory_space<vmem>>
    %dma_wait3A_372 = tpu.memref_squeeze %dma_wait3A_371 : memref<1x384x64xf32, #tpu.memory_space<vmem>> -> memref<384x64xf32, #tpu.memory_space<vmem>>
    %dma_wait3A_373 = arith.constant 256 : i32
    %dma_wait3A_374 = arith.constant 0 : i32
    %dma_wait3A_375 = tpu.memref_slice %dma_wait3A_372[%dma_wait3A_373, %dma_wait3A_374] : memref<384x64xf32, #tpu.memory_space<vmem>> -> memref<128x64xf32, #tpu.memory_space<vmem>>
    %dma_wait3A_376 = arith.constant 0 : i32
    %dma_wait3A_377 = arith.constant 0 : i32
    %dma_wait3A_378 = tpu.memref_slice %arg9[%dma_wait3A_366, %dma_wait3A_376, %dma_wait3A_377] : memref<2x3x128xi32, #tpu.memory_space<vmem>> -> memref<1x3x128xi32, #tpu.memory_space<vmem>>
    %dma_wait3A_379 = tpu.memref_squeeze %dma_wait3A_378 : memref<1x3x128xi32, #tpu.memory_space<vmem>> -> memref<3x128xi32, #tpu.memory_space<vmem>>
    %dma_wait3A_380 = arith.constant 0 : i32
    %dma_wait3A_381 = tpu.memref_slice %dma_wait3A_379[%dma_wait3A_367, %dma_wait3A_380] : memref<3x128xi32, #tpu.memory_space<vmem>> -> memref<1x128xi32, #tpu.memory_space<vmem>>
    %dma_wait3A_382 = tpu.memref_squeeze %dma_wait3A_381 : memref<1x128xi32, #tpu.memory_space<vmem>> -> memref<128xi32, #tpu.memory_space<vmem>>
    %dma_wait3A_383 = arith.constant 0 : i32
    %dma_wait3A_384 = arith.constant 0 : i32
    %dma_wait3A_385 = tpu.memref_slice %arg16[%dma_wait3A_383, %dma_wait3A_384] : memref<1024x64xf32, #tpu.memory_space<vmem_shared>> -> memref<1024x64xf32, #tpu.memory_space<vmem_shared>>
    tpu.wait_indirect_dma semaphore(%arg19 : memref<!tpu.dma_semaphore, #tpu.memory_space<semaphore_mem>>) src(%dma_wait3A_385 : memref<1024x64xf32, #tpu.memory_space<vmem_shared>>) dst(%dma_wait3A_375 : memref<128x64xf32, #tpu.memory_space<vmem>>)
    %dma_wait3A_386 = arith.constant 0 : i32
    %dma_wait3A_387 = arith.constant 0 : i32
    %dma_wait3A_388 = arith.constant 1 : i32
    %dma_wait3A_389 = arith.constant 0 : i32
    %dma_wait3A_390 = tpu.memref_slice %arg8[%dma_wait3A_388, %dma_wait3A_389] : memref<2x128xi32, #tpu.memory_space<vmem>> -> memref<1x128xi32, #tpu.memory_space<vmem>>
    %dma_wait3A_391 = tpu.memref_squeeze %dma_wait3A_390 : memref<1x128xi32, #tpu.memory_space<vmem>> -> memref<128xi32, #tpu.memory_space<vmem>>
    %dma_wait3A_392 = arith.constant 0 : i32
    %dma_wait3A_393 = tpu.memref_slice %arg2[%dma_wait3A_386, %dma_wait3A_387, %dma_wait3A_392] : memref<16x128x128xi32, #tpu.memory_space<hbm>> -> memref<1x1x128xi32, #tpu.memory_space<hbm>>
    %dma_wait3A_394 = tpu.memref_squeeze %dma_wait3A_393 : memref<1x1x128xi32, #tpu.memory_space<hbm>> -> memref<128xi32, #tpu.memory_space<hbm>>
    %dma_wait3A_395 = arith.constant 0 : i32
    %dma_wait3A_396 = tpu.memref_slice %arg8[%dma_wait3A_388, %dma_wait3A_395] : memref<2x128xi32, #tpu.memory_space<vmem>> -> memref<1x128xi32, #tpu.memory_space<vmem>>
    %dma_wait3A_397 = tpu.memref_squeeze %dma_wait3A_396 : memref<1x128xi32, #tpu.memory_space<vmem>> -> memref<128xi32, #tpu.memory_space<vmem>>
    %dma_wait3A_398 = arith.constant 0 : i32
    %dma_wait3A_399 = tpu.memref_slice %arg2[%dma_wait3A_386, %dma_wait3A_387, %dma_wait3A_398] : memref<16x128x128xi32, #tpu.memory_space<hbm>> -> memref<1x1x128xi32, #tpu.memory_space<hbm>>
    %dma_wait3A_400 = tpu.memref_squeeze %dma_wait3A_399 : memref<1x1x128xi32, #tpu.memory_space<hbm>> -> memref<128xi32, #tpu.memory_space<hbm>>
    tpu.wait_dma2 semaphore(%arg18 : memref<!tpu.dma_semaphore, #tpu.memory_space<semaphore_mem>>) src(%dma_wait3A_400 : memref<128xi32, #tpu.memory_space<hbm>>) dst(%dma_wait3A_397 : memref<128xi32, #tpu.memory_space<vmem>>)
    %dma_wait3A_401 = arith.constant 0 : i32
    %dma_wait3A_402 = arith.constant 0 : i32
    %dma_wait3A_403 = arith.constant 1 : i32
    %dma_wait3A_404 = arith.constant 0 : i32
    %dma_wait3A_405 = arith.constant 0 : i32
    %dma_wait3A_406 = tpu.memref_slice %arg9[%dma_wait3A_403, %dma_wait3A_404, %dma_wait3A_405] : memref<2x3x128xi32, #tpu.memory_space<vmem>> -> memref<1x3x128xi32, #tpu.memory_space<vmem>>
    %dma_wait3A_407 = tpu.memref_squeeze %dma_wait3A_406 : memref<1x3x128xi32, #tpu.memory_space<vmem>> -> memref<3x128xi32, #tpu.memory_space<vmem>>
    %dma_wait3A_408 = arith.constant 0 : i32
    %dma_wait3A_409 = arith.constant 0 : i32
    %dma_wait3A_410 = tpu.memref_slice %arg3[%dma_wait3A_401, %dma_wait3A_402, %dma_wait3A_408, %dma_wait3A_409] : memref<16x128x3x128xi32, #tpu.memory_space<hbm>> -> memref<1x1x3x128xi32, #tpu.memory_space<hbm>>
    %dma_wait3A_411 = tpu.memref_squeeze %dma_wait3A_410 : memref<1x1x3x128xi32, #tpu.memory_space<hbm>> -> memref<3x128xi32, #tpu.memory_space<hbm>>
    %dma_wait3A_412 = arith.constant 0 : i32
    %dma_wait3A_413 = arith.constant 0 : i32
    %dma_wait3A_414 = tpu.memref_slice %arg9[%dma_wait3A_403, %dma_wait3A_412, %dma_wait3A_413] : memref<2x3x128xi32, #tpu.memory_space<vmem>> -> memref<1x3x128xi32, #tpu.memory_space<vmem>>
    %dma_wait3A_415 = tpu.memref_squeeze %dma_wait3A_414 : memref<1x3x128xi32, #tpu.memory_space<vmem>> -> memref<3x128xi32, #tpu.memory_space<vmem>>
    %dma_wait3A_416 = arith.constant 0 : i32
    %dma_wait3A_417 = arith.constant 0 : i32
    %dma_wait3A_418 = tpu.memref_slice %arg3[%dma_wait3A_401, %dma_wait3A_402, %dma_wait3A_416, %dma_wait3A_417] : memref<16x128x3x128xi32, #tpu.memory_space<hbm>> -> memref<1x1x3x128xi32, #tpu.memory_space<hbm>>
    %dma_wait3A_419 = tpu.memref_squeeze %dma_wait3A_418 : memref<1x1x3x128xi32, #tpu.memory_space<hbm>> -> memref<3x128xi32, #tpu.memory_space<hbm>>
    tpu.wait_dma2 semaphore(%arg18 : memref<!tpu.dma_semaphore, #tpu.memory_space<semaphore_mem>>) src(%dma_wait3A_419 : memref<3x128xi32, #tpu.memory_space<hbm>>) dst(%dma_wait3A_415 : memref<3x128xi32, #tpu.memory_space<vmem>>)
    %dma_wait3A_420 = arith.constant 0 : i32
    %dma_wait3A_421 = arith.constant 0 : i32
    %dma_wait3A_422 = arith.constant 0 : i32
    %dma_wait3A_423 = arith.constant 0 : i32
    %dma_wait3A_424 = arith.constant 0 : i32
    %dma_wait3A_425 = tpu.memref_slice %arg12[%dma_wait3A_420, %dma_wait3A_423, %dma_wait3A_424] : memref<2x132x64xf32, #tpu.memory_space<vmem>> -> memref<1x132x64xf32, #tpu.memory_space<vmem>>
    %dma_wait3A_426 = tpu.memref_squeeze %dma_wait3A_425 : memref<1x132x64xf32, #tpu.memory_space<vmem>> -> memref<132x64xf32, #tpu.memory_space<vmem>>
    %dma_wait3A_427 = arith.constant 0 : i32
    %dma_wait3A_428 = arith.constant 0 : i32
    %dma_wait3A_429 = tpu.memref_slice %arg7[%dma_wait3A_421, %dma_wait3A_422, %dma_wait3A_427, %dma_wait3A_428] : memref<16x132x132x64xf32, #tpu.memory_space<hbm>> -> memref<1x1x132x64xf32, #tpu.memory_space<hbm>>
    %dma_wait3A_430 = tpu.memref_squeeze %dma_wait3A_429 : memref<1x1x132x64xf32, #tpu.memory_space<hbm>> -> memref<132x64xf32, #tpu.memory_space<hbm>>
    %dma_wait3A_431 = arith.constant 0 : i32
    %dma_wait3A_432 = arith.constant 0 : i32
    %dma_wait3A_433 = tpu.memref_slice %arg7[%dma_wait3A_421, %dma_wait3A_422, %dma_wait3A_431, %dma_wait3A_432] : memref<16x132x132x64xf32, #tpu.memory_space<hbm>> -> memref<1x1x132x64xf32, #tpu.memory_space<hbm>>
    %dma_wait3A_434 = tpu.memref_squeeze %dma_wait3A_433 : memref<1x1x132x64xf32, #tpu.memory_space<hbm>> -> memref<132x64xf32, #tpu.memory_space<hbm>>
    %dma_wait3A_435 = arith.constant 0 : i32
    %dma_wait3A_436 = arith.constant 0 : i32
    %dma_wait3A_437 = tpu.memref_slice %arg12[%dma_wait3A_420, %dma_wait3A_435, %dma_wait3A_436] : memref<2x132x64xf32, #tpu.memory_space<vmem>> -> memref<1x132x64xf32, #tpu.memory_space<vmem>>
    %dma_wait3A_438 = tpu.memref_squeeze %dma_wait3A_437 : memref<1x132x64xf32, #tpu.memory_space<vmem>> -> memref<132x64xf32, #tpu.memory_space<vmem>>
    tpu.wait_dma2 semaphore(%arg21 : memref<!tpu.dma_semaphore, #tpu.memory_space<semaphore_mem>>) src(%dma_wait3A_438 : memref<132x64xf32, #tpu.memory_space<vmem>>) dst(%dma_wait3A_434 : memref<132x64xf32, #tpu.memory_space<hbm>>)
    %dma_wait3A_439 = arith.constant 1 : i32
    %dma_wait3A_440 = arith.constant 0 : i32
    %dma_wait3A_441 = arith.constant 0 : i32
    %dma_wait3A_442 = arith.constant 0 : i32
    %dma_wait3A_443 = arith.constant 0 : i32
    %dma_wait3A_444 = tpu.memref_slice %arg12[%dma_wait3A_439, %dma_wait3A_442, %dma_wait3A_443] : memref<2x132x64xf32, #tpu.memory_space<vmem>> -> memref<1x132x64xf32, #tpu.memory_space<vmem>>
    %dma_wait3A_445 = tpu.memref_squeeze %dma_wait3A_444 : memref<1x132x64xf32, #tpu.memory_space<vmem>> -> memref<132x64xf32, #tpu.memory_space<vmem>>
    %dma_wait3A_446 = arith.constant 0 : i32
    %dma_wait3A_447 = arith.constant 0 : i32
    %dma_wait3A_448 = tpu.memref_slice %arg7[%dma_wait3A_440, %dma_wait3A_441, %dma_wait3A_446, %dma_wait3A_447] : memref<16x132x132x64xf32, #tpu.memory_space<hbm>> -> memref<1x1x132x64xf32, #tpu.memory_space<hbm>>
    %dma_wait3A_449 = tpu.memref_squeeze %dma_wait3A_448 : memref<1x1x132x64xf32, #tpu.memory_space<hbm>> -> memref<132x64xf32, #tpu.memory_space<hbm>>
    %dma_wait3A_450 = arith.constant 0 : i32
    %dma_wait3A_451 = arith.constant 0 : i32
    %dma_wait3A_452 = tpu.memref_slice %arg7[%dma_wait3A_440, %dma_wait3A_441, %dma_wait3A_450, %dma_wait3A_451] : memref<16x132x132x64xf32, #tpu.memory_space<hbm>> -> memref<1x1x132x64xf32, #tpu.memory_space<hbm>>
    %dma_wait3A_453 = tpu.memref_squeeze %dma_wait3A_452 : memref<1x1x132x64xf32, #tpu.memory_space<hbm>> -> memref<132x64xf32, #tpu.memory_space<hbm>>
    %dma_wait3A_454 = arith.constant 0 : i32
    %dma_wait3A_455 = arith.constant 0 : i32
    %dma_wait3A_456 = tpu.memref_slice %arg12[%dma_wait3A_439, %dma_wait3A_454, %dma_wait3A_455] : memref<2x132x64xf32, #tpu.memory_space<vmem>> -> memref<1x132x64xf32, #tpu.memory_space<vmem>>
    %dma_wait3A_457 = tpu.memref_squeeze %dma_wait3A_456 : memref<1x132x64xf32, #tpu.memory_space<vmem>> -> memref<132x64xf32, #tpu.memory_space<vmem>>
    tpu.wait_dma2 semaphore(%arg22 : memref<!tpu.dma_semaphore, #tpu.memory_space<semaphore_mem>>) src(%dma_wait3A_457 : memref<132x64xf32, #tpu.memory_space<vmem>>) dst(%dma_wait3A_453 : memref<132x64xf32, #tpu.memory_space<hbm>>)
    return
  }
}

</mosaic_0001>

<sc_bundles>
// kernel: run.3.cloned.1.call-start
scs
__scs_entry_jumppad:
0x0: {  	(pc) =	sbr.rel $0x88, $3  }
0x1: {  	(tag) =	ssettag $0x0;
	lr =	simm.s32 $0x1  }
0x2: {  	[smem:$0x3F9C] =	sst lr;
	_ =	strace $0xD0000000  }
0x3: {  	_ = 	snop  }
0x4: {  	_ = 	snop  }
0x5: {  	_ = 	snop  }
0x6: {  	_ = 	snop  }
0x7: {  	_ = 	snop  }
__scs_overlays_trampoline_lowered:
0x8: {  	[smem:$0x3FAB] =	sst s0  }
0x9: {  	[smem:$0x3FAC] =	sst s1  }
0xa: {  	[smem:$0x3FAD] =	sst s2  }
0xb: {  	[smem:$0x3FAE] =	sst s3  }
0xc: {  	[smem:$0x3FAF] =	sst s4  }
0xd: {  	[smem:$0x3FB0] =	sst s5  }
0xe: {  	[smem:$0x3FB1] =	sst s6  }
0xf: {  	[smem:$0x3FB2] =	sst s7  }
0x10: {  	[smem:$0x3FB3] =	sst s8  }
0x11: {  	[smem:$0x3FB4] =	sst s9;
	s0 =	simm.s32 @!p0 $0x0  }
0x12: {  	s1 =	sld [smem:$0x3F9A];
	s0 =	simm.s32 @p0 $0x1  }
0x13: {  	[smem:$0x3FB5] =	sst s0;
	s0 =	simm.s32 @!p1 $0x0  }
0x14: {  	s2 =	sld [smem:$0x3F99];
	s0 =	simm.s32 @p1 $0x1  }
0x15: {  	[smem:$0x3FB6] =	sst s0;
	s0 =	simm.s32 @!p2 $0x0  }
0x16: {  	s3 =	sld [smem:$0x3FDB];
	s0 =	simm.s32 @p2 $0x1  }
0x17: {  	s4 =	simm.s32 $0x1BF5;
	[smem:$0x3FB8] =	sst s0  }
0x18: {  	s0 =	sld [smem:$0x3F9B];
	_ =	swait.ge [sflag:s4], $0x0  }
0x19: {  	s7 =	sld [smem:$0x3F9C]  }
0x1a: {  	s8 =	sadd.s32 $0xFFFFE003, lr  }
0x1b: {  	s9 =	sadd.s32 $0xFFFFFEF7, lr;
	s5 =	simm.s32 $0xFFFFFFFF;
	p2 =	slt.u32 s8, $0xFFFFF086  }
0x1c: {  	p1 =	slt.u32 s9, $0xF7A;
	s5 =	simm.s32 @!p2 $0x0  }
0x1d: {  	s5 =	simm.s32 @p1 $0x1;
	p0 =	seq.s32 s7, s2  }
0x1e: {  	s7 =	smul.u32 @!p0 $0xF7A, s2;
	p2 =	seq.s32 @!p0 s5, $0x0  }
0x1f: {  	s9 =	smul.u32 $0xF7A, s1;
	s8 =	simm.s32 @!p0 $0x1BF5;
	p2 =	por !p2, p0  }
0x20: {  	[sflag:s8] =	ssyncset.s32 @!p0 $0xFFFFF086;
	s6 =	sadd.s32 @!p0 s3, s7;
	s7 =	simm.s32 @!p0 $0x108  }
0x21: {  	s3 =	sadd.s32 s3, s9;
	s6 =	sadd.s32 @!p0 $0x88, s6;
	s7 =	simm.s32 @p2 $0x1082  }
0x22: {  	[simem:s7], [sflag:s8] =	dma.local @!p0 [hbm:s6], $0xF7A  }
0x23: {  	s9 =	sor.u32 $0xD0000000, s2;
	s6 =	simm.s32 $0x108;
	_ =	swait.ge @!p0 [sflag:s8], $0x0  }
0x24: {  	s3 =	sadd.s32 $0x88, s3;
	s6 =	simm.s32 @!p1 $0x1082;
	[sflag:s4] =	ssyncset.s32 $0xFFFFF086  }
0x25: {  	[simem:s6], [sflag:s4] =	dma.local [hbm:s3], $0xF7A  }
0x26: {  	[smem:$0x3F9C] =	sst s1;
	(tag) =	ssettag s2;
	_ =	strace s9  }
0x27: {  	s1 =	sld [smem:$0x3FAC]  }
0x28: {  	s2 =	sld [smem:$0x3FAD]  }
0x29: {  	s4 =	sld [smem:$0x3FAF]  }
0x2a: {  	p0 =	seq.s32 s5, $0x0;
	s5 =	sld [smem:$0x3FB0]  }
0x2b: {  	s6 =	sld [smem:$0x3FB1]  }
0x2c: {  	s7 =	sld [smem:$0x3FB2]  }
0x2d: {  	s3 =	simm.s32 $0x108;
	s8 =	sld [smem:$0x3FB3]  }
0x2e: {  	s3 =	simm.s32 @!p0 $0x1082;
	s9 =	sld [smem:$0x3FB4]  }
0x2f: {  	lr =	sadd.s32 s0, s3;
	s0 =	sld [smem:$0x3FAB]  }
0x30: {  	s3 =	sld [smem:$0x3FAE]  }
0x31: {  	[smem:$0x3FB7] =	sst s10  }
0x32: {  	s10 =	sld [smem:$0x3FB5];
	_ =	sdelay $0x3  }
0x33: {  	p0 =	seq.s32 s10, $0x1;
	s10 =	sld [smem:$0x3FB7];
	_ =	sdelay $0x3  }
0x34: {  	[smem:$0x3FB7] =	sst s10  }
0x35: {  	s10 =	sld [smem:$0x3FB6];
	_ =	sdelay $0x3  }
0x36: {  	p1 =	seq.s32 s10, $0x1;
	s10 =	sld [smem:$0x3FB7];
	_ =	sdelay $0x3  }
0x37: {  	[smem:$0x3FB7] =	sst s10  }
0x38: {  	s10 =	sld [smem:$0x3FB8]  }
0x39: {  	_ = 	snop;
	(pc) =	sbr.ind lr, $3  }
0x3a: {  	_ = 	snop  }
0x3b: {  	_ = 	snop  }
0x3c: {  	p2 =	seq.s32 s10, $0x1;
	s10 =	sld [smem:$0x3FB7]  }
0x3d: {  	_ =	shalt  }
0x3e: {  	_ =	shalt  }
0x3f: {  	_ =	shalt  }
0x40: {  	_ =	shalt  }
0x41: {  	_ =	shalt  }
0x42: {  	_ =	shalt  }
0x43: {  	_ =	shalt  }
0x44: {  	_ =	shalt  }
0x45: {  	_ =	shalt  }
0x46: {  	_ =	shalt  }
0x47: {  	_ =	shalt  }
0x48: {  	_ =	shalt  }
0x49: {  	_ =	shalt  }
0x4a: {  	_ =	shalt  }
0x4b: {  	_ =	shalt  }
0x4c: {  	_ =	shalt  }
0x4d: {  	_ =	shalt  }
0x4e: {  	_ =	shalt  }
0x4f: {  	_ =	shalt  }
0x50: {  	_ =	shalt  }
0x51: {  	_ =	shalt  }
0x52: {  	_ =	shalt  }
0x53: {  	_ =	shalt  }
0x54: {  	_ =	shalt  }
0x55: {  	_ =	shalt  }
0x56: {  	_ =	shalt  }
0x57: {  	_ =	shalt  }
0x58: {  	_ =	shalt  }
0x59: {  	_ =	shalt  }
0x5a: {  	_ =	shalt  }
0x5b: {  	_ =	shalt  }
0x5c: {  	_ =	shalt  }
0x5d: {  	_ =	shalt  }
0x5e: {  	_ =	shalt  }
0x5f: {  	_ =	shalt  }
0x60: {  	_ =	shalt  }
0x61: {  	_ =	shalt  }
0x62: {  	_ =	shalt  }
0x63: {  	_ =	shalt  }
0x64: {  	_ =	shalt  }
0x65: {  	_ =	shalt  }
0x66: {  	_ =	shalt  }
0x67: {  	_ =	shalt  }
0x68: {  	_ =	shalt  }
0x69: {  	_ =	shalt  }
0x6a: {  	_ =	shalt  }
0x6b: {  	_ =	shalt  }
0x6c: {  	_ =	shalt  }
0x6d: {  	_ =	shalt  }
0x6e: {  	_ =	shalt  }
0x6f: {  	_ =	shalt  }
0x70: {  	_ =	shalt  }
0x71: {  	_ =	shalt  }
0x72: {  	_ =	shalt  }
0x73: {  	_ =	shalt  }
0x74: {  	_ =	shalt  }
0x75: {  	_ =	shalt  }
0x76: {  	_ =	shalt  }
0x77: {  	_ =	shalt  }
0x78: {  	_ =	shalt  }
0x79: {  	_ =	shalt  }
0x7a: {  	_ =	shalt  }
0x7b: {  	_ =	shalt  }
0x7c: {  	_ =	shalt  }
0x7d: {  	_ =	shalt  }
0x7e: {  	_ =	shalt  }
0x7f: {  	_ =	shalt  }
0x80: {  	_ =	shalt  }
0x81: {  	_ =	shalt  }
0x82: {  	_ =	shalt  }
0x83: {  	_ =	shalt  }
0x84: {  	_ =	shalt  }
0x85: {  	_ =	shalt  }
0x86: {  	_ =	shalt  }
0x87: {  	_ =	shalt  }
.Lfunc_end0:
.L_simem_size_0:
called_computation.1_lowered:
.L_overlay_start_0:
0x88: {  	s2 =	sld [smem:$0x3FD9]  }
0x89: {  	s3 =	sld [smem:$0x3FFE];
	_ =	sdelay $0x1  }
0x8a: {  	s1 =	srdreg.scid  }
0x8b: {  	s0 =	sand.u32 $0x1, s1  }
0x8c: {  	s17 =	sshll.u32 s0, $0xA;
	s2 =	sadd.s32 s3, s2  }
0x8d: {  	s2 =	sadd.s32 s2, s17  }
0x8e: {  	[smem:$0x3FC3] =	sst s2  }
0x8f: {  	_ = 	snop  }
0x90: {  	s2 =	sld [smem:$0x3FC9]  }
0x91: {  	s18 =	sld [smem:$0x3FC5]  }
0x92: {  	s4 =	sld [smem:$0x3FD0];
	(tm) =	ssettm $0x1  }
0x93: {  	s5 =	sld [smem:$0x3FFB];
	_ =	sdelay $0x3  }
0x94: {  	_ =	strace s5  }
0x95: {  	s5 =	sld [smem:$0x3FFC];
	_ =	sdelay $0x3  }
0x96: {  	_ =	strace s5  }
0x97: {  	s5 =	sld [smem:$0x3FFD];
	_ =	sdelay $0x3  }
0x98: {  	_ =	strace s5  }
0x99: {  	_ =	strace $0x8FFFFFFF  }
0x9a: {  	s19 =	sld [smem:$0x3FDB];
	_ =	sdelay $0x1  }
0x9b: {  	s6 =	simm.s32 $_scs_section_size  }
0x9c: {  	s7 =	simm.s32 $_size__tile_overlayer_lowered;
	s8 =	simm.s32 $_tile_overlayer_lowered  }
0x9d: {  	s22 =	simm.s32 $0x1BFF;
	s21 =	sshll.u32 s8, $0x1;
	s5 =	sadd.s32 s6, s19  }
0x9e: {  	s9 =	simm.s32 $0x0;
	s20 =	sshll.u32 s7, $0x1;
	s7 =	sadd.s32 s21, s5  }
0x9f: {  	[timem:s9], [sflag:s22] =	dma.local [hbm:s7], s20  }
0xa0: {  	_ =	swait.ge [sflag:s22], s20  }
0xa1: {  	s6 =	ssub.s32 $0x0, s20;
	[sflag:s22] =	ssyncset.done $0x0  }
0xa2: {  	[sflag:s22] =	ssyncadd.s32 s6;
	_ =	sdelay $0x1  }
0xa3: {  	s23 =	simm.s32 $0x1B8B  }
0xa4: {  	_ =	swait.ge [sflag:s23], $0x1  }
0xa5: {  	[sflag:s23] =	ssyncset.done $0x0  }
0xa6: {  	s25 =	simm.s32 $0x1B8E;
	s24 =	sld [smem:$0x3FFE];
	[sflag:s23] =	ssyncadd.s32 $0xFFFFFFFF  }
0xa7: {  	s26 =	simm.s32 $execute0_lowered;
	[smem:$0x3FD2] =	sst s25  }
0xa8: {  	s7 =	sshll.u32 s26, $0x1;
	_ =	strace $0x80000046;
	[dreg:$0x1] =	wrdreg $0xFFFFFFFF  }
0xa9: {  	s28 =	simm.s32 $_size_execute0_lowered;
	s5 =	sadd.s32 s5, s7;
	[dreg:$0x0] =	wrdreg $0x0  }
0xaa: {  	s7 =	sshll.u32 s28, $0x1;
	[dreg:$0x2] =	wrdreg s5  }
0xab: {  	[dreg:$0x3] =	wrdreg s7  }
0xac: {  	[dreg:$0x4] =	wrdreg $0xC0  }
0xad: {  	_ =	task [dreg:s9], $0x5FFFF  }
0xae: {  	[dreg:$0x1] =	wrdreg $0xFFFFFFFF  }
0xaf: {  	[dreg:$0x0] =	wrdreg $0x60  }
0xb0: {  	[dreg:$0x2] =	wrdreg s2  }
0xb1: {  	[dreg:$0x3] =	wrdreg s24  }
0xb2: {  	[dreg:$0x4] =	wrdreg s18  }
0xb3: {  	[dreg:$0x5] =	wrdreg s4  }
0xb4: {  	[dreg:$0x6] =	wrdreg $0x167400  }
0xb5: {  	[dreg:$0x7] =	wrdreg $0x16F400  }
0xb6: {  	[dreg:$0x8] =	wrdreg $0x9  }
0xb7: {  	_ =	task.clear_ibuf [dreg:s9], $0x9FFFF;
	_ =	strace $0x90000046  }
0xb8: {  	s29 =	simm.s32 $0x9;
	_ =	strace $0x80000048  }
0xb9: {  	_ =	swait.ge [sflag:s29], $0x1  }
0xba: {  	[sflag:s29] =	ssyncadd.s32 $0xFFFFFFFF  }
0xbb: {  	_ =	strace $0x90000048  }
0xbc: {  	_ =	sfence  }
0xbd: {  	s30 =	sld [smem:$0x0];
	_ =	sdelay $0x2  }
0xbe: {  	s31 =	sshll.u32 s1, $0xD;
	s1 =	sshrl.u32 s1, $0x2  }
0xbf: {  	s3 =	sand.u32 $0x4000, s31;
	s1 =	sadd.s32 s1, s30  }
0xc0: {  	s0 =	sor.u32 s3, s0;
	s1 =	sshll.u32 s1, $0x11  }
0xc1: {  	s0 =	sor.u32 s1, s0  }
0xc2: {  	s0 =	sadd.s32 $0x8F2B, s0  }
0xc3: {  	[sflag:s0] =	ssyncadd.remote.s32 $0x1  }
0xc4: {  	_ =	sfence.sel $0xFFFF  }
0xc5: {  	[dreg:$0x0] =	wrdreg $0xFFFFFFFF;
	(pc) =	sbr.abs _section_cstart, $3  }
0xc6: {  	[dreg:$0x1] =	wrdreg $0xFFFFFFFF  }
0xc7: {  	_ =	task.clear_ibuf [dreg:s9], $0x2FFFF;
	_ =	strace $0x9FFFFFFF  }
0xc8: {  	(tm) =	ssettm $0x7FFFFFFF  }
0xc9: {  	_ =	shalt  }
tec
execute0_lowered:
.L_overlay_start_1:
0x0: {  	(tag) =	ssettag $0x1  }
0x1: {  	s1 =	rddreg [dreg:$0x0]  }
0x2: {  	s0 =	rddreg [dreg:$0x1]  }
0x3: {  	s3 =	rddreg [dreg:$0x3]  }
0x4: {  	s5 =	rddreg [dreg:$0x4]  }
0x5: {  	s6 =	rddreg [dreg:$0x5];
	s7 =	simm.s32 $0x0  }
0x6: {  	s19 =	stileid.u32;
	s2 =	srdreg.scid;
	s11 =	simm.s32 $0x1  }
0x7: {  	s29 =	simm.s32 $0x5;
	[smem:$0x7FF] =	sst s7;
	s2 =	sand.u32 $0x1, s2  }
0x8: {  	s4 =	sshll.u32 s19, $0x1;
	s8 =	sadd.s32 $0x3800, s0;
	s9 =	sshll.u32 s19, $0x9  }
0x9: {  	s10 =	sshll.u32 s19, $0x8;
	s22 =	sshll.u32 s19, $0xB;
	s15 =	sshll.u32 s19, $0x6  }
0xa: {  	s16 =	sshll.u32 s19, $0x2;
	_ =	strace $0x80000047;
	s4 =	sor.u32 s2, s4  }
0xb: {  	p1 =	seq.s32 s2, $0x1;
	s9 =	sadd.s32 s9, s0;
	s2 =	ssub.s32 $0x2, s2  }
0xc: {  	s0 =	sadd.s32 s10, s0;
	s13 =	sadd.s32 s22, s5;
	p0 =	seq.s32 s4, $0x0  }
0xd: {  	s10 =	sshll.u32 s19, $0xE;
	s15 =	sor.u32 $0x1C07, s15;
	p0 =	por !p0, !p1  }
0xe: {  	s21 =	sshrl.u32 s2, $0x1;
	s12 =	sshll.u32 s4, $0x1;
	p0 =	por !p0, !p0  }
0xf: {  	s0 =	sadd.s32 $0x800, s0;
	[dreg:$0x8] =	wrdreg s15;
	s11 =	simm.s32 @!p0 $0x0  }
0x10: {  	s25 =	sshrl.u32 s10, $0x2;
	s9 =	sadd.s32 $0x1800, s9;
	s11 =	ssub.s32 s19, s11  }
0x11: {  	s2 =	ssub.s32 s2, s21;
	[dreg:$0x7] =	wrdreg s0;
	s23 =	sshll.u32 s11, $0x2  }
0x12: {  	s24 =	smul.u32 $0x110400, s11;
	s30 =	sshll.u32 s11, $0x7;
	s15 =	sshll.u32 s11, $0xE  }
0x13: {  	s11 =	smul.u32 $0xC000, s11;
	s14 =	ssub.s32 s12, s23;
	s12 =	ssub.s32 s12, s16  }
0x14: {  	s17 =	sadd.s32 s25, s6;
	s14 =	smul.u32 $0x2100, s14;
	s12 =	sor.u32 $0x1, s12  }
0x15: {  	[dreg:$0x9] =	wrdreg s9;
	s26 =	smul.u32 $0x2100, s12;
	s12 =	sshll.u32 s4, $0x6  }
0x16: {  	s0 =	sadd.s32 s24, s14;
	s14 =	smul.u32 $0x110400, s19;
	s31 =	ssub.s32 s12, s30  }
0x17: {  	s18 =	sor.u32 $0x1, s12;
	s30 =	sshrl.u32 s13, $0x3;
	s0 =	sshrl.u32 s0, $0x3  }
0x18: {  	s16 =	sshll.u32 s31, $0x7;
	[dreg:$0x11] =	wrdreg s30;
	s0 =	sadd.s32 s3, s0  }
0x19: {  	s9 =	sadd.s32 s14, s26;
	s26 =	smax.u32 s2, $0x1;
	s2 =	simm.s32 $0x280  }
0x1a: {  	[dreg:$0xa] =	wrdreg s0;
	s4 =	sshrl.u32 s9, $0x3;
	s0 =	smul.u32 $0x180, s31  }
0x1b: {  	s9 =	sadd.s32 s15, s16;
	s15 =	sshll.u32 s19, $0x7;
	s16 =	smul.u32 $0xC000, s19  }
0x1c: {  	[dreg:$0x10] =	wrdreg s26;
	s31 =	sshrl.u32 s17, $0x3;
	s26 =	simm.s32 $0x1  }
0x1d: {  	s9 =	sshrl.u32 s9, $0x3;
	s18 =	ssub.s32 s18, s15;
	s4 =	sadd.s32 s3, s4  }
0x1e: {  	[dreg:$0x12] =	wrdreg s31;
	s28 =	ssub.s32 s12, s15;
	s0 =	sadd.s32 s11, s0  }
0x1f: {  	s20 =	sshll.u32 s18, $0x7;
	[dreg:$0xb] =	wrdreg s4;
	s21 =	sadd.s32 s1, s9  }
0x20: {  	s18 =	smul.u32 $0x180, s18;
	s11 =	simm.s32 $0x3;
	[dreg:$0xc] =	wrdreg s21  }
0x21: {  	s22 =	sadd.s32 s10, s20;
	s0 =	sshrl.u32 s0, $0x3;
	s20 =	simm.s32 $0x4  }
0x22: {  	s21 =	simm.s32 $0x6;
	s4 =	sshrl.u32 s22, $0x3;
	s23 =	sadd.s32 s16, s18  }
0x23: {  	s0 =	sadd.s32 s8, s0;
	s22 =	sadd.s32 $0x8400, s14;
	s18 =	simm.s32 $0x2  }
0x24: {  	[dreg:$0xd] =	wrdreg s0;
	s24 =	sadd.s32 s1, s4;
	s25 =	sshrl.u32 s23, $0x3  }
0x25: {  	s4 =	simm.s32 $0x80;
	[dreg:$0xe] =	wrdreg s24;
	s0 =	sadd.s32 s8, s25  }
0x26: {  	s23 =	simm.s32 $0x0;
	[dreg:$0xf] =	wrdreg s0;
	s0 =	simm.s32 $0x100  }
.LBB2_1:
0x27: {  	s9 =	rddreg [dreg:$0x7]  }
0x28: {  	s13 =	rddreg [dreg:$0x8]  }
0x29: {  	s14 =	rddreg [dreg:$0x11];
	s17 =	simm.s32 $0x7  }
0x2a: {  	[spmem:s14], [sflag:s13] =	dma.local [hbm:s9], $0x100  }
0x2b: {  	_ =	swait.ge [sflag:s17], $0x100  }
0x2c: {  	[sflag:s17] =	ssyncset.done $0x0;
	s24 =	rddreg [dreg:$0x9]  }
0x2d: {  	s25 =	rddreg [dreg:$0x12];
	[sflag:s17] =	ssyncadd.s32 $0xFFFFFF00  }
0x2e: {  	[spmem:s25], [sflag:s13] =	dma.local [hbm:s24], $0x200  }
0x2f: {  	_ =	swait.ge [sflag:s17], $0x200  }
0x30: {  	[sflag:s17] =	ssyncset.done $0x0  }
0x31: {  	[sflag:s17] =	ssyncadd.s32 $0xFFFFFE00  }
0x32: {  	[bflag:$0x0] =	sbarrier.arrive $0xFFFF  }
0x33: {  	s31 =	simm.s32 $0x16700;
	s30 =	rddreg [dreg:$0x2]  }
0x34: {  	[tilespmem:s31], [sflag:$0x1] =	stream.linear.gather [hbm4b:s30+s7], $0x40, $0x38;
	[tilespmem:$0x17F40] =	vst v63  }
0x35: {  	_ =	swait.ge [sflag:s26], $0x40  }
0x36: {  	[sflag:s26] =	ssyncset.done $0x0  }
0x37: {  	[sflag:s26] =	ssyncadd.s32 $0xFFFFFFC0  }
0x38: {  	v0 =	vld [tilespmem:$0x16700];
	_ =	sdelay $0x3  }
0x39: {  	s9 =	simm.s32 $0x14680  }
0x3a: {  	[tilespmem:s9+$0x40] =	vst v0  }
0x3b: {  	[tilespmem:s9+$0xFFFFFF80] =	vst v0;
	v1 =	vld [tilespmem:$0x16710]  }
0x3c: {  	v2 =	vld [tilespmem:$0x16710]  }
0x3d: {  	v4 =	vld [tilespmem:$0x16700];
	[tilespmem:s9+$0xFFFFFFC0] =	vst v0  }
0x3e: {  	v3 =	vld [tilespmem:$0x16710]  }
0x3f: {  	[tilespmem:s9+$0x0] =	vst v0  }
0x40: {  	[tilespmem:s9+$0x50] =	vst v1  }
0x41: {  	s13 =	simm.s32 $0x14780;
	[tilespmem:s9+$0xFFFFFF90] =	vst v2;
	v0 =	vld [tilespmem:$0x16720]  }
0x42: {  	[tilespmem:s13+$0x40] =	vst v4;
	v2 =	vld [tilespmem:$0x16720]  }
0x43: {  	v1 =	vld [tilespmem:$0x16710];
	[tilespmem:s9+$0xFFFFFFD0] =	vst v3  }
0x44: {  	[tilespmem:s13+$0xFFFFFF80] =	vst v4;
	v3 =	vld [tilespmem:$0x16720]  }
0x45: {  	[tilespmem:s13+$0xFFFFFFC0] =	vst v4  }
0x46: {  	v6 =	vld [tilespmem:$0x16710];
	[tilespmem:s9+$0x60] =	vst v0  }
0x47: {  	[tilespmem:s9+$0xFFFFFFA0] =	vst v2;
	v2 =	vld [tilespmem:$0x16710]  }
0x48: {  	[tilespmem:s9+$0x10] =	vst v1;
	v0 =	vld [tilespmem:$0x16730]  }
0x49: {  	[tilespmem:s9+$0xFFFFFFE0] =	vst v3;
	v3 =	vld [tilespmem:$0x16710]  }
0x4a: {  	[tilespmem:s13+$0x0] =	vst v4;
	v1 =	vld [tilespmem:$0x16720]  }
0x4b: {  	v7 =	vld [tilespmem:$0x16710];
	[tilespmem:s13+$0xFFFFFFD0] =	vst v6  }
0x4c: {  	v5 =	vld [tilespmem:$0x16730];
	[tilespmem:s13+$0x50] =	vst v2  }
0x4d: {  	[tilespmem:s9+$0x70] =	vst v0;
	v0 =	vld [tilespmem:$0x16730]  }
0x4e: {  	[tilespmem:s13+$0xFFFFFF90] =	vst v3;
	v2 =	vld [tilespmem:$0x16720]  }
0x4f: {  	[tilespmem:s9+$0x20] =	vst v1;
	v4 =	vld [tilespmem:$0x16720]  }
0x50: {  	[tilespmem:s13+$0x10] =	vst v7;
	v1 =	vld [tilespmem:$0x16730]  }
0x51: {  	s14 =	simm.s32 $0x4;
	v3 =	vld [tilespmem:$0x16720];
	[tilespmem:s9+$0xFFFFFFB0] =	vst v5  }
.LBB2_2:
0x52: {  	v5 =	vld [tilespmem:$0x16700];
	s14 =	sadd.s32 $0x4, s14;
	[tilespmem:s9+$0xFFFFFFF0] =	vst v0  }
0x53: {  	p0 =	slt.u32 s14, $0x80;
	v6 =	vld [tilespmem:$0x16720];
	[tilespmem:s13+$0x60] =	vst v2  }
0x54: {  	[tilespmem:s13+$0xFFFFFFA0] =	vst v4;
	v2 =	vld [tilespmem:$0x16730]  }
0x55: {  	v7 =	vld [tilespmem:$0x16730];
	[tilespmem:s9+$0x30] =	vst v1;
	s9 =	smov.u32 s13  }
0x56: {  	s13 =	sadd.s32 $0x100, s13;
	[tilespmem:s9+$0xFFFFFFE0] =	vst v3  }
0x57: {  	[tilespmem:s13+$0x40] =	vst v5;
	v0 =	vld [tilespmem:$0x16730]  }
0x58: {  	[tilespmem:s13+$0xFFFFFF80] =	vst v5;
	v1 =	vld [tilespmem:$0x16710]  }
0x59: {  	v3 =	vld [tilespmem:$0x16710];
	[tilespmem:s9+$0x70] =	vst v2  }
0x5a: {  	[tilespmem:s13+$0xFFFFFFC0] =	vst v5  }
0x5b: {  	v8 =	vld [tilespmem:$0x16710];
	[tilespmem:s13+$0x0] =	vst v5  }
0x5c: {  	v5 =	vld [tilespmem:$0x16710];
	[tilespmem:s9+$0x20] =	vst v6  }
.Ltmp0:
0x5d: {  	[tilespmem:s13+$0x50] =	vst v1;
	v1 =	vld [tilespmem:$0x16730];
	(pc) =	sbr.rel @p0 .LBB2_2-.Ltmp0, $4  }
0x5e: {  	[tilespmem:s13+$0xFFFFFF90] =	vst v3;
	v2 =	vld [tilespmem:$0x16720]  }
0x5f: {  	v4 =	vld [tilespmem:$0x16720];
	[tilespmem:s9+$0xFFFFFFB0] =	vst v7  }
0x60: {  	[tilespmem:s13+$0xFFFFFFD0] =	vst v8  }
0x61: {  	v3 =	vld [tilespmem:$0x16720];
	[tilespmem:s13+$0x10] =	vst v5  }
0x62: {  	v5 =	vld [tilespmem:$0x16720];
	_ =	sdelay $0x1  }
0x63: {  	[tilespmem:s13+$0x60] =	vst v2  }
0x64: {  	[tilespmem:s13+$0xFFFFFFA0] =	vst v4;
	v2 =	vld [tilespmem:$0x16730]  }
0x65: {  	v61 =	vld [tilespmem:$0x16730];
	[tilespmem:s13+$0xFFFFFFE0] =	vst v3  }
0x66: {  	[tilespmem:s13+$0x20] =	vst v5;
	v62 =	vld [tilespmem:$0x16730]  }
0x67: {  	[tilespmem:s9+$0xFFFFFFF0] =	vst v0;
	v63 =	vld [tilespmem:$0x16730]  }
0x68: {  	[tilespmem:s9+$0x30] =	vst v1  }
0x69: {  	[tilespmem:s13+$0x70] =	vst v2  }
0x6a: {  	[tilespmem:s13+$0xFFFFFFB0] =	vst v61  }
0x6b: {  	[tilespmem:s13+$0xFFFFFFF0] =	vst v62  }
0x6c: {  	[tilespmem:s13+$0x30] =	vst v63  }
0x6d: {  	v0 =	vld [tilespmem:$0x16700];
	_ =	sdelay $0x1  }
0x6e: {  	p4 =	por $0x1, $0x1  }
.Ltmp1:
0x6f: {  	_ = 	snop;
	(pc) =	sbr.rel @!p4 .LBB2_4-.Ltmp1, $4  }
0x70: {  	s9 =	simm.s32 $0x0  }
0x71: {  	[tilespmem:s9+$0x10400] =	vst v0  }
0x72: {  	s24 =	simm.s32 $0x0;
	p0 =	por $0x0, $0x0;
	p1 =	por $0x0, $0x0;
	[tilespmem:s9+$0x12500] =	vst v0  }
0x73: {  	p2 =	por $0x0, $0x0;
	p3 =	por $0x0, $0x0;
	[dreg:$0x13] =	wrdreg s23  }
0x74: {  	v0 =	vld [tilespmem:$0x16700]  }
0x75: {  	p4 =	por $0x1, $0x1  }
.Ltmp2:
0x76: {  	_ = 	snop;
	(pc) =	sbr.rel @!p4 .LBB2_6-.Ltmp2, $4  }
0x77: {  	_ = 	snop  }
0x78: {  	s14 =	simm.s32 $0x40  }
0x79: {  	[tilespmem:s14+$0x10400] =	vst v0  }
0x7a: {  	p0 =	por $0x1, $0x1;
	[tilespmem:s14+$0x12500] =	vst v0  }
0x7b: {  	v1 =	vld [tilespmem:$0x16700];
	_ =	sdelay $0x1  }
0x7c: {  	v0 =	vld [tilespmem:$0x16710];
	p4 =	por $0x1, $0x1  }
.Ltmp3:
0x7d: {  	_ = 	snop;
	(pc) =	sbr.rel @!p4 .LBB2_8-.Ltmp3, $4  }
0x7e: {  	s19 =	simm.s32 $0x80  }
0x7f: {  	[tilespmem:s19+$0x10400] =	vst v1  }
0x80: {  	[tilespmem:s19+$0x12500] =	vst v1  }
0x81: {  	p1 =	por $0x1, $0x1;
	[tilespmem:s9+$0x12510] =	vst v0  }
0x82: {  	v1 =	vld [tilespmem:$0x16700];
	_ =	sdelay $0x1  }
0x83: {  	v3 =	vld [tilespmem:$0x16710];
	p4 =	por $0x0, $0x0  }
.Ltmp4:
0x84: {  	_ = 	snop;
	(pc) =	sbr.rel @!p4 .LBB2_10-.Ltmp4, $4  }
0x85: {  	[tilespmem:s9+$0x10410] =	vst v0;
	s13 =	simm.s32 $0xC0  }
0x86: {  	[tilespmem:s13+$0x10400] =	vst v1  }
0x87: {  	[tilespmem:s13+$0x12500] =	vst v1  }
0x88: {  	p2 =	por $0x1, $0x1;
	v1 =	vld [tilespmem:$0x16720];
	[tilespmem:s14+$0x12510] =	vst v3  }
0x89: {  	_ = 	snop  }
0x8a: {  	v4 =	vld [tilespmem:$0x16700];
	_ =	sdelay $0x1  }
0x8b: {  	[tilespmem:s14+$0x10410] =	vst v3  }
0x8c: {  	v0 =	vld [tilespmem:$0x16710];
	p4 =	por $0x1, $0x1;
	[tilespmem:s9+$0x10420] =	vst v1  }
.Ltmp5:
0x8d: {  	s30 =	simm.s32 $0x100;
	v2 =	vld [tilespmem:$0x16720];
	[tilespmem:s9+$0x12520] =	vst v1;
	(pc) =	sbr.rel @!p4 .LBB2_12-.Ltmp5, $4  }
0x8e: {  	[tilespmem:s30+$0x10400] =	vst v4  }
0x8f: {  	[tilespmem:s30+$0x12500] =	vst v4;
	v4 =	vld [tilespmem:$0x16730]  }
0x90: {  	s31 =	simm.s32 $0x500  }
0x91: {  	p3 =	por $0x1, $0x1;
	s23 =	simm.s32 $0x40;
	s25 =	simm.s32 $0x0;
	[tilespmem:s19+$0x12510] =	vst v0  }
.LBB2_13:
0x92: {  	v5 =	vld [tilespmem:$0x16700];
	p4 =	sne.s32 s31, $0x300;
	[tilespmem:s23+$0x10420] =	vst v2;
	v6 =	vmov v2;
	s17 =	smov.u32 s31;
	s31 =	sadd.s32 $0x100, s31  }
0x93: {  	[tilespmem:s19+$0x10410] =	vst v0  }
0x94: {  	v0 =	vld [tilespmem:$0x16710];
	[tilespmem:s25+$0x10430] =	vst v4  }
.Ltmp6:
0x95: {  	v2 =	vld [tilespmem:$0x16720];
	[tilespmem:s25+$0x12530] =	vst v4;
	s25 =	smov.u32 s23;
	s23 =	smov.u32 s19;
	(pc) =	sbr.rel @p4 .LBB2_13-.Ltmp6, $4  }
0x96: {  	s19 =	smov.u32 s13;
	s13 =	smov.u32 s30;
	s30 =	sshra.s32 s17, $0x2;
	[tilespmem:s25+$0x12520] =	vst v6  }
0x97: {  	[tilespmem:s30+$0x10400] =	vst v5;
	v4 =	vld [tilespmem:$0x16730]  }
0x98: {  	[tilespmem:s30+$0x12500] =	vst v5  }
0x99: {  	[tilespmem:s19+$0x12510] =	vst v0  }
0x9a: {  	s31 =	smov.u32 s13;
	s13 =	smov.u32 s30  }
.LBB2_15:
0x9b: {  	v5 =	vld @p0 [tilespmem:$0x16710]  }
0x9c: {  	v61 =	vld [tilespmem:$0x16710]  }
0x9d: {  	[tilespmem:s19+$0x10410] =	vst @p1 v0  }
0x9e: {  	[tilespmem:s25+$0x10430] =	vst @p3 v4  }
0x9f: {  	s17 =	smov.u32 @p0 s31;
	[tilespmem:s25+$0x12530] =	vst @p3 v4  }
0xa0: {  	v4 =	vld @p1 [tilespmem:$0x16720];
	[tilespmem:s17+$0x12510] =	vst @p0 v5  }
0xa1: {  	[tilespmem:s13+$0x12510] =	vst v61  }
0xa2: {  	s14 =	smov.u32 @p0 s17;
	v3 =	vpsel p0, v5, v3;
	[tilespmem:s13+$0x10410] =	vst v61  }
0xa3: {  	[tilespmem:s14+$0x10410] =	vst @p0 v3;
	v62 =	vld [tilespmem:$0x16720]  }
0xa4: {  	[tilespmem:s23+$0x10420] =	vst @p2 v2;
	s17 =	smov.u32 @p2 s23;
	v3 =	vld @p0 [tilespmem:$0x16720]  }
0xa5: {  	s9 =	smov.u32 @p1 s19;
	[tilespmem:s17+$0x12520] =	vst @p2 v2;
	v1 =	vpsel p1, v4, v1  }
0xa6: {  	[tilespmem:s9+$0x10420] =	vst @p1 v1;
	v0 =	vmov @p1 v1  }
0xa7: {  	v2 =	vld @p2 [tilespmem:$0x16730];
	[tilespmem:s9+$0x12520] =	vst @p1 v0  }
0xa8: {  	[tilespmem:s13+$0x10420] =	vst v62  }
0xa9: {  	s14 =	smov.u32 @p0 s14;
	[tilespmem:s13+$0x12520] =	vst v62;
	v0 =	vpsel p0, v3, v0  }
0xaa: {  	v3 =	vld @p1 [tilespmem:$0x16730];
	[tilespmem:s14+$0x10420] =	vst @p0 v0  }
0xab: {  	v63 =	vld [tilespmem:$0x16730];
	[tilespmem:s14+$0x12520] =	vst @p0 v0  }
0xac: {  	v2 =	vpsel p2, v2, v0;
	v0 =	vld @p0 [tilespmem:$0x16730]  }
0xad: {  	s17 =	smov.u32 @p2 s17  }
0xae: {  	[tilespmem:s17+$0x10430] =	vst @p2 v2  }
0xaf: {  	[tilespmem:s17+$0x12530] =	vst @p2 v2  }
0xb0: {  	[tilespmem:s13+$0x10430] =	vst v63  }
0xb1: {  	s9 =	smov.u32 @p1 s9;
	[tilespmem:s13+$0x12530] =	vst v63;
	v1 =	vpsel p1, v3, v0  }
0xb2: {  	[tilespmem:s9+$0x10430] =	vst @p1 v1  }
0xb3: {  	v0 =	vpsel p0, v0, v0;
	[tilespmem:s9+$0x12530] =	vst @p1 v1;
	s9 =	smov.u32 @p0 s14  }
0xb4: {  	[tilespmem:s9+$0x10430] =	vst @p0 v0  }
0xb5: {  	[tilespmem:s9+$0x12530] =	vst @p0 v0  }
0xb6: {  	s25 =	simm.s32 $0x14600;
	s9 =	rddreg [dreg:$0xa]  }
0xb7: {  	[hbm4b:s9+s24] =	stream.linear.scatter [tilespmem:s25], [sflag:$0x5], $0x2100, $0x38;
	[tilespmem:$0x17F40] =	vst v63  }
0xb8: {  	s30 =	rddreg [dreg:$0xb]  }
0xb9: {  	[hbm4b:s30+s24] =	stream.linear.scatter [tilespmem:s25], [sflag:$0x6], $0x2100, $0x38;
	[tilespmem:$0x17F40] =	vst v63  }
0xba: {  	s31 =	rddreg [dreg:$0xc]  }
0xbb: {  	[tilespmem:s24], [sflag:$0x1] =	stream.linear.gather [hbm4b:s31+s24], $0x80, $0x38;
	[tilespmem:$0x17F40] =	vst v63  }
0xbc: {  	s13 =	rddreg [dreg:$0xd]  }
0xbd: {  	[tilespmem:s0], [sflag:$0x1] =	stream.linear.gather [hbm4b:s13+s24], $0x180, $0x38;
	[tilespmem:$0x17F40] =	vst v63  }
0xbe: {  	s14 =	rddreg [dreg:$0xe]  }
0xbf: {  	[tilespmem:s4], [sflag:$0x2] =	stream.linear.gather [hbm4b:s14+s24], $0x80, $0x38;
	[tilespmem:$0x17F40] =	vst v63  }
0xc0: {  	s17 =	rddreg [dreg:$0xf]  }
0xc1: {  	[tilespmem:s2], [sflag:$0x2] =	stream.linear.gather [hbm4b:s17+s24], $0x180, $0x38;
	[tilespmem:$0x17F40] =	vst v63  }
0xc2: {  	_ =	swait.ge [sflag:s26], $0x80  }
0xc3: {  	[sflag:s26] =	ssyncset.done $0x0  }
0xc4: {  	[sflag:s26] =	ssyncadd.s32 $0xFFFFFF80  }
0xc5: {  	_ =	swait.ge [sflag:s26], $0x180  }
0xc6: {  	[sflag:s26] =	ssyncset.done $0x0  }
0xc7: {  	s17 =	simm.s32 $0x400;
	[sflag:s26] =	ssyncadd.s32 $0xFFFFFE80  }
0xc8: {  	[tilespmem:s17], [sflag:$0x3] =	stream.indirect.gather [spmem:s5], $0x40, s24, s4, $0xb8;
	[tilespmem:$0x17F40] =	vst v63  }
0xc9: {  	s19 =	simm.s32 $0x4400  }
0xca: {  	[tilespmem:s19], [sflag:$0x3] =	stream.indirect.gather [spmem:s6], $0x40, s0, s4, $0xb8;
	[tilespmem:$0x17F40] =	vst v63  }
0xcb: {  	s23 =	simm.s32 $0x180;
	s25 =	simm.s32 $0x6400  }
0xcc: {  	[tilespmem:s25], [sflag:$0x3] =	stream.indirect.gather [spmem:s6], $0x40, s23, s4, $0xb8;
	[tilespmem:$0x17F40] =	vst v63  }
0xcd: {  	s30 =	simm.s32 $0x200;
	s31 =	simm.s32 $0x8400  }
0xce: {  	[tilespmem:s31], [sflag:$0x3] =	stream.indirect.gather [spmem:s6], $0x40, s30, s4, $0xb8;
	[tilespmem:$0x17F40] =	vst v63  }
.LBB2_16:
0xcf: {  	_ =	swait.ge [sflag:s18], $0x80  }
0xd0: {  	[sflag:s18] =	ssyncset.done $0x0  }
0xd1: {  	[sflag:s18] =	ssyncadd.s32 $0xFFFFFF80  }
0xd2: {  	_ =	swait.ge [sflag:s18], $0x180  }
0xd3: {  	[sflag:s18] =	ssyncset.done $0x0  }
0xd4: {  	s9 =	simm.s32 $0x2400;
	[sflag:s18] =	ssyncadd.s32 $0xFFFFFE80  }
0xd5: {  	[tilespmem:s9], [sflag:$0x4] =	stream.indirect.gather [spmem:s5], $0x40, s4, s4, $0xb8;
	[tilespmem:$0x17F40] =	vst v63  }
0xd6: {  	s23 =	simm.s32 $0xA400  }
0xd7: {  	[tilespmem:s23], [sflag:$0x4] =	stream.indirect.gather [spmem:s6], $0x40, s2, s4, $0xb8;
	[tilespmem:$0x17F40] =	vst v63  }
0xd8: {  	s25 =	simm.s32 $0x300;
	s13 =	simm.s32 $0xC400  }
0xd9: {  	[tilespmem:s13], [sflag:$0x4] =	stream.indirect.gather [spmem:s6], $0x40, s25, s4, $0xb8;
	[tilespmem:$0x17F40] =	vst v63  }
0xda: {  	s14 =	simm.s32 $0xE400;
	s13 =	simm.s32 $0x380  }
0xdb: {  	[tilespmem:s14], [sflag:$0x4] =	stream.indirect.gather [spmem:s6], $0x40, s13, s4, $0xb8;
	[tilespmem:$0x17F40] =	vst v63  }
0xdc: {  	_ =	swait.ge [sflag:s11], $0x2000  }
0xdd: {  	[sflag:s11] =	ssyncset.done $0x0  }
0xde: {  	[sflag:s11] =	ssyncadd.s32 $0xFFFFE000  }
0xdf: {  	s25 =	sshll.u32 s24, $0x1;
	_ =	swait.ge [sflag:s11], $0x2000  }
0xe0: {  	s19 =	sadd.s32 $0x2, s25;
	[sflag:s11] =	ssyncset.done $0x0  }
0xe1: {  	s9 =	sand.u32 $0x3E, s19;
	[sflag:s11] =	ssyncadd.s32 $0xFFFFE000  }
0xe2: {  	s9 =	sor.u32 s12, s9;
	_ =	swait.ge [sflag:s11], $0x2000  }
0xe3: {  	s9 =	ssub.s32 s9, s15;
	[sflag:s11] =	ssyncset.done $0x0  }
0xe4: {  	s23 =	sshll.u32 s9, $0x7;
	s9 =	smul.u32 $0x180, s9;
	[sflag:s11] =	ssyncadd.s32 $0xFFFFE000  }
0xe5: {  	s13 =	sadd.s32 s10, s23;
	_ =	swait.ge [sflag:s11], $0x2000  }
0xe6: {  	s13 =	sshrl.u32 s13, $0x3;
	s9 =	sadd.s32 s16, s9;
	[sflag:s11] =	ssyncset.done $0x0  }
0xe7: {  	s13 =	sadd.s32 s1, s13;
	s9 =	sshrl.u32 s9, $0x3;
	[sflag:s11] =	ssyncadd.s32 $0xFFFFE000  }
0xe8: {  	[tilespmem:s7], [sflag:$0x1] =	stream.linear.gather [hbm4b:s13+s7], $0x80, $0x38;
	[tilespmem:$0x17F40] =	vst v63  }
0xe9: {  	s9 =	sadd.s32 s8, s9  }
0xea: {  	[tilespmem:s0], [sflag:$0x1] =	stream.linear.gather [hbm4b:s9+s7], $0x180, $0x38;
	[tilespmem:$0x17F40] =	vst v63  }
0xeb: {  	_ =	swait.ge [sflag:s29], $0x2100  }
0xec: {  	[sflag:s29] =	ssyncset.done $0x0  }
0xed: {  	s14 =	simm.s32 $0x4580;
	[sflag:s29] =	ssyncadd.s32 $0xFFFFDF00  }
0xee: {  	v0 =	vld [tilespmem:s14+$0xC0]  }
0xef: {  	v1 =	vld [tilespmem:s14+$0x100]  }
0xf0: {  	v2 =	vld [tilespmem:s14+$0x140]  }
0xf1: {  	v3 =	vld [tilespmem:s14+$0xFFFFFEC0]  }
0xf2: {  	v4 =	vld [tilespmem:s14+$0xFFFFFF40]  }
0xf3: {  	v5 =	vld [tilespmem:s14+$0x0]  }
0xf4: {  	v6 =	vld [tilespmem:s14+$0xFFFFFE80]  }
0xf5: {  	v7 =	vld [tilespmem:s14+$0x40]  }
0xf6: {  	s13 =	simm.s32 $0x480;
	v8 =	vld [tilespmem:s14+$0xFFFFFFC0]  }
0xf7: {  	v9 =	vld [tilespmem:s13+$0xFFFFFF80]  }
0xf8: {  	s19 =	simm.s32 $0x4880;
	v10 =	vld [tilespmem:s14+$0x80]  }
0xf9: {  	v16 =	vld [tilespmem:s19+$0xC0]  }
0xfa: {  	v17 =	vld [tilespmem:s19+$0x100]  }
0xfb: {  	v18 =	vld [tilespmem:s19+$0xFFFFFEC0];
	v0 =	vadd.f32 v1, v0  }
0xfc: {  	v1 =	vld [tilespmem:s13+$0x40]  }
0xfd: {  	v19 =	vld [tilespmem:s19+$0x140];
	v0 =	vadd.f32 v2, v0  }
0xfe: {  	v2 =	vld [tilespmem:s14+$0xFFFFFF80]  }
0xff: {  	v20 =	vld [tilespmem:s19+$0xFFFFFF40];
	v0 =	vmul.f32 $3.333333430e-01, v0  }
0x100: {  	v21 =	vld [tilespmem:s19+$0xFFFFFF80]  }
0x101: {  	v22 =	vld [tilespmem:s19+$0x0];
	v0 =	vadd.f32 v0, v1  }
0x102: {  	s23 =	simm.s32 $0x105F0;
	v1 =	vld [tilespmem:s14+$0xFFFFFF00]  }
0x103: {  	v2 =	vadd.f32 v2, v4;
	v4 =	vld [tilespmem:s13+$0xFFFFFFC0];
	[tilespmem:s23+$0xFFFFFFD0] =	vst v0  }
0x104: {  	v0 =	vld [tilespmem:s14+$0xD0]  }
0x105: {  	s9 =	simm.s32 $0x580;
	v3 =	vadd.f32 v3, v6;
	v6 =	vld [tilespmem:s14+$0x110]  }
0x106: {  	v34 =	vld [tilespmem:s9+$0x40];
	v2 =	vadd.f32 v8, v2  }
0x107: {  	v1 =	vadd.f32 v1, v3;
	v3 =	vld [tilespmem:s14+$0x150]  }
0x108: {  	v23 =	vld [tilespmem:s19+$0x40];
	v2 =	vmul.f32 $3.333333430e-01, v2  }
0x109: {  	v35 =	vld [tilespmem:s19+$0xFFFFFF00];
	v1 =	vmul.f32 $3.333333430e-01, v1  }
0x10a: {  	v36 =	vld [tilespmem:s19+$0x80];
	v2 =	vadd.f32 v2, v4;
	v0 =	vadd.f32 v6, v0  }
0x10b: {  	v5 =	vadd.f32 v7, v5;
	v6 =	vld [tilespmem:s13+$0x50];
	v1 =	vadd.f32 v1, v9  }
0x10c: {  	[tilespmem:s23+$0xFFFFFF50] =	vst v2;
	v0 =	vadd.f32 v3, v0;
	v3 =	vld [tilespmem:s13+$0x0]  }
0x10d: {  	[tilespmem:s23+$0xFFFFFF10] =	vst v1;
	v1 =	vadd.f32 v10, v5;
	v5 =	vld [tilespmem:s14+$0xFFFFFF50]  }
0x10e: {  	v4 =	vld [tilespmem:s14+$0xFFFFFE90];
	v0 =	vmul.f32 $3.333333430e-01, v0  }
0x10f: {  	v2 =	vld [tilespmem:s14+$0xFFFFFED0]  }
0x110: {  	v9 =	vld [tilespmem:s13+$0xFFFFFF90];
	v1 =	vmul.f32 $3.333333430e-01, v1;
	v0 =	vadd.f32 v0, v6  }
0x111: {  	v6 =	vld [tilespmem:s14+$0xFFFFFF90]  }
0x112: {  	v1 =	vadd.f32 v1, v3;
	v3 =	vld [tilespmem:s14+$0xFFFFFF10];
	[tilespmem:s23+$0xFFFFFFE0] =	vst v0  }
0x113: {  	v0 =	vld [tilespmem:s14+$0xE0]  }
0x114: {  	[tilespmem:s23+$0xFFFFFF90] =	vst v1;
	v1 =	vld [tilespmem:s14+$0x120]  }
0x115: {  	v8 =	vld [tilespmem:s14+$0x160];
	v2 =	vadd.f32 v2, v4  }
0x116: {  	v4 =	vld [tilespmem:s14+$0xFFFFFFD0]  }
0x117: {  	v7 =	vld [tilespmem:s14+$0x10];
	v2 =	vadd.f32 v3, v2  }
0x118: {  	v10 =	vld [tilespmem:s14+$0x50]  }
0x119: {  	v40 =	vld [tilespmem:s9+$0x0];
	v3 =	vadd.f32 v6, v5;
	v2 =	vmul.f32 $3.333333430e-01, v2  }
0x11a: {  	v6 =	vld [tilespmem:s13+$0xFFFFFFD0];
	v0 =	vadd.f32 v1, v0  }
0x11b: {  	v5 =	vld [tilespmem:s14+$0x90];
	v3 =	vadd.f32 v4, v3;
	v2 =	vadd.f32 v2, v9  }
0x11c: {  	v1 =	vld [tilespmem:s13+$0x60]  }
0x11d: {  	v4 =	vadd.f32 v10, v7;
	v7 =	vld [tilespmem:s13+$0x10];
	v0 =	vadd.f32 v8, v0;
	v3 =	vmul.f32 $3.333333430e-01, v3;
	[tilespmem:s23+$0xFFFFFF20] =	vst v2  }
0x11e: {  	v2 =	vld [tilespmem:s14+$0xFFFFFEA0]  }
0x11f: {  	v0 =	vmul.f32 $3.333333430e-01, v0;
	v3 =	vadd.f32 v3, v6;
	v10 =	vld [tilespmem:s14+$0xFFFFFF20]  }
0x120: {  	v13 =	vld [tilespmem:s13+$0xFFFFFFA0]  }
0x121: {  	v0 =	vadd.f32 v0, v1;
	v1 =	vadd.f32 v5, v4;
	v4 =	vld [tilespmem:s14+$0xFFFFFEE0];
	[tilespmem:s23+$0xFFFFFF60] =	vst v3  }
0x122: {  	v5 =	vld [tilespmem:s14+$0xFFFFFF60]  }
0x123: {  	v11 =	vld [tilespmem:s14+$0xFFFFFFE0]  }
0x124: {  	v14 =	vld [tilespmem:s13+$0xFFFFFFE0];
	[tilespmem:s23+$0xFFFFFFF0] =	vst v0  }
0x125: {  	v0 =	vld [tilespmem:s14+$0xF0]  }
0x126: {  	v1 =	vmul.f32 $3.333333430e-01, v1;
	v3 =	vld [tilespmem:s14+$0x130]  }
0x127: {  	v6 =	vld [tilespmem:s14+$0x170]  }
0x128: {  	v16 =	vadd.f32 v17, v16;
	v1 =	vadd.f32 v1, v7;
	v7 =	vld [tilespmem:s14+$0xFFFFFFA0]  }
0x129: {  	v2 =	vadd.f32 v4, v2;
	v4 =	vld [tilespmem:s19+$0xFFFFFE80]  }
0x12a: {  	v16 =	vadd.f32 v19, v16;
	[tilespmem:s23+$0xFFFFFFA0] =	vst v1;
	v1 =	vld [tilespmem:s13+$0x70]  }
0x12b: {  	v8 =	vld [tilespmem:s14+$0x20]  }
0x12c: {  	v16 =	vmul.f32 $3.333333430e-01, v16;
	v9 =	vld [tilespmem:s14+$0x60]  }
0x12d: {  	v12 =	vld [tilespmem:s14+$0xA0];
	v2 =	vadd.f32 v10, v2  }
0x12e: {  	v15 =	vld [tilespmem:s13+$0x20];
	v10 =	vadd.f32 v16, v34;
	v5 =	vadd.f32 v7, v5  }
0x12f: {  	s30 =	simm.s32 $0x106F0;
	v7 =	vld [tilespmem:s19+$0xFFFFFFC0]  }
0x130: {  	v2 =	vmul.f32 $3.333333430e-01, v2;
	[tilespmem:s30+$0xFFFFFFD0] =	vst v10;
	v10 =	vld [tilespmem:s9+$0xFFFFFFC0];
	v4 =	vadd.f32 v18, v4;
	v5 =	vadd.f32 v11, v5  }
0x131: {  	v38 =	vadd.f32 v21, v20;
	v11 =	vld [tilespmem:s9+$0xFFFFFF80]  }
0x132: {  	v37 =	vld [tilespmem:s19+$0xD0];
	v2 =	vadd.f32 v2, v13;
	v4 =	vadd.f32 v35, v4;
	v5 =	vmul.f32 $3.333333430e-01, v5  }
0x133: {  	v39 =	vld [tilespmem:s19+$0x110];
	v8 =	vadd.f32 v9, v8  }
0x134: {  	v41 =	vld [tilespmem:s19+$0x150];
	[tilespmem:s23+$0xFFFFFF30] =	vst v2;
	v7 =	vadd.f32 v7, v38;
	v4 =	vmul.f32 $3.333333430e-01, v4;
	v5 =	vadd.f32 v5, v14  }
0x135: {  	v42 =	vld [tilespmem:s14+$0xFFFFFEB0]  }
0x136: {  	v8 =	vadd.f32 v12, v8;
	v4 =	vadd.f32 v4, v11;
	[tilespmem:s23+$0xFFFFFF70] =	vst v5;
	v5 =	vmul.f32 $3.333333430e-01, v7;
	v7 =	vld [tilespmem:s14+$0xFFFFFEF0]  }
0x137: {  	v2 =	vadd.f32 v23, v22;
	v43 =	vld [tilespmem:s14+$0xFFFFFF70]  }
0x138: {  	v8 =	vmul.f32 $3.333333430e-01, v8;
	[tilespmem:s30+$0xFFFFFF10] =	vst v4;
	v4 =	vld [tilespmem:s9+$0x50]  }
0x139: {  	v2 =	vadd.f32 v36, v2;
	v11 =	vadd.f32 v39, v37;
	v52 =	vld [tilespmem:s14+$0xFFFFFFB0]  }
0x13a: {  	v8 =	vadd.f32 v8, v15;
	v5 =	vadd.f32 v5, v10;
	v10 =	vld [tilespmem:s19+$0xFFFFFE90]  }
0x13b: {  	v46 =	vld [tilespmem:s19+$0xFFFFFF10]  }
0x13c: {  	v2 =	vmul.f32 $3.333333430e-01, v2;
	v11 =	vadd.f32 v41, v11;
	v49 =	vld [tilespmem:s9+$0xFFFFFF90];
	[tilespmem:s23+$0xFFFFFFB0] =	vst v8  }
0x13d: {  	[tilespmem:s30+$0xFFFFFF50] =	vst v5;
	v5 =	vld [tilespmem:s19+$0xFFFFFED0]  }
0x13e: {  	v2 =	vadd.f32 v2, v40;
	v11 =	vmul.f32 $3.333333430e-01, v11;
	v53 =	vld [tilespmem:s14+$0x30]  }
0x13f: {  	v44 =	vld [tilespmem:s19+$0xFFFFFF50]  }
0x140: {  	[tilespmem:s30+$0xFFFFFF90] =	vst v2;
	v2 =	vld [tilespmem:s19+$0xFFFFFF90];
	v4 =	vadd.f32 v11, v4  }
0x141: {  	v45 =	vld [tilespmem:s19+$0x10]  }
0x142: {  	v47 =	vld [tilespmem:s19+$0xFFFFFFD0];
	[tilespmem:s30+$0xFFFFFFE0] =	vst v4  }
0x143: {  	v4 =	vld [tilespmem:s19+$0xE0]  }
0x144: {  	v9 =	vld [tilespmem:s19+$0x120];
	v5 =	vadd.f32 v5, v10  }
0x145: {  	v11 =	vld [tilespmem:s19+$0x50]  }
0x146: {  	v48 =	vld [tilespmem:s19+$0x160];
	v5 =	vadd.f32 v46, v5  }
0x147: {  	v50 =	vld [tilespmem:s9+$0xFFFFFFD0];
	v2 =	vadd.f32 v2, v44  }
0x148: {  	v10 =	vld [tilespmem:s19+$0x90];
	v5 =	vmul.f32 $3.333333430e-01, v5  }
0x149: {  	v51 =	vld [tilespmem:s9+$0x10];
	v2 =	vadd.f32 v47, v2;
	v4 =	vadd.f32 v9, v4  }
0x14a: {  	v9 =	vld [tilespmem:s9+$0x60];
	v5 =	vadd.f32 v5, v49  }
0x14b: {  	v8 =	vadd.f32 v11, v45;
	v11 =	vld [tilespmem:s14+$0x70];
	v2 =	vmul.f32 $3.333333430e-01, v2;
	v4 =	vadd.f32 v48, v4  }
0x14c: {  	v0 =	vadd.f32 v3, v0;
	[tilespmem:s30+$0xFFFFFF20] =	vst v5;
	v5 =	vld [tilespmem:s14+$0xFFFFFF30]  }
0x14d: {  	v8 =	vadd.f32 v10, v8;
	v2 =	vadd.f32 v2, v50;
	v4 =	vmul.f32 $3.333333430e-01, v4;
	v10 =	vld [tilespmem:s19+$0xFFFFFEE0]  }
0x14e: {  	v0 =	vadd.f32 v6, v0;
	v6 =	vld [tilespmem:s19+$0xFFFFFF20]  }
0x14f: {  	[tilespmem:s30+$0xFFFFFF60] =	vst v2;
	v60 =	vld [tilespmem:s9+$0xFFFFFFA0];
	v4 =	vadd.f32 v4, v9  }
0x150: {  	v54 =	vld [tilespmem:s19+$0xFFFFFF60]  }
0x151: {  	v9 =	vld [tilespmem:s19+$0xFFFFFEA0];
	[tilespmem:s30+$0xFFFFFFF0] =	vst v4;
	v4 =	vmul.f32 $3.333333430e-01, v8  }
0x152: {  	v8 =	vld [tilespmem:s19+$0xF0]  }
0x153: {  	v2 =	vld [tilespmem:s19+$0x130];
	v4 =	vadd.f32 v4, v51  }
0x154: {  	v55 =	vld [tilespmem:s19+$0x170]  }
0x155: {  	[tilespmem:s30+$0xFFFFFFA0] =	vst v4;
	v4 =	vld [tilespmem:s19+$0xFFFFFFA0]  }
0x156: {  	v3 =	vld [tilespmem:s19+$0x20]  }
0x157: {  	v0 =	vmul.f32 $3.333333430e-01, v0;
	v56 =	vld [tilespmem:s19+$0x60]  }
0x158: {  	v58 =	vld [tilespmem:s19+$0xFFFFFFE0];
	v2 =	vadd.f32 v2, v8  }
0x159: {  	v0 =	vadd.f32 v0, v1;
	v59 =	vld [tilespmem:s19+$0xA0]  }
0x15a: {  	v57 =	vld [tilespmem:s9+$0x70];
	v1 =	vadd.f32 v55, v2;
	v2 =	vadd.f32 v10, v9  }
0x15b: {  	v7 =	vadd.f32 v7, v42;
	v8 =	vld [tilespmem:s9+$0x20];
	v4 =	vadd.f32 v4, v54  }
0x15c: {  	v9 =	vld [tilespmem:s9+$0xFFFFFFE0];
	v3 =	vadd.f32 v56, v3;
	v2 =	vadd.f32 v6, v2  }
0x15d: {  	[tilespmem:s23+$0x0] =	vst v0;
	v0 =	vadd.f32 v52, v43;
	v1 =	vmul.f32 $3.333333430e-01, v1;
	v6 =	vld [tilespmem:s14+$0xFFFFFFF0];
	v4 =	vadd.f32 v58, v4  }
0x15e: {  	v10 =	vadd.f32 v5, v7;
	v7 =	vld [tilespmem:s14+$0xB0];
	v62 =	vmul.f32 $3.333333430e-01, v2;
	v63 =	vadd.f32 v59, v3  }
0x15f: {  	v5 =	vld [tilespmem:s13+$0xFFFFFFB0];
	v61 =	vadd.f32 v1, v57;
	v2 =	vadd.f32 v11, v53;
	v4 =	vmul.f32 $3.333333430e-01, v4  }
0x160: {  	v1 =	vmul.f32 $3.333333430e-01, v10;
	v3 =	vld [tilespmem:s13+$0xFFFFFFF0];
	v11 =	vadd.f32 v62, v60;
	v10 =	vmul.f32 $3.333333430e-01, v63  }
0x161: {  	s31 =	simm.s32 $0x4B80;
	s14 =	simm.s32 $0x4;
	[tilespmem:s30+$0x0] =	vst v61;
	v9 =	vadd.f32 v4, v9;
	v4 =	vld [tilespmem:s13+$0x30];
	s13 =	simm.s32 $0x580  }
.LBB2_17:
0x162: {  	v12 =	vld [tilespmem:s31+$0xC0];
	[tilespmem:s30+$0xFFFFFF30] =	vst v11;
	v8 =	vadd.f32 v10, v8;
	v0 =	vadd.f32 v6, v0  }
0x163: {  	v6 =	vld [tilespmem:s31+$0x100];
	[tilespmem:s30+$0xFFFFFF70] =	vst v9;
	v2 =	vadd.f32 v7, v2  }
0x164: {  	v7 =	vld [tilespmem:s31+$0xFFFFFEC0];
	[tilespmem:s30+$0xFFFFFFB0] =	vst v8;
	v1 =	vadd.f32 v1, v5;
	v0 =	vmul.f32 $3.333333430e-01, v0  }
0x165: {  	v5 =	vld [tilespmem:s31+$0x140];
	v2 =	vmul.f32 $3.333333430e-01, v2  }
0x166: {  	s14 =	sadd.s32 $0x4, s14;
	v8 =	vld [tilespmem:s31+$0xFFFFFF40];
	[tilespmem:s23+$0xFFFFFF40] =	vst v1;
	v0 =	vadd.f32 v0, v3  }
0x167: {  	p0 =	slt.u32 s14, $0x7C;
	v1 =	vld [tilespmem:s31+$0xFFFFFF80];
	v2 =	vadd.f32 v2, v4  }
0x168: {  	s9 =	sadd.s32 $0x100, s9;
	v3 =	vld [tilespmem:s31+$0x0];
	v4 =	vadd.f32 v6, v12;
	[tilespmem:s23+$0xFFFFFF80] =	vst v0  }
0x169: {  	v0 =	vld [tilespmem:s9+$0x40];
	[tilespmem:s23+$0xFFFFFFC0] =	vst v2;
	s23 =	smov.u32 s30  }
0x16a: {  	v2 =	vld [tilespmem:s31+$0x40];
	v4 =	vadd.f32 v5, v4  }
0x16b: {  	v5 =	vld [tilespmem:s31+$0xFFFFFE80]  }
0x16c: {  	v6 =	vld [tilespmem:s31+$0xFFFFFF00];
	v1 =	vadd.f32 v1, v8;
	v4 =	vmul.f32 $3.333333430e-01, v4  }
0x16d: {  	v8 =	vld [tilespmem:s31+$0xFFFFFFC0]  }
0x16e: {  	v9 =	vld [tilespmem:s31+$0x80];
	v0 =	vadd.f32 v4, v0  }
0x16f: {  	s30 =	sadd.s32 $0x100, s30;
	v4 =	vld [tilespmem:s9+$0xFFFFFF80];
	v2 =	vadd.f32 v2, v3  }
0x170: {  	v3 =	vadd.f32 v7, v5;
	v5 =	vld [tilespmem:s9+$0xFFFFFFC0];
	[tilespmem:s30+$0xFFFFFFD0] =	vst v0  }
0x171: {  	v0 =	vld [tilespmem:s31+$0xD0]  }
0x172: {  	v3 =	vadd.f32 v6, v3;
	v1 =	vadd.f32 v8, v1;
	v6 =	vld [tilespmem:s31+$0x110]  }
0x173: {  	v2 =	vadd.f32 v9, v2;
	v7 =	vld [tilespmem:s9+$0x0]  }
0x174: {  	v3 =	vmul.f32 $3.333333430e-01, v3;
	v1 =	vmul.f32 $3.333333430e-01, v1;
	v8 =	vld [tilespmem:s31+$0x150]  }
0x175: {  	v2 =	vmul.f32 $3.333333430e-01, v2;
	v9 =	vld [tilespmem:s19+$0xFFFFFEB0]  }
0x176: {  	v3 =	vadd.f32 v3, v4;
	v1 =	vadd.f32 v1, v5;
	v4 =	vld [tilespmem:s19+$0xFFFFFEF0]  }
0x177: {  	v0 =	vadd.f32 v6, v0;
	v5 =	vld [tilespmem:s19+$0xFFFFFF70]  }
0x178: {  	[tilespmem:s30+$0xFFFFFF10] =	vst v3;
	v2 =	vadd.f32 v2, v7;
	v3 =	vld [tilespmem:s9+$0x50]  }
0x179: {  	v6 =	vld [tilespmem:s31+$0xFFFFFE90];
	[tilespmem:s30+$0xFFFFFF50] =	vst v1;
	v0 =	vadd.f32 v8, v0  }
0x17a: {  	v1 =	vld [tilespmem:s31+$0xFFFFFED0];
	[tilespmem:s30+$0xFFFFFF90] =	vst v2  }
0x17b: {  	v2 =	vld [tilespmem:s31+$0xFFFFFF50];
	v0 =	vmul.f32 $3.333333430e-01, v0;
	v4 =	vadd.f32 v4, v9  }
0x17c: {  	v7 =	vld [tilespmem:s31+$0xFFFFFF90]  }
0x17d: {  	v8 =	vld [tilespmem:s31+$0x10];
	v0 =	vadd.f32 v0, v3  }
0x17e: {  	v3 =	vld [tilespmem:s31+$0x50]  }
0x17f: {  	v1 =	vadd.f32 v1, v6;
	v6 =	vld [tilespmem:s31+$0xFFFFFF10];
	[tilespmem:s30+$0xFFFFFFE0] =	vst v0  }
0x180: {  	v0 =	vld [tilespmem:s31+$0xE0]  }
0x181: {  	v2 =	vadd.f32 v7, v2;
	v7 =	vld [tilespmem:s31+$0x120]  }
0x182: {  	v9 =	vld [tilespmem:s31+$0xFFFFFFD0]  }
0x183: {  	v3 =	vadd.f32 v3, v8;
	v8 =	vld [tilespmem:s31+$0x160]  }
0x184: {  	v1 =	vadd.f32 v6, v1;
	v6 =	vld [tilespmem:s31+$0x90]  }
0x185: {  	v10 =	vld [tilespmem:s9+$0xFFFFFF90]  }
0x186: {  	v1 =	vmul.f32 $3.333333430e-01, v1;
	v11 =	vld [tilespmem:s9+$0xFFFFFFD0];
	v0 =	vadd.f32 v7, v0  }
0x187: {  	v2 =	vadd.f32 v9, v2;
	v7 =	vld [tilespmem:s9+$0x60]  }
0x188: {  	v9 =	vld [tilespmem:s9+$0x10];
	v0 =	vadd.f32 v8, v0  }
0x189: {  	v2 =	vmul.f32 $3.333333430e-01, v2;
	v3 =	vadd.f32 v6, v3;
	v6 =	vld [tilespmem:s19+$0xFFFFFFB0]  }
0x18a: {  	v1 =	vadd.f32 v1, v10;
	v0 =	vmul.f32 $3.333333430e-01, v0;
	v8 =	vld [tilespmem:s19+$0x30]  }
0x18b: {  	v2 =	vadd.f32 v2, v11;
	v3 =	vmul.f32 $3.333333430e-01, v3;
	v10 =	vld [tilespmem:s19+$0x70]  }
0x18c: {  	[tilespmem:s30+$0xFFFFFF20] =	vst v1;
	v0 =	vadd.f32 v0, v7;
	v1 =	vld [tilespmem:s19+$0xFFFFFF30]  }
0x18d: {  	v7 =	vld [tilespmem:s31+$0xFFFFFEA0];
	[tilespmem:s30+$0xFFFFFF60] =	vst v2;
	v2 =	vadd.f32 v3, v9  }
0x18e: {  	v3 =	vld [tilespmem:s31+$0xFFFFFEE0];
	[tilespmem:s30+$0xFFFFFFF0] =	vst v0;
	v0 =	vadd.f32 v6, v5  }
0x18f: {  	[tilespmem:s30+$0xFFFFFFA0] =	vst v2;
	v5 =	vld [tilespmem:s31+$0xF0]  }
0x190: {  	v6 =	vld [tilespmem:s31+$0x130];
	v2 =	vadd.f32 v10, v8  }
0x191: {  	v8 =	vld [tilespmem:s31+$0xFFFFFF60];
	v1 =	vadd.f32 v1, v4  }
0x192: {  	v4 =	vld [tilespmem:s31+$0x170]  }
0x193: {  	v3 =	vadd.f32 v3, v7;
	v7 =	vld [tilespmem:s31+$0xFFFFFFA0];
	v1 =	vmul.f32 $3.333333430e-01, v1  }
0x194: {  	v9 =	vld [tilespmem:s31+$0x20]  }
0x195: {  	v10 =	vld [tilespmem:s31+$0x60];
	v5 =	vadd.f32 v6, v5  }
0x196: {  	v6 =	vld [tilespmem:s9+$0x70]  }
0x197: {  	v11 =	vld [tilespmem:s31+$0xFFFFFF20];
	v4 =	vadd.f32 v4, v5  }
0x198: {  	v5 =	vadd.f32 v7, v8;
	v7 =	vld [tilespmem:s31+$0xFFFFFFE0]  }
0x199: {  	v12 =	vld [tilespmem:s31+$0xA0];
	v4 =	vmul.f32 $3.333333430e-01, v4  }
0x19a: {  	v13 =	vld [tilespmem:s9+$0xFFFFFFA0];
	v9 =	vadd.f32 v10, v9  }
0x19b: {  	v14 =	vld [tilespmem:s9+$0xFFFFFFE0];
	v4 =	vadd.f32 v4, v6  }
0x19c: {  	v3 =	vadd.f32 v11, v3;
	v8 =	vld [tilespmem:s9+$0x20]  }
.Ltmp7:
0x19d: {  	v5 =	vadd.f32 v7, v5;
	[tilespmem:s30+$0x0] =	vst v4;
	v6 =	vld [tilespmem:s19+$0xFFFFFFF0];
	(pc) =	sbr.rel @p0 .LBB2_17-.Ltmp7, $4  }
0x19e: {  	v3 =	vmul.f32 $3.333333430e-01, v3;
	v4 =	vadd.f32 v12, v9;
	v7 =	vld [tilespmem:s19+$0xB0];
	s19 =	smov.u32 s31  }
0x19f: {  	v9 =	vmul.f32 $3.333333430e-01, v5;
	v5 =	vld [tilespmem:s13+$0xFFFFFFB0]  }
0x1a0: {  	v11 =	vadd.f32 v3, v13;
	v10 =	vmul.f32 $3.333333430e-01, v4;
	v3 =	vld [tilespmem:s13+$0xFFFFFFF0]  }
0x1a1: {  	s31 =	sadd.s32 $0x300, s31;
	v9 =	vadd.f32 v9, v14;
	v4 =	vld [tilespmem:s13+$0x30];
	s13 =	smov.u32 s9  }
0x1a2: {  	[tilespmem:s30+$0xFFFFFF30] =	vst v11  }
0x1a3: {  	v11 =	vld [tilespmem:s19+$0xFFFFFEB0]  }
0x1a4: {  	[tilespmem:s30+$0xFFFFFF70] =	vst v9;
	v9 =	vld [tilespmem:s19+$0xFFFFFEF0]  }
0x1a5: {  	v8 =	vadd.f32 v10, v8;
	v14 =	vld [tilespmem:s19+$0xFFFFFF30]  }
0x1a6: {  	v10 =	vld [tilespmem:s19+$0xFFFFFF70]  }
0x1a7: {  	[tilespmem:s30+$0xFFFFFFB0] =	vst v8;
	v8 =	vld [tilespmem:s19+$0xFFFFFFB0]  }
0x1a8: {  	v12 =	vld [tilespmem:s19+$0x30]  }
0x1a9: {  	v13 =	vld [tilespmem:s19+$0x70]  }
0x1aa: {  	v15 =	vld [tilespmem:s19+$0xFFFFFFF0]  }
0x1ab: {  	v16 =	vld [tilespmem:s19+$0xB0]  }
0x1ac: {  	v0 =	vadd.f32 v6, v0;
	v6 =	vadd.f32 v9, v11  }
0x1ad: {  	v2 =	vadd.f32 v7, v2;
	v7 =	vadd.f32 v8, v10;
	v8 =	vld [tilespmem:s13+$0xFFFFFFB0]  }
0x1ae: {  	v0 =	vmul.f32 $3.333333430e-01, v0;
	v10 =	vld [tilespmem:s13+$0xFFFFFFF0];
	v9 =	vadd.f32 v13, v12;
	v6 =	vadd.f32 v14, v6  }
0x1af: {  	v1 =	vadd.f32 v1, v5;
	v2 =	vmul.f32 $3.333333430e-01, v2;
	v5 =	vld [tilespmem:s13+$0x30];
	v7 =	vadd.f32 v15, v7  }
0x1b0: {  	v0 =	vadd.f32 v0, v3;
	v3 =	vmul.f32 $3.333333430e-01, v6;
	v6 =	vadd.f32 v16, v9  }
0x1b1: {  	s9 =	sadd.s32 s25, s28;
	[tilespmem:s23+$0xFFFFFF40] =	vst v1;
	v1 =	vadd.f32 v2, v4;
	v2 =	vmul.f32 $3.333333430e-01, v7  }
0x1b2: {  	s19 =	smul.u32 $0x2100, s9;
	[tilespmem:s23+$0xFFFFFF80] =	vst v0;
	v0 =	vadd.f32 v3, v8;
	v3 =	vmul.f32 $3.333333430e-01, v6  }
0x1b3: {  	[tilespmem:s23+$0xFFFFFFC0] =	vst v1;
	v1 =	vadd.f32 v2, v10  }
0x1b4: {  	s9 =	sadd.s32 s19, s22;
	[tilespmem:s30+$0xFFFFFF40] =	vst v0;
	v0 =	vadd.f32 v3, v5  }
0x1b5: {  	s9 =	sshrl.u32 s9, $0x3;
	[tilespmem:s30+$0xFFFFFF80] =	vst v1  }
0x1b6: {  	s9 =	sadd.s32 s3, s9;
	s23 =	simm.s32 $0x10400;
	[tilespmem:s30+$0xFFFFFFC0] =	vst v0  }
0x1b7: {  	[hbm4b:s9+s7] =	stream.linear.scatter [tilespmem:s23], [sflag:$0x5], $0x2100, $0x38;
	[tilespmem:$0x17F40] =	vst v63  }
0x1b8: {  	_ =	swait.ge [sflag:s20], $0x2000  }
0x1b9: {  	[sflag:s20] =	ssyncset.done $0x0  }
0x1ba: {  	[sflag:s20] =	ssyncadd.s32 $0xFFFFE000  }
0x1bb: {  	_ =	swait.ge [sflag:s20], $0x2000  }
0x1bc: {  	[sflag:s20] =	ssyncset.done $0x0  }
0x1bd: {  	[sflag:s20] =	ssyncadd.s32 $0xFFFFE000  }
0x1be: {  	_ =	swait.ge [sflag:s20], $0x2000  }
0x1bf: {  	[sflag:s20] =	ssyncset.done $0x0  }
0x1c0: {  	[sflag:s20] =	ssyncadd.s32 $0xFFFFE000  }
0x1c1: {  	_ =	swait.ge [sflag:s20], $0x2000  }
0x1c2: {  	[sflag:s20] =	ssyncset.done $0x0  }
0x1c3: {  	[sflag:s20] =	ssyncadd.s32 $0xFFFFE000  }
0x1c4: {  	_ =	swait.ge [sflag:s26], $0x80  }
0x1c5: {  	[sflag:s26] =	ssyncset.done $0x0  }
0x1c6: {  	[sflag:s26] =	ssyncadd.s32 $0xFFFFFF80  }
0x1c7: {  	_ =	swait.ge [sflag:s26], $0x180  }
0x1c8: {  	s23 =	sadd.s32 $0x3, s25;
	[sflag:s26] =	ssyncset.done $0x0  }
0x1c9: {  	s9 =	sand.u32 $0x3F, s23;
	[sflag:s26] =	ssyncadd.s32 $0xFFFFFE80  }
0x1ca: {  	[tilespmem:s17], [sflag:$0x3] =	stream.indirect.gather [spmem:s5], $0x40, s7, s4, $0xb8;
	[tilespmem:$0x17F40] =	vst v63  }
0x1cb: {  	s14 =	simm.s32 $0x4400;
	s9 =	sor.u32 s12, s9  }
0x1cc: {  	[tilespmem:s14], [sflag:$0x3] =	stream.indirect.gather [spmem:s6], $0x40, s0, s4, $0xb8;
	[tilespmem:$0x17F40] =	vst v63  }
0x1cd: {  	s25 =	simm.s32 $0x180;
	s9 =	ssub.s32 s9, s15;
	s14 =	simm.s32 $0x6400  }
0x1ce: {  	[tilespmem:s14], [sflag:$0x3] =	stream.indirect.gather [spmem:s6], $0x40, s25, s4, $0xb8;
	[tilespmem:$0x17F40] =	vst v63  }
0x1cf: {  	s23 =	simm.s32 $0x8400;
	s25 =	sshll.u32 s9, $0x7  }
0x1d0: {  	s14 =	simm.s32 $0x200;
	s9 =	smul.u32 $0x180, s9;
	s13 =	sadd.s32 s10, s25  }
0x1d1: {  	[tilespmem:s23], [sflag:$0x3] =	stream.indirect.gather [spmem:s6], $0x40, s14, s4, $0xb8;
	[tilespmem:$0x17F40] =	vst v63  }
0x1d2: {  	s13 =	sshrl.u32 s13, $0x3;
	s9 =	sadd.s32 s16, s9  }
0x1d3: {  	s13 =	sadd.s32 s1, s13;
	s9 =	sshrl.u32 s9, $0x3  }
0x1d4: {  	[tilespmem:s4], [sflag:$0x2] =	stream.linear.gather [hbm4b:s13+s7], $0x80, $0x38;
	[tilespmem:$0x17F40] =	vst v63  }
0x1d5: {  	s9 =	sadd.s32 s8, s9  }
0x1d6: {  	[tilespmem:s2], [sflag:$0x2] =	stream.linear.gather [hbm4b:s9+s7], $0x180, $0x38;
	[tilespmem:$0x17F40] =	vst v63  }
0x1d7: {  	_ =	swait.ge [sflag:s21], $0x2100  }
0x1d8: {  	[sflag:s21] =	ssyncset.done $0x0  }
0x1d9: {  	s14 =	simm.s32 $0xA6F0;
	[sflag:s21] =	ssyncadd.s32 $0xFFFFDF00  }
0x1da: {  	v0 =	vld [tilespmem:s14+$0xFFFFFF50]  }
0x1db: {  	v1 =	vld [tilespmem:s14+$0xFFFFFF90]  }
0x1dc: {  	v2 =	vld [tilespmem:s14+$0xFFFFFFD0]  }
0x1dd: {  	v3 =	vld [tilespmem:s14+$0xFFFFFD50]  }
0x1de: {  	v4 =	vld [tilespmem:s14+$0xFFFFFDD0]  }
0x1df: {  	v5 =	vld [tilespmem:s14+$0xFFFFFE90]  }
0x1e0: {  	v6 =	vld [tilespmem:s14+$0xFFFFFD10]  }
0x1e1: {  	v7 =	vld [tilespmem:s14+$0xFFFFFED0]  }
0x1e2: {  	s13 =	simm.s32 $0x24F0;
	v8 =	vld [tilespmem:s14+$0xFFFFFE50]  }
0x1e3: {  	v9 =	vld [tilespmem:s13+$0xFFFFFF10]  }
0x1e4: {  	s30 =	simm.s32 $0xA9F0;
	v10 =	vld [tilespmem:s14+$0xFFFFFF10]  }
0x1e5: {  	v33 =	vld [tilespmem:s30+$0xFFFFFF50]  }
0x1e6: {  	v17 =	vld [tilespmem:s30+$0xFFFFFF90]  }
0x1e7: {  	v18 =	vld [tilespmem:s30+$0xFFFFFD50];
	v0 =	vadd.f32 v1, v0  }
0x1e8: {  	v1 =	vld [tilespmem:s13+$0xFFFFFFD0]  }
0x1e9: {  	v19 =	vld [tilespmem:s30+$0xFFFFFFD0];
	v0 =	vadd.f32 v2, v0  }
0x1ea: {  	v2 =	vld [tilespmem:s14+$0xFFFFFE10]  }
0x1eb: {  	v20 =	vld [tilespmem:s30+$0xFFFFFDD0];
	v0 =	vmul.f32 $3.333333430e-01, v0  }
0x1ec: {  	v21 =	vld [tilespmem:s30+$0xFFFFFE10]  }
0x1ed: {  	v22 =	vld [tilespmem:s30+$0xFFFFFE90];
	v0 =	vadd.f32 v0, v1  }
0x1ee: {  	s23 =	simm.s32 $0x126F0;
	v1 =	vld [tilespmem:s14+$0xFFFFFD90]  }
0x1ef: {  	v2 =	vadd.f32 v2, v4;
	v4 =	vld [tilespmem:s13+$0xFFFFFF50];
	[tilespmem:s23+$0xFFFFFFD0] =	vst v0  }
0x1f0: {  	v0 =	vld [tilespmem:s14+$0xFFFFFF60]  }
0x1f1: {  	s9 =	simm.s32 $0x25F0;
	v3 =	vadd.f32 v3, v6;
	v6 =	vld [tilespmem:s14+$0xFFFFFFA0]  }
0x1f2: {  	v34 =	vld [tilespmem:s9+$0xFFFFFFD0];
	v2 =	vadd.f32 v8, v2  }
0x1f3: {  	v1 =	vadd.f32 v1, v3;
	v3 =	vld [tilespmem:s14+$0xFFFFFFE0]  }
0x1f4: {  	v23 =	vld [tilespmem:s30+$0xFFFFFED0];
	v2 =	vmul.f32 $3.333333430e-01, v2  }
0x1f5: {  	v35 =	vld [tilespmem:s30+$0xFFFFFD90];
	v1 =	vmul.f32 $3.333333430e-01, v1  }
0x1f6: {  	v36 =	vld [tilespmem:s30+$0xFFFFFF10];
	v2 =	vadd.f32 v2, v4;
	v0 =	vadd.f32 v6, v0  }
0x1f7: {  	v5 =	vadd.f32 v7, v5;
	v6 =	vld [tilespmem:s13+$0xFFFFFFE0];
	v1 =	vadd.f32 v1, v9  }
0x1f8: {  	[tilespmem:s23+$0xFFFFFF50] =	vst v2;
	v0 =	vadd.f32 v3, v0;
	v3 =	vld [tilespmem:s13+$0xFFFFFF90]  }
0x1f9: {  	[tilespmem:s23+$0xFFFFFF10] =	vst v1;
	v1 =	vadd.f32 v10, v5;
	v5 =	vld [tilespmem:s14+$0xFFFFFDE0]  }
0x1fa: {  	v4 =	vld [tilespmem:s14+$0xFFFFFD20];
	v0 =	vmul.f32 $3.333333430e-01, v0  }
0x1fb: {  	v2 =	vld [tilespmem:s14+$0xFFFFFD60]  }
0x1fc: {  	v9 =	vld [tilespmem:s13+$0xFFFFFF20];
	v1 =	vmul.f32 $3.333333430e-01, v1;
	v0 =	vadd.f32 v0, v6  }
0x1fd: {  	v6 =	vld [tilespmem:s14+$0xFFFFFE20]  }
0x1fe: {  	v1 =	vadd.f32 v1, v3;
	v3 =	vld [tilespmem:s14+$0xFFFFFDA0];
	[tilespmem:s23+$0xFFFFFFE0] =	vst v0  }
0x1ff: {  	v0 =	vld [tilespmem:s14+$0xFFFFFF70]  }
0x200: {  	[tilespmem:s23+$0xFFFFFF90] =	vst v1;
	v1 =	vld [tilespmem:s14+$0xFFFFFFB0]  }
0x201: {  	v8 =	vld [tilespmem:s14+$0xFFFFFFF0];
	v2 =	vadd.f32 v2, v4  }
0x202: {  	v4 =	vld [tilespmem:s14+$0xFFFFFE60]  }
0x203: {  	v7 =	vld [tilespmem:s14+$0xFFFFFEA0];
	v2 =	vadd.f32 v3, v2  }
0x204: {  	v10 =	vld [tilespmem:s14+$0xFFFFFEE0]  }
0x205: {  	v40 =	vld [tilespmem:s9+$0xFFFFFF90];
	v3 =	vadd.f32 v6, v5;
	v2 =	vmul.f32 $3.333333430e-01, v2  }
0x206: {  	v6 =	vld [tilespmem:s13+$0xFFFFFF60];
	v0 =	vadd.f32 v1, v0  }
0x207: {  	v5 =	vld [tilespmem:s14+$0xFFFFFF20];
	v3 =	vadd.f32 v4, v3;
	v2 =	vadd.f32 v2, v9  }
0x208: {  	v1 =	vld [tilespmem:s13+$0xFFFFFFF0]  }
0x209: {  	v4 =	vadd.f32 v10, v7;
	v7 =	vld [tilespmem:s13+$0xFFFFFFA0];
	v0 =	vadd.f32 v8, v0;
	v3 =	vmul.f32 $3.333333430e-01, v3;
	[tilespmem:s23+$0xFFFFFF20] =	vst v2  }
0x20a: {  	v2 =	vld [tilespmem:s14+$0xFFFFFD30]  }
0x20b: {  	v0 =	vmul.f32 $3.333333430e-01, v0;
	v3 =	vadd.f32 v3, v6;
	v10 =	vld [tilespmem:s14+$0xFFFFFDB0]  }
0x20c: {  	v30 =	vld [tilespmem:s13+$0xFFFFFF30]  }
0x20d: {  	v0 =	vadd.f32 v0, v1;
	v1 =	vadd.f32 v5, v4;
	v4 =	vld [tilespmem:s14+$0xFFFFFD70];
	[tilespmem:s23+$0xFFFFFF60] =	vst v3  }
0x20e: {  	v5 =	vld [tilespmem:s14+$0xFFFFFDF0]  }
0x20f: {  	v11 =	vld [tilespmem:s14+$0xFFFFFE70]  }
0x210: {  	v31 =	vld [tilespmem:s13+$0xFFFFFF70];
	[tilespmem:s23+$0xFFFFFFF0] =	vst v0  }
0x211: {  	v0 =	vld [tilespmem:s14+$0xFFFFFF80]  }
0x212: {  	v1 =	vmul.f32 $3.333333430e-01, v1;
	v3 =	vld [tilespmem:s14+$0xFFFFFFC0]  }
0x213: {  	v6 =	vld [tilespmem:s14+$0x0]  }
0x214: {  	v16 =	vadd.f32 v17, v33;
	v1 =	vadd.f32 v1, v7;
	v7 =	vld [tilespmem:s14+$0xFFFFFE30]  }
0x215: {  	v2 =	vadd.f32 v4, v2;
	v4 =	vld [tilespmem:s30+$0xFFFFFD10]  }
0x216: {  	v16 =	vadd.f32 v19, v16;
	[tilespmem:s23+$0xFFFFFFA0] =	vst v1;
	v1 =	vld [tilespmem:s13+$0x0]  }
0x217: {  	v8 =	vld [tilespmem:s14+$0xFFFFFEB0]  }
0x218: {  	v16 =	vmul.f32 $3.333333430e-01, v16;
	v9 =	vld [tilespmem:s14+$0xFFFFFEF0]  }
0x219: {  	v29 =	vld [tilespmem:s14+$0xFFFFFF30];
	v2 =	vadd.f32 v10, v2  }
0x21a: {  	v32 =	vld [tilespmem:s13+$0xFFFFFFB0];
	v10 =	vadd.f32 v16, v34;
	v5 =	vadd.f32 v7, v5  }
0x21b: {  	s25 =	simm.s32 $0x127F0;
	v7 =	vld [tilespmem:s30+$0xFFFFFE50]  }
0x21c: {  	v2 =	vmul.f32 $3.333333430e-01, v2;
	[tilespmem:s25+$0xFFFFFFD0] =	vst v10;
	v10 =	vld [tilespmem:s9+$0xFFFFFF50];
	v4 =	vadd.f32 v18, v4;
	v5 =	vadd.f32 v11, v5  }
0x21d: {  	v38 =	vadd.f32 v21, v20;
	v11 =	vld [tilespmem:s9+$0xFFFFFF10]  }
0x21e: {  	v37 =	vld [tilespmem:s30+$0xFFFFFF60];
	v2 =	vadd.f32 v2, v30;
	v4 =	vadd.f32 v35, v4;
	v5 =	vmul.f32 $3.333333430e-01, v5  }
0x21f: {  	v39 =	vld [tilespmem:s30+$0xFFFFFFA0];
	v8 =	vadd.f32 v9, v8  }
0x220: {  	v41 =	vld [tilespmem:s30+$0xFFFFFFE0];
	[tilespmem:s23+$0xFFFFFF30] =	vst v2;
	v7 =	vadd.f32 v7, v38;
	v4 =	vmul.f32 $3.333333430e-01, v4;
	v5 =	vadd.f32 v5, v31  }
0x221: {  	v42 =	vld [tilespmem:s14+$0xFFFFFD40]  }
0x222: {  	v8 =	vadd.f32 v29, v8;
	v4 =	vadd.f32 v4, v11;
	[tilespmem:s23+$0xFFFFFF70] =	vst v5;
	v5 =	vmul.f32 $3.333333430e-01, v7;
	v7 =	vld [tilespmem:s14+$0xFFFFFD80]  }
0x223: {  	v2 =	vadd.f32 v23, v22;
	v43 =	vld [tilespmem:s14+$0xFFFFFE00]  }
0x224: {  	v8 =	vmul.f32 $3.333333430e-01, v8;
	[tilespmem:s25+$0xFFFFFF10] =	vst v4;
	v4 =	vld [tilespmem:s9+$0xFFFFFFE0]  }
0x225: {  	v2 =	vadd.f32 v36, v2;
	v11 =	vadd.f32 v39, v37;
	v52 =	vld [tilespmem:s14+$0xFFFFFE40]  }
0x226: {  	v8 =	vadd.f32 v8, v32;
	v5 =	vadd.f32 v5, v10;
	v10 =	vld [tilespmem:s30+$0xFFFFFD20]  }
0x227: {  	v46 =	vld [tilespmem:s30+$0xFFFFFDA0]  }
0x228: {  	v2 =	vmul.f32 $3.333333430e-01, v2;
	v11 =	vadd.f32 v41, v11;
	v49 =	vld [tilespmem:s9+$0xFFFFFF20];
	[tilespmem:s23+$0xFFFFFFB0] =	vst v8  }
0x229: {  	[tilespmem:s25+$0xFFFFFF50] =	vst v5;
	v5 =	vld [tilespmem:s30+$0xFFFFFD60]  }
0x22a: {  	v2 =	vadd.f32 v2, v40;
	v11 =	vmul.f32 $3.333333430e-01, v11;
	v53 =	vld [tilespmem:s14+$0xFFFFFEC0]  }
0x22b: {  	v44 =	vld [tilespmem:s30+$0xFFFFFDE0]  }
0x22c: {  	[tilespmem:s25+$0xFFFFFF90] =	vst v2;
	v2 =	vld [tilespmem:s30+$0xFFFFFE20];
	v4 =	vadd.f32 v11, v4  }
0x22d: {  	v45 =	vld [tilespmem:s30+$0xFFFFFEA0]  }
0x22e: {  	v47 =	vld [tilespmem:s30+$0xFFFFFE60];
	[tilespmem:s25+$0xFFFFFFE0] =	vst v4  }
0x22f: {  	v4 =	vld [tilespmem:s30+$0xFFFFFF70]  }
0x230: {  	v9 =	vld [tilespmem:s30+$0xFFFFFFB0];
	v5 =	vadd.f32 v5, v10  }
0x231: {  	v11 =	vld [tilespmem:s30+$0xFFFFFEE0]  }
0x232: {  	v48 =	vld [tilespmem:s30+$0xFFFFFFF0];
	v5 =	vadd.f32 v46, v5  }
0x233: {  	v50 =	vld [tilespmem:s9+$0xFFFFFF60];
	v2 =	vadd.f32 v2, v44  }
0x234: {  	v10 =	vld [tilespmem:s30+$0xFFFFFF20];
	v5 =	vmul.f32 $3.333333430e-01, v5  }
0x235: {  	v51 =	vld [tilespmem:s9+$0xFFFFFFA0];
	v2 =	vadd.f32 v47, v2;
	v4 =	vadd.f32 v9, v4  }
0x236: {  	v9 =	vld [tilespmem:s9+$0xFFFFFFF0];
	v5 =	vadd.f32 v5, v49  }
0x237: {  	v8 =	vadd.f32 v11, v45;
	v11 =	vld [tilespmem:s14+$0xFFFFFF00];
	v2 =	vmul.f32 $3.333333430e-01, v2;
	v4 =	vadd.f32 v48, v4  }
0x238: {  	v0 =	vadd.f32 v3, v0;
	[tilespmem:s25+$0xFFFFFF20] =	vst v5;
	v5 =	vld [tilespmem:s14+$0xFFFFFDC0]  }
0x239: {  	v8 =	vadd.f32 v10, v8;
	v2 =	vadd.f32 v2, v50;
	v4 =	vmul.f32 $3.333333430e-01, v4;
	v10 =	vld [tilespmem:s30+$0xFFFFFD70]  }
0x23a: {  	v0 =	vadd.f32 v6, v0;
	v6 =	vld [tilespmem:s30+$0xFFFFFDB0]  }
0x23b: {  	[tilespmem:s25+$0xFFFFFF60] =	vst v2;
	v60 =	vld [tilespmem:s9+$0xFFFFFF30];
	v4 =	vadd.f32 v4, v9  }
0x23c: {  	v54 =	vld [tilespmem:s30+$0xFFFFFDF0]  }
0x23d: {  	v9 =	vld [tilespmem:s30+$0xFFFFFD30];
	[tilespmem:s25+$0xFFFFFFF0] =	vst v4;
	v4 =	vmul.f32 $3.333333430e-01, v8  }
0x23e: {  	v8 =	vld [tilespmem:s30+$0xFFFFFF80]  }
0x23f: {  	v2 =	vld [tilespmem:s30+$0xFFFFFFC0];
	v4 =	vadd.f32 v4, v51  }
0x240: {  	v55 =	vld [tilespmem:s30+$0x0]  }
0x241: {  	[tilespmem:s25+$0xFFFFFFA0] =	vst v4;
	v4 =	vld [tilespmem:s30+$0xFFFFFE30]  }
0x242: {  	v3 =	vld [tilespmem:s30+$0xFFFFFEB0]  }
0x243: {  	v0 =	vmul.f32 $3.333333430e-01, v0;
	v56 =	vld [tilespmem:s30+$0xFFFFFEF0]  }
0x244: {  	v58 =	vld [tilespmem:s30+$0xFFFFFE70];
	v2 =	vadd.f32 v2, v8  }
0x245: {  	v0 =	vadd.f32 v0, v1;
	v59 =	vld [tilespmem:s30+$0xFFFFFF30]  }
0x246: {  	v57 =	vld [tilespmem:s9+$0x0];
	v1 =	vadd.f32 v55, v2;
	v2 =	vadd.f32 v10, v9  }
0x247: {  	v7 =	vadd.f32 v7, v42;
	v8 =	vld [tilespmem:s9+$0xFFFFFFB0];
	v4 =	vadd.f32 v4, v54  }
0x248: {  	v9 =	vld [tilespmem:s9+$0xFFFFFF70];
	v3 =	vadd.f32 v56, v3;
	v2 =	vadd.f32 v6, v2  }
0x249: {  	[tilespmem:s23+$0x0] =	vst v0;
	v0 =	vadd.f32 v52, v43;
	v1 =	vmul.f32 $3.333333430e-01, v1;
	v6 =	vld [tilespmem:s14+$0xFFFFFE80];
	v4 =	vadd.f32 v58, v4  }
0x24a: {  	v10 =	vadd.f32 v5, v7;
	v7 =	vld [tilespmem:s14+$0xFFFFFF40];
	v62 =	vmul.f32 $3.333333430e-01, v2;
	v63 =	vadd.f32 v59, v3  }
0x24b: {  	v5 =	vld [tilespmem:s13+$0xFFFFFF40];
	v61 =	vadd.f32 v1, v57;
	v2 =	vadd.f32 v11, v53;
	v4 =	vmul.f32 $3.333333430e-01, v4  }
0x24c: {  	v1 =	vmul.f32 $3.333333430e-01, v10;
	v3 =	vld [tilespmem:s13+$0xFFFFFF80];
	v11 =	vadd.f32 v62, v60;
	v10 =	vmul.f32 $3.333333430e-01, v63  }
0x24d: {  	s31 =	simm.s32 $0xACF0;
	s14 =	simm.s32 $0x4;
	[tilespmem:s25+$0x0] =	vst v61;
	v9 =	vadd.f32 v4, v9;
	v4 =	vld [tilespmem:s13+$0xFFFFFFC0];
	s13 =	simm.s32 $0x25F0  }
.LBB2_19:
0x24e: {  	v12 =	vld [tilespmem:s31+$0xFFFFFF50];
	[tilespmem:s25+$0xFFFFFF30] =	vst v11;
	v8 =	vadd.f32 v10, v8;
	v0 =	vadd.f32 v6, v0  }
0x24f: {  	v6 =	vld [tilespmem:s31+$0xFFFFFF90];
	[tilespmem:s25+$0xFFFFFF70] =	vst v9;
	v2 =	vadd.f32 v7, v2  }
0x250: {  	v7 =	vld [tilespmem:s31+$0xFFFFFD50];
	[tilespmem:s25+$0xFFFFFFB0] =	vst v8;
	v1 =	vadd.f32 v1, v5;
	v0 =	vmul.f32 $3.333333430e-01, v0  }
0x251: {  	v5 =	vld [tilespmem:s31+$0xFFFFFFD0];
	v2 =	vmul.f32 $3.333333430e-01, v2  }
0x252: {  	s14 =	sadd.s32 $0x4, s14;
	v8 =	vld [tilespmem:s31+$0xFFFFFDD0];
	[tilespmem:s23+$0xFFFFFF40] =	vst v1;
	v0 =	vadd.f32 v0, v3  }
0x253: {  	p0 =	slt.u32 s14, $0x7C;
	v1 =	vld [tilespmem:s31+$0xFFFFFE10];
	v2 =	vadd.f32 v2, v4  }
0x254: {  	s9 =	sadd.s32 $0x100, s9;
	v3 =	vld [tilespmem:s31+$0xFFFFFE90];
	v4 =	vadd.f32 v6, v12;
	[tilespmem:s23+$0xFFFFFF80] =	vst v0  }
0x255: {  	v0 =	vld [tilespmem:s9+$0xFFFFFFD0];
	[tilespmem:s23+$0xFFFFFFC0] =	vst v2;
	s23 =	smov.u32 s25  }
0x256: {  	v2 =	vld [tilespmem:s31+$0xFFFFFED0];
	v4 =	vadd.f32 v5, v4  }
0x257: {  	v5 =	vld [tilespmem:s31+$0xFFFFFD10]  }
0x258: {  	v6 =	vld [tilespmem:s31+$0xFFFFFD90];
	v1 =	vadd.f32 v1, v8;
	v4 =	vmul.f32 $3.333333430e-01, v4  }
0x259: {  	v8 =	vld [tilespmem:s31+$0xFFFFFE50]  }
0x25a: {  	v9 =	vld [tilespmem:s31+$0xFFFFFF10];
	v0 =	vadd.f32 v4, v0  }
0x25b: {  	s25 =	sadd.s32 $0x100, s25;
	v4 =	vld [tilespmem:s9+$0xFFFFFF10];
	v2 =	vadd.f32 v2, v3  }
0x25c: {  	v3 =	vadd.f32 v7, v5;
	v5 =	vld [tilespmem:s9+$0xFFFFFF50];
	[tilespmem:s25+$0xFFFFFFD0] =	vst v0  }
0x25d: {  	v0 =	vld [tilespmem:s31+$0xFFFFFF60]  }
0x25e: {  	v3 =	vadd.f32 v6, v3;
	v1 =	vadd.f32 v8, v1;
	v6 =	vld [tilespmem:s31+$0xFFFFFFA0]  }
0x25f: {  	v2 =	vadd.f32 v9, v2;
	v7 =	vld [tilespmem:s9+$0xFFFFFF90]  }
0x260: {  	v3 =	vmul.f32 $3.333333430e-01, v3;
	v1 =	vmul.f32 $3.333333430e-01, v1;
	v8 =	vld [tilespmem:s31+$0xFFFFFFE0]  }
0x261: {  	v2 =	vmul.f32 $3.333333430e-01, v2;
	v9 =	vld [tilespmem:s30+$0xFFFFFD40]  }
0x262: {  	v3 =	vadd.f32 v3, v4;
	v1 =	vadd.f32 v1, v5;
	v4 =	vld [tilespmem:s30+$0xFFFFFD80]  }
0x263: {  	v0 =	vadd.f32 v6, v0;
	v5 =	vld [tilespmem:s30+$0xFFFFFE00]  }
0x264: {  	[tilespmem:s25+$0xFFFFFF10] =	vst v3;
	v2 =	vadd.f32 v2, v7;
	v3 =	vld [tilespmem:s9+$0xFFFFFFE0]  }
0x265: {  	v6 =	vld [tilespmem:s31+$0xFFFFFD20];
	[tilespmem:s25+$0xFFFFFF50] =	vst v1;
	v0 =	vadd.f32 v8, v0  }
0x266: {  	v1 =	vld [tilespmem:s31+$0xFFFFFD60];
	[tilespmem:s25+$0xFFFFFF90] =	vst v2  }
0x267: {  	v2 =	vld [tilespmem:s31+$0xFFFFFDE0];
	v0 =	vmul.f32 $3.333333430e-01, v0;
	v4 =	vadd.f32 v4, v9  }
0x268: {  	v7 =	vld [tilespmem:s31+$0xFFFFFE20]  }
0x269: {  	v8 =	vld [tilespmem:s31+$0xFFFFFEA0];
	v0 =	vadd.f32 v0, v3  }
0x26a: {  	v3 =	vld [tilespmem:s31+$0xFFFFFEE0]  }
0x26b: {  	v1 =	vadd.f32 v1, v6;
	v6 =	vld [tilespmem:s31+$0xFFFFFDA0];
	[tilespmem:s25+$0xFFFFFFE0] =	vst v0  }
0x26c: {  	v0 =	vld [tilespmem:s31+$0xFFFFFF70]  }
0x26d: {  	v2 =	vadd.f32 v7, v2;
	v7 =	vld [tilespmem:s31+$0xFFFFFFB0]  }
0x26e: {  	v9 =	vld [tilespmem:s31+$0xFFFFFE60]  }
0x26f: {  	v3 =	vadd.f32 v3, v8;
	v8 =	vld [tilespmem:s31+$0xFFFFFFF0]  }
0x270: {  	v1 =	vadd.f32 v6, v1;
	v6 =	vld [tilespmem:s31+$0xFFFFFF20]  }
0x271: {  	v10 =	vld [tilespmem:s9+$0xFFFFFF20]  }
0x272: {  	v1 =	vmul.f32 $3.333333430e-01, v1;
	v11 =	vld [tilespmem:s9+$0xFFFFFF60];
	v0 =	vadd.f32 v7, v0  }
0x273: {  	v2 =	vadd.f32 v9, v2;
	v7 =	vld [tilespmem:s9+$0xFFFFFFF0]  }
0x274: {  	v9 =	vld [tilespmem:s9+$0xFFFFFFA0];
	v0 =	vadd.f32 v8, v0  }
0x275: {  	v2 =	vmul.f32 $3.333333430e-01, v2;
	v3 =	vadd.f32 v6, v3;
	v6 =	vld [tilespmem:s30+$0xFFFFFE40]  }
0x276: {  	v1 =	vadd.f32 v1, v10;
	v0 =	vmul.f32 $3.333333430e-01, v0;
	v8 =	vld [tilespmem:s30+$0xFFFFFEC0]  }
0x277: {  	v2 =	vadd.f32 v2, v11;
	v3 =	vmul.f32 $3.333333430e-01, v3;
	v10 =	vld [tilespmem:s30+$0xFFFFFF00]  }
0x278: {  	[tilespmem:s25+$0xFFFFFF20] =	vst v1;
	v0 =	vadd.f32 v0, v7;
	v1 =	vld [tilespmem:s30+$0xFFFFFDC0]  }
0x279: {  	v7 =	vld [tilespmem:s31+$0xFFFFFD30];
	[tilespmem:s25+$0xFFFFFF60] =	vst v2;
	v2 =	vadd.f32 v3, v9  }
0x27a: {  	v3 =	vld [tilespmem:s31+$0xFFFFFD70];
	[tilespmem:s25+$0xFFFFFFF0] =	vst v0;
	v0 =	vadd.f32 v6, v5  }
0x27b: {  	[tilespmem:s25+$0xFFFFFFA0] =	vst v2;
	v5 =	vld [tilespmem:s31+$0xFFFFFF80]  }
0x27c: {  	v6 =	vld [tilespmem:s31+$0xFFFFFFC0];
	v2 =	vadd.f32 v10, v8  }
0x27d: {  	v8 =	vld [tilespmem:s31+$0xFFFFFDF0];
	v1 =	vadd.f32 v1, v4  }
0x27e: {  	v4 =	vld [tilespmem:s31+$0x0]  }
0x27f: {  	v3 =	vadd.f32 v3, v7;
	v7 =	vld [tilespmem:s31+$0xFFFFFE30];
	v1 =	vmul.f32 $3.333333430e-01, v1  }
0x280: {  	v9 =	vld [tilespmem:s31+$0xFFFFFEB0]  }
0x281: {  	v10 =	vld [tilespmem:s31+$0xFFFFFEF0];
	v5 =	vadd.f32 v6, v5  }
0x282: {  	v6 =	vld [tilespmem:s9+$0x0]  }
0x283: {  	v11 =	vld [tilespmem:s31+$0xFFFFFDB0];
	v4 =	vadd.f32 v4, v5  }
0x284: {  	v5 =	vadd.f32 v7, v8;
	v7 =	vld [tilespmem:s31+$0xFFFFFE70]  }
0x285: {  	v12 =	vld [tilespmem:s31+$0xFFFFFF30];
	v4 =	vmul.f32 $3.333333430e-01, v4  }
0x286: {  	v13 =	vld [tilespmem:s9+$0xFFFFFF30];
	v9 =	vadd.f32 v10, v9  }
0x287: {  	v14 =	vld [tilespmem:s9+$0xFFFFFF70];
	v4 =	vadd.f32 v4, v6  }
0x288: {  	v3 =	vadd.f32 v11, v3;
	v8 =	vld [tilespmem:s9+$0xFFFFFFB0]  }
.Ltmp8:
0x289: {  	v5 =	vadd.f32 v7, v5;
	[tilespmem:s25+$0x0] =	vst v4;
	v6 =	vld [tilespmem:s30+$0xFFFFFE80];
	(pc) =	sbr.rel @p0 .LBB2_19-.Ltmp8, $4  }
0x28a: {  	v3 =	vmul.f32 $3.333333430e-01, v3;
	v4 =	vadd.f32 v12, v9;
	v7 =	vld [tilespmem:s30+$0xFFFFFF40];
	s30 =	smov.u32 s31  }
0x28b: {  	v9 =	vmul.f32 $3.333333430e-01, v5;
	v5 =	vld [tilespmem:s13+$0xFFFFFF40]  }
0x28c: {  	v11 =	vadd.f32 v3, v13;
	v10 =	vmul.f32 $3.333333430e-01, v4;
	v3 =	vld [tilespmem:s13+$0xFFFFFF80]  }
0x28d: {  	s31 =	sadd.s32 $0x300, s31;
	v9 =	vadd.f32 v9, v14;
	v4 =	vld [tilespmem:s13+$0xFFFFFFC0];
	s13 =	smov.u32 s9  }
0x28e: {  	[tilespmem:s25+$0xFFFFFF30] =	vst v11  }
0x28f: {  	v11 =	vld [tilespmem:s30+$0xFFFFFD40]  }
0x290: {  	v46 =	vld [tilespmem:s30+$0xFFFFFD80]  }
0x291: {  	v8 =	vadd.f32 v10, v8;
	[tilespmem:s25+$0xFFFFFF70] =	vst v9;
	v14 =	vld [tilespmem:s30+$0xFFFFFDC0]  }
0x292: {  	v47 =	vld [tilespmem:s30+$0xFFFFFE00]  }
0x293: {  	[tilespmem:s25+$0xFFFFFFB0] =	vst v8;
	v48 =	vld [tilespmem:s30+$0xFFFFFE40]  }
0x294: {  	v12 =	vld [tilespmem:s30+$0xFFFFFEC0]  }
0x295: {  	v13 =	vld [tilespmem:s30+$0xFFFFFF00]  }
0x296: {  	v15 =	vld [tilespmem:s30+$0xFFFFFE80]  }
0x297: {  	v16 =	vld [tilespmem:s30+$0xFFFFFF40]  }
0x298: {  	v0 =	vadd.f32 v6, v0;
	v49 =	vadd.f32 v46, v11  }
0x299: {  	v2 =	vadd.f32 v7, v2;
	v51 =	vld [tilespmem:s13+$0xFFFFFF40];
	v50 =	vadd.f32 v48, v47  }
0x29a: {  	v0 =	vmul.f32 $3.333333430e-01, v0;
	v53 =	vld [tilespmem:s13+$0xFFFFFF80];
	v52 =	vadd.f32 v13, v12;
	v6 =	vadd.f32 v14, v49  }
0x29b: {  	v1 =	vadd.f32 v1, v5;
	v2 =	vmul.f32 $3.333333430e-01, v2;
	v55 =	vld [tilespmem:s13+$0xFFFFFFC0];
	v54 =	vadd.f32 v15, v50  }
0x29c: {  	v0 =	vadd.f32 v0, v3;
	v56 =	vmul.f32 $3.333333430e-01, v6;
	v57 =	vadd.f32 v16, v52  }
0x29d: {  	s24 =	sadd.s32 $0x1, s24;
	[tilespmem:s23+$0xFFFFFF40] =	vst v1;
	v58 =	vadd.f32 v2, v4;
	v59 =	vmul.f32 $3.333333430e-01, v54  }
0x29e: {  	p0 =	sne.s32 s24, $0x20;
	[tilespmem:s23+$0xFFFFFF80] =	vst v0;
	v60 =	vadd.f32 v56, v51;
	v61 =	vmul.f32 $3.333333430e-01, v57  }
.Ltmp9:
0x29f: {  	s9 =	sadd.s32 s22, s19;
	[tilespmem:s23+$0xFFFFFFC0] =	vst v58;
	v62 =	vadd.f32 v59, v53;
	(pc) =	sbr.rel @p0 .LBB2_16-.Ltmp9, $4  }
0x2a0: {  	s9 =	sadd.s32 $0x2100, s9;
	[tilespmem:s25+$0xFFFFFF40] =	vst v60;
	v63 =	vadd.f32 v61, v55  }
0x2a1: {  	s9 =	sshrl.u32 s9, $0x3;
	[tilespmem:s25+$0xFFFFFF80] =	vst v62  }
0x2a2: {  	s31 =	simm.s32 $0x12500;
	s9 =	sadd.s32 s3, s9;
	[tilespmem:s25+$0xFFFFFFC0] =	vst v63  }
0x2a3: {  	[hbm4b:s9+s7] =	stream.linear.scatter [tilespmem:s31], [sflag:$0x6], $0x2100, $0x38;
	[tilespmem:$0x17F40] =	vst v63  }
0x2a4: {  	_ =	swait.ge [sflag:s11], $0x2000  }
0x2a5: {  	[sflag:s11] =	ssyncset.done $0x0  }
0x2a6: {  	[sflag:s11] =	ssyncadd.s32 $0xFFFFE000  }
0x2a7: {  	_ =	swait.ge [sflag:s11], $0x2000  }
0x2a8: {  	[sflag:s11] =	ssyncset.done $0x0  }
0x2a9: {  	[sflag:s11] =	ssyncadd.s32 $0xFFFFE000  }
0x2aa: {  	_ =	swait.ge [sflag:s11], $0x2000  }
0x2ab: {  	[sflag:s11] =	ssyncset.done $0x0  }
0x2ac: {  	[sflag:s11] =	ssyncadd.s32 $0xFFFFE000  }
0x2ad: {  	_ =	swait.ge [sflag:s11], $0x2000  }
0x2ae: {  	[sflag:s11] =	ssyncset.done $0x0  }
0x2af: {  	[sflag:s11] =	ssyncadd.s32 $0xFFFFE000  }
0x2b0: {  	_ =	swait.ge [sflag:s18], $0x80  }
0x2b1: {  	[sflag:s18] =	ssyncset.done $0x0  }
0x2b2: {  	[sflag:s18] =	ssyncadd.s32 $0xFFFFFF80  }
0x2b3: {  	_ =	swait.ge [sflag:s18], $0x180  }
0x2b4: {  	[sflag:s18] =	ssyncset.done $0x0  }
0x2b5: {  	[sflag:s18] =	ssyncadd.s32 $0xFFFFFE80  }
0x2b6: {  	_ =	swait.ge [sflag:s29], $0x2100  }
0x2b7: {  	[sflag:s29] =	ssyncset.done $0x0  }
0x2b8: {  	[sflag:s29] =	ssyncadd.s32 $0xFFFFDF00  }
0x2b9: {  	_ =	swait.ge [sflag:s21], $0x2100  }
0x2ba: {  	s23 =	rddreg [dreg:$0x13]  }
0x2bb: {  	s9 =	rddreg [dreg:$0x10];
	s23 =	sadd.s32 $0x1, s23  }
0x2bc: {  	p0 =	sne.s32 s23, s9  }
.Ltmp10:
0x2bd: {  	_ = 	snop;
	(pc) =	sbr.rel @p0 .LBB2_1-.Ltmp10, $4  }
.Ltmp11:
0x2be: {  	_ = 	snop;
	(pc) =	sbr.rel @!p0 .LBB2_22-.Ltmp11, $4  }
0x2bf: {  	_ = 	snop  }
0x2c0: {  	[sflag:s21] =	ssyncset.done $0x0  }
0x2c1: {  	[sflag:s21] =	ssyncadd.s32 $0xFFFFDF00  }
0x2c2: {  	_ = 	snop  }
.LBB2_4:
.Ltmp12:
0x2c3: {  	(pc) =	sbr.rel .LBB2_15-.Ltmp12, $2  }
0x2c4: {  	_ =	sdelay $0x2  }
0x2c5: {  	s13 =	simm.s32 $0x0  }
.LBB2_6:
.Ltmp13:
0x2c6: {  	(pc) =	sbr.rel .LBB2_15-.Ltmp13, $2  }
0x2c7: {  	_ =	sdelay $0x2  }
0x2c8: {  	s31 =	simm.s32 $0x0;
	s13 =	simm.s32 $0x40  }
.LBB2_8:
.Ltmp14:
0x2c9: {  	(pc) =	sbr.rel .LBB2_15-.Ltmp14, $2  }
0x2ca: {  	_ =	sdelay $0x2  }
0x2cb: {  	s19 =	simm.s32 $0x0;
	s31 =	simm.s32 $0x40;
	s13 =	simm.s32 $0x80  }
.LBB2_10:
.Ltmp15:
0x2cc: {  	_ = 	snop;
	(pc) =	sbr.rel .LBB2_15-.Ltmp15, $2  }
0x2cd: {  	_ =	sdelay $0x2  }
0x2ce: {  	s23 =	simm.s32 $0x0;
	v0 =	vmov v3;
	s19 =	simm.s32 $0x40;
	s31 =	simm.s32 $0x80;
	v2 =	vmov v1  }
.LBB2_12:
.Ltmp16:
0x2cf: {  	(pc) =	sbr.rel .LBB2_15-.Ltmp16, $3  }
0x2d0: {  	_ =	sdelay $0x1  }
0x2d1: {  	s23 =	simm.s32 $0x40;
	s19 =	simm.s32 $0x80  }
0x2d2: {  	s25 =	simm.s32 $0x0;
	s31 =	simm.s32 $0xC0;
	s13 =	simm.s32 $0x100  }
.LBB2_22:
0x2d3: {  	_ =	sfence.sel $0x180000  }
0x2d4: {  	[bflag:$0x0] =	sbarrier.arrive $0xFFFF  }
0x2d5: {  	_ =	strace $0x90000047  }
0x2d6: {  	s0 =	stileid.u32;
	[bflag:$0x2] =	sbarrier.arrive $0xFFFF  }
0x2d7: {  	p0 =	sne.s32 s0, $0x0;
	s0 =	rddreg [dreg:$0x6]  }
0x2d8: {  	s0 =	sadd.s32 @!p0 $0x100000, s0  }
0x2d9: {  	[sflag:s0] =	ssyncadd.tile.s32 @!p0 $0x1;
	_ =	shalt  }
.Lfunc_end2:
_tile_overlayer_lowered:
.L_overlay_start_2:
0x2da: {  	(tag) =	ssettag $0x2  }
0x2db: {  	s0 =	rddreg [dreg:$0x0];
	s2 =	stileid.u32  }
0x2dc: {  	s1 =	rddreg [dreg:$0x1];
	p0 =	sne.s32 s2, $0x0  }
0x2dd: {  	s3 =	rddreg [dreg:$0x2];
	[bflag:$0x3] =	sbarrier.arrive $0xFFFF;
	s2 =	simm.s32 @!p0 $0x1C07  }
0x2de: {  	[timem:s3], [sflag:s2] =	dma.local @!p0 [hbm:s0], s1  }
0x2df: {  	s0 =	simm.s32 @!p0 $0x7  }
0x2e0: {  	_ =	swait.ge @!p0 [sflag:s0], s1  }
0x2e1: {  	s1 =	ssub.s32 @!p0 $0x0, s1;
	[sflag:s0] =	ssyncset.done @!p0 $0x0  }
0x2e2: {  	[sflag:s0] =	ssyncadd.s32 @!p0 s1  }
0x2e3: {  	[bflag:$0x3] =	sbarrier.arrive $0xFFFF  }
0x2e4: {  	_ =	shalt  }

// kernel: sparse-core-data-format-call.cloned.1.call-start
scs
called_computation_lowered:
.L_overlay_start_0:
0x0: {  	s2 =	sld [smem:$0x3FD9]  }
0x1: {  	s3 =	sld [smem:$0x3FFE];
	_ =	sdelay $0x1  }
0x2: {  	s1 =	srdreg.scid  }
0x3: {  	s0 =	sand.u32 $0x1, s1  }
0x4: {  	s18 =	sshll.u32 s0, $0xA;
	s2 =	sadd.s32 s3, s2  }
0x5: {  	s2 =	sadd.s32 s2, s18  }
0x6: {  	[smem:$0x3FC3] =	sst s2  }
0x7: {  	_ = 	snop  }
0x8: {  	s2 =	sld [smem:$0x3FD0];
	(tm) =	ssettm $0x1  }
0x9: {  	s19 =	sld [smem:$0x3FFB];
	_ =	sdelay $0x3  }
0xa: {  	_ =	strace s19  }
0xb: {  	s3 =	sld [smem:$0x3FFC];
	_ =	sdelay $0x3  }
0xc: {  	_ =	strace s3  }
0xd: {  	s3 =	sld [smem:$0x3FFD];
	_ =	sdelay $0x3  }
0xe: {  	_ =	strace s3  }
0xf: {  	_ =	strace $0x8FFFFFFF  }
0x10: {  	s20 =	sld [smem:$0x3FDB];
	_ =	sdelay $0x1  }
0x11: {  	s4 =	simm.s32 $_scs_section_size  }
0x12: {  	s5 =	simm.s32 $_size__tile_overlayer_lowered;
	s6 =	simm.s32 $_tile_overlayer_lowered  }
0x13: {  	s23 =	simm.s32 $0x1BFF;
	s22 =	sshll.u32 s6, $0x1;
	s3 =	sadd.s32 s4, s20  }
0x14: {  	s7 =	simm.s32 $0x0;
	s21 =	sshll.u32 s5, $0x1;
	s5 =	sadd.s32 s22, s3  }
0x15: {  	[timem:s7], [sflag:s23] =	dma.local [hbm:s5], s21  }
0x16: {  	_ =	swait.ge [sflag:s23], s21  }
0x17: {  	s4 =	ssub.s32 $0x0, s21;
	[sflag:s23] =	ssyncset.done $0x0  }
0x18: {  	[sflag:s23] =	ssyncadd.s32 s4;
	_ =	sdelay $0x1  }
0x19: {  	s24 =	simm.s32 $0x1B8B  }
0x1a: {  	_ =	swait.ge [sflag:s24], $0x1  }
0x1b: {  	[sflag:s24] =	ssyncset.done $0x0  }
0x1c: {  	s26 =	simm.s32 $0x1B8E;
	s25 =	sld [smem:$0x3FFE];
	[sflag:s24] =	ssyncadd.s32 $0xFFFFFFFF  }
0x1d: {  	s27 =	simm.s32 $execute0_lowered;
	[smem:$0x3FD2] =	sst s26  }
0x1e: {  	s5 =	sshll.u32 s27, $0x1;
	_ =	strace $0x80000049;
	[dreg:$0x1] =	wrdreg $0xFFFFFFFF  }
0x1f: {  	s28 =	simm.s32 $_size_execute0_lowered;
	s3 =	sadd.s32 s3, s5;
	[dreg:$0x0] =	wrdreg $0x0  }
0x20: {  	s5 =	sshll.u32 s28, $0x1;
	[dreg:$0x2] =	wrdreg s3  }
0x21: {  	[dreg:$0x3] =	wrdreg s5  }
0x22: {  	[dreg:$0x4] =	wrdreg $0xC0  }
0x23: {  	_ =	task [dreg:s7], $0x5FFFF  }
0x24: {  	[dreg:$0x1] =	wrdreg $0xFFFFFFFF  }
0x25: {  	[dreg:$0x0] =	wrdreg $0x60  }
0x26: {  	[dreg:$0x2] =	wrdreg s25  }
0x27: {  	[dreg:$0x3] =	wrdreg s2  }
0x28: {  	[dreg:$0x4] =	wrdreg $0x9  }
0x29: {  	_ =	task.clear_ibuf [dreg:s7], $0x5FFFF;
	_ =	strace $0x90000049  }
0x2a: {  	s29 =	simm.s32 $0x9;
	_ =	strace $0x8000004B  }
0x2b: {  	_ =	swait.ge [sflag:s29], $0x1  }
0x2c: {  	[sflag:s29] =	ssyncadd.s32 $0xFFFFFFFF  }
0x2d: {  	_ =	strace $0x9000004B  }
0x2e: {  	_ =	sfence  }
0x2f: {  	s30 =	sld [smem:$0x0];
	_ =	sdelay $0x2  }
0x30: {  	s31 =	sshll.u32 s1, $0xD;
	s1 =	sshrl.u32 s1, $0x2  }
0x31: {  	s3 =	sand.u32 $0x4000, s31;
	s1 =	sadd.s32 s1, s30  }
0x32: {  	s0 =	sor.u32 s3, s0;
	s1 =	sshll.u32 s1, $0x11  }
0x33: {  	s0 =	sor.u32 s1, s0  }
0x34: {  	s0 =	sadd.s32 $0x8F2B, s0  }
0x35: {  	[sflag:s0] =	ssyncadd.remote.s32 $0x1  }
0x36: {  	_ =	sfence.sel $0xFFFF  }
0x37: {  	[dreg:$0x0] =	wrdreg $0xFFFFFFFF;
	(pc) =	sbr.abs _section_cstart, $3  }
0x38: {  	[dreg:$0x1] =	wrdreg $0xFFFFFFFF  }
0x39: {  	_ =	task.clear_ibuf [dreg:s7], $0x2FFFF;
	_ =	strace $0x9FFFFFFF  }
0x3a: {  	(tm) =	ssettm $0x7FFFFFFF  }
0x3b: {  	_ =	shalt  }
tec
execute0_lowered:
.L_overlay_start_1:
0x0: {  	(tag) =	ssettag $0x1  }
0x1: {  	s1 =	rddreg [dreg:$0x0]  }
0x2: {  	s0 =	srdreg.scid;
	s2 =	rddreg [dreg:$0x1];
	s7 =	simm.s32 $0x2  }
0x3: {  	s12 =	simm.s32 $0x0;
	p0 =	por $0x0, $0x0;
	s8 =	simm.s32 $0x800  }
0x4: {  	s13 =	simm.s32 $0x0;
	s14 =	simm.s32 $0x0;
	s10 =	simm.s32 $0x0  }
0x5: {  	s11 =	stileid.u32;
	s9 =	simm.s32 $0x0;
	s0 =	sshll.u32 s0, $0x7  }
.Ltmp0:
0x6: {  	s3 =	sand.u32 $0x80, s0;
	s0 =	rddreg [dreg:$0x2];
	(pc) =	sbr.rel .LBB1_1-.Ltmp0, $4  }
0x7: {  	_ =	strace $0x8000004A;
	s4 =	sshll.u32 s3, $0x4;
	s5 =	smax.u32 s3, $0x8  }
0x8: {  	s6 =	sadd.s32 s4, s1;
	s4 =	simm.s32 $0x1;
	s5 =	sshll.u32 s5, $0x6  }
0x9: {  	s1 =	stileid.u32;
	[sflag:s4] =	ssyncpa.u1 $0x0;
	s5 =	sxor.u32 $0x2200, s5  }
0xa: {  	s6 =	sadd.s32 $0x800, s6;
	[sflag:s7] =	ssyncpa.u1 $0x0;
	s7 =	simm.s32 $0x400  }
.LBB1_5:
0xb: {  	s15 =	sadd.s32 $0x1, s10  }
0xc: {  	s13 =	sadd.s32 $0x10, s11;
	s16 =	smov.u32 s11;
	p2 =	sgt.s32 s15, $0x83  }
0xd: {  	p1 =	slt.u32 s9, $0x2;
	s16 =	smov.u32 @p2 s13  }
0xe: {  	s9 =	sadd.s32 $0x1, s9;
	s15 =	simm.s32 @p2 $0x0;
	p2 =	sgt.s32 s16, $0xF  }
0xf: {  	s16 =	smov.u32 @p2 s1;
	p2 =	sne.s32 s9, $0x86  }
.Ltmp1:
0x10: {  	_ = 	snop;
	(pc) =	sbr.rel @!p2 .LBB1_6-.Ltmp1, $4  }
0x11: {  	s12 =	simm.s32 @!p1 $0x2  }
0x12: {  	s14 =	smov.u32 s11;
	p0 =	por !p0, !p0;
	_ =	swait.ge @!p1 [sflag:s12], $0x2000  }
0x13: {  	s13 =	smov.u32 s10;
	[sflag:s12] =	ssyncset.done @!p1 $0x0;
	s10 =	smov.u32 s15  }
0x14: {  	[sflag:s12] =	ssyncadd.s32 @!p1 $0xFFFFE000;
	s12 =	smov.u32 s3;
	s11 =	smov.u32 s16  }
.LBB1_1:
0x15: {  	p1 =	sgt.u32 s9, $0x83  }
0x16: {  	s15 =	smov.u32 s11;
	p2 =	sgt.s32 @!p1 s11, $0xF  }
0x17: {  	s16 =	sshra.s32 @!p1 s11, $0x1F;
	s17 =	sshra.s32 @!p1 s10, $0x1F;
	p2 =	por !p2, p1  }
0x18: {  	s16 =	sand.u32 @!p1 s16, s11;
	s15 =	simm.s32 @p2 $0xF;
	p2 =	sgt.s32 @!p1 s10, $0x83  }
0x19: {  	s15 =	ssub.s32 @!p1 s15, s16;
	p2 =	por !p2, p1;
	s16 =	smov.u32 s10  }
0x1a: {  	s17 =	sand.u32 @!p1 s17, s10;
	s18 =	sadd.s32 @!p1 $0xFFFFFFF1, s15;
	s16 =	simm.s32 @p2 $0x83  }
0x1b: {  	p2 =	sgt.s32 @!p1 s18, $0x0;
	s16 =	ssub.s32 @!p1 s16, s17  }
0x1c: {  	s15 =	ssub.s32 @!p1 $0x10, s15;
	p2 =	por !p2, p1;
	s17 =	sadd.s32 @!p1 $0xFFFFFF7D, s16  }
0x1d: {  	s15 =	simm.s32 @!p2 $0x0;
	p2 =	sgt.s32 @!p1 s17, $0x0;
	s17 =	smul.u32 @!p1 $0x46200, s11  }
0x1e: {  	s16 =	ssub.s32 @!p1 $0x84, s16;
	p2 =	por !p2, p1;
	s15 =	smul.u32 @!p1 s15, s5  }
0x1f: {  	s18 =	smul.u32 @!p1 $0x880, s10;
	s16 =	simm.s32 @!p2 $0x0  }
0x20: {  	s17 =	sadd.s32 @!p1 s17, s6;
	s15 =	smul.u32 @!p1 s16, s15;
	s16 =	sxor.u32 @!p1 $0xFFFFFFFF, s9  }
0x21: {  	s19 =	simm.s32 @!p1 $0x80;
	s17 =	sadd.s32 @!p1 s18, s17;
	s16 =	sshll.u32 @!p1 s16, $0xD  }
0x22: {  	s18 =	simm.s32 @!p1 $0x40;
	s16 =	sand.u32 @!p1 $0x2000, s16;
	s15 =	sand.u32 @!p1 $0x3FFFFE00, s15  }
0x23: {  	[tilespmem:s16], [sflag:$0x1] =	stream.strided.gather @!p1 [hbm4b:s17+s18], s15, s19, s18, $0x38;
	[tilespmem:$0x8080] =	vst v63  }
0x24: {  	p1 =	seq.s32 s9, $0x0  }
0x25: {  	p2 =	seq.s32 @!p1 s9, $0x85  }
0x26: {  	p1 =	por p1, p2  }
.Ltmp2:
0x27: {  	_ = 	snop;
	(pc) =	sbr.rel @p1 .LBB1_5-.Ltmp2, $1  }
0x28: {  	_ =	sdelay $0x3  }
0x29: {  	p1 =	sgt.s32 s14, $0xF  }
0x2a: {  	s15 =	smov.u32 s14;
	s16 =	sshra.s32 s14, $0x1F;
	s17 =	smov.u32 s13  }
0x2b: {  	s18 =	sshra.s32 s13, $0x1F;
	s19 =	smov.u32 s12;
	s15 =	simm.s32 @!p1 $0xF  }
0x2c: {  	s16 =	sand.u32 s16, s14;
	p1 =	sgt.s32 s13, $0x83;
	s23 =	sand.u32 s18, s13  }
0x2d: {  	s15 =	ssub.s32 s15, s16;
	s17 =	simm.s32 @!p1 $0x83;
	p1 =	sgt.s32 s12, $0x8  }
0x2e: {  	s16 =	sadd.s32 $0xFFFFFFF1, s15;
	s19 =	simm.s32 @!p1 $0x8;
	s15 =	ssub.s32 $0x10, s15  }
0x2f: {  	p1 =	sgt.s32 s16, $0x0;
	s16 =	ssub.s32 s17, s23;
	s24 =	sshll.u32 s19, $0x6  }
0x30: {  	s15 =	simm.s32 @p1 $0x0;
	s25 =	sadd.s32 $0xFFFFFF7D, s16;
	s17 =	ssub.s32 $0x2200, s24  }
0x31: {  	s16 =	ssub.s32 $0x84, s16;
	p1 =	sgt.s32 s25, $0x0;
	s15 =	smul.u32 s15, s17  }
0x32: {  	s16 =	simm.s32 @p1 $0x0  }
0x33: {  	s15 =	smul.u32 s16, s15;
	_ =	sdelay $0x1  }
0x34: {  	s16 =	simm.s32 $0x1;
	s15 =	sand.u32 $0x3FFFFFC0, s15  }
0x35: {  	s16 =	simm.s32 @!p0 $0x0;
	_ =	swait.ge [sflag:s4], s15  }
0x36: {  	s26 =	sshll.u32 s16, $0xD;
	s15 =	ssub.s32 $0x0, s15;
	[sflag:s4] =	ssyncset.done $0x0  }
0x37: {  	s27 =	sor.u32 $0x20, s26;
	[sflag:s4] =	ssyncadd.s32 s15  }
0x38: {  	s28 =	smul.u32 $0x8100, s16;
	v3 =	vld [tilespmem:s27+$0x10]  }
0x39: {  	s29 =	sand.u32 $0x1, s9;
	v2 =	vld [tilespmem:s27+$0xFFFFFFF0]  }
0x3a: {  	s30 =	smul.u32 $0x8100, s29;
	s15 =	sshrl.u32 s28, $0x2;
	v0 =	vld [tilespmem:s27+$0x0]  }
0x3b: {  	s16 =	sor.u32 $0x4000, s15;
	v1 =	vld [tilespmem:s27+$0xFFFFFFE0]  }
0x3c: {  	s31 =	sshrl.u32 s30, $0x2;
	s17 =	sadd.s32 $0x0, s16  }
0x3d: {  	s18 =	simm.s32 $0x4;
	s19 =	sadd.s32 $0x40, s27;
	s15 =	sor.u32 $0x4000, s31;
	[tilespmem:s17+$0x1830 ss:$0x81] =	vst.msk $0xffff, v3  }
.LBB1_3:
0x3e: {  	v3 =	vld [tilespmem:s19+$0x10];
	p1 =	sne.s32 s18, $0x1FC;
	[tilespmem:s17+$0x810 ss:$0x81] =	vst.msk $0xffff, v2;
	s20 =	smov.u32 s18;
	s18 =	sadd.s32 $0x4, s18  }
.Ltmp3:
0x3f: {  	v2 =	vld [tilespmem:s19+$0xFFFFFFF0];
	[tilespmem:s17+$0x1020 ss:$0x81] =	vst.msk $0xffff, v0;
	(pc) =	sbr.rel @p1 .LBB1_3-.Ltmp3, $4  }
0x40: {  	v0 =	vld [tilespmem:s19+$0x0];
	[tilespmem:s17+$0x0 ss:$0x81] =	vst.msk $0xffff, v1  }
0x41: {  	s17 =	sshra.s32 s20, $0x2;
	v1 =	vld [tilespmem:s19+$0xFFFFFFE0]  }
0x42: {  	s17 =	sadd.s32 s17, s16  }
0x43: {  	s19 =	sadd.s32 $0x40, s19;
	[tilespmem:s17+$0x1830 ss:$0x81] =	vst.msk $0xffff, v3  }
0x44: {  	s14 =	smul.u32 $0x42000, s14  }
.Ltmp4:
0x45: {  	_ = 	snop;
	(pc) =	sbr.rel .LBB1_5-.Ltmp4, $4  }
0x46: {  	[tilespmem:s17+$0x810 ss:$0x81] =	vst.msk $0xffff, v2;
	s13 =	sshll.u32 s13, $0xB;
	s14 =	sadd.s32 s2, s14  }
0x47: {  	[tilespmem:s17+$0x1020 ss:$0x81] =	vst.msk $0xffff, v0;
	s13 =	sadd.s32 s13, s14  }
0x48: {  	[tilespmem:s17+$0x0 ss:$0x81] =	vst.msk $0xffff, v1;
	s12 =	sadd.s32 s12, s13  }
0x49: {  	[hbm4b:s12+s7] =	stream.strided.scatter [tilespmem:s15], [sflag:$0x2], $0x2000, s8, s7, $0x20;
	[tilespmem:$0x8080] =	vst v63  }
.LBB1_6:
0x4a: {  	_ =	sfence.sel $0x180000  }
0x4b: {  	s2 =	simm.s32 $0x1;
	[bflag:$0x0] =	sbarrier.arrive $0xFFFF  }
0x4c: {  	s31 =	simm.s32 $0x2;
	[sflag:s2] =	ssyncpa.u1 $0x1  }
0x4d: {  	[sflag:s31] =	ssyncpa.u1 $0x1  }
0x4e: {  	p0 =	sne.s32 s1, $0x0;
	_ =	strace $0x9000004A  }
0x4f: {  	s0 =	sadd.s32 @!p0 $0x100000, s0;
	[bflag:$0x2] =	sbarrier.arrive $0xFFFF  }
0x50: {  	[sflag:s0] =	ssyncadd.tile.s32 @!p0 $0x1;
	_ =	shalt  }
.Lfunc_end1:
_tile_overlayer_lowered:
.L_overlay_start_2:
0x51: {  	(tag) =	ssettag $0x2  }
0x52: {  	s0 =	rddreg [dreg:$0x0];
	s2 =	stileid.u32  }
0x53: {  	s1 =	rddreg [dreg:$0x1];
	p0 =	sne.s32 s2, $0x0  }
0x54: {  	s3 =	rddreg [dreg:$0x2];
	[bflag:$0x3] =	sbarrier.arrive $0xFFFF;
	s2 =	simm.s32 @!p0 $0x1C01  }
0x55: {  	[timem:s3], [sflag:s2] =	dma.local @!p0 [hbm:s0], s1  }
0x56: {  	s0 =	simm.s32 @!p0 $0x1  }
0x57: {  	_ =	swait.ge @!p0 [sflag:s0], s1  }
0x58: {  	s1 =	ssub.s32 @!p0 $0x0, s1;
	[sflag:s0] =	ssyncset.done @!p0 $0x0  }
0x59: {  	[sflag:s0] =	ssyncadd.s32 @!p0 s1  }
0x5a: {  	[bflag:$0x3] =	sbarrier.arrive $0xFFFF  }
0x5b: {  	_ =	shalt  }

</sc_bundles>
